<compile_context>
chip_gen: v7x
topology: tpu7x:2x2x1
jax: 0.10.2.dev20260603
libtpu: 0.0.44.dev20260713+nightly
codegen_flags: <defaults>
</compile_context>

<pallas_src>
import functools
import jax
import jax.numpy as jnp
from jax import lax
from jax.experimental import pallas as pl
from jax.experimental.pallas import tpu as pltpu
from jax.experimental.pallas import tpu_sc as plsc

_B = 4
_T = 8192
_C = 1024
_K = 8

_NC = 2
_NS = 16
_NW = _NC * _NS
_CPW = _C // (_NW // _B)
_LG = _CPW // 16
_TC = 256
_NCHUNK = _T // _TC


_SORT8 = [(0, 1), (2, 3), (4, 5), (6, 7),
          (0, 2), (1, 3), (4, 6), (5, 7),
          (1, 2), (5, 6),
          (0, 4), (1, 5), (2, 6), (3, 7),
          (2, 4), (3, 5),
          (1, 2), (3, 4), (5, 6)]
_MERGE8 = [(0, 4), (1, 5), (2, 6), (3, 7),
           (0, 2), (1, 3), (4, 6), (5, 7),
           (0, 1), (2, 3), (4, 5), (6, 7)]


def _insert_chunk(buf, state):
    new_state = []
    for l in range(_LG):
        s = state[l]

        def batch_body(g, s):
            t = g * _K
            r = [buf[t + i, pl.ds(16 * l, 16)] for i in range(_K)]
            for (i, j) in _SORT8:
                r[i], r[j] = jnp.maximum(r[i], r[j]), jnp.minimum(r[i], r[j])
            s = [jnp.maximum(s[i], r[_K - 1 - i]) for i in range(_K)]
            for (i, j) in _MERGE8:
                s[i], s[j] = jnp.maximum(s[i], s[j]), jnp.minimum(s[i], s[j])
            return tuple(s)

        s = lax.fori_loop(0, _TC // _K, batch_body, s)
        new_state.append(s)
    return tuple(new_state)


def _sc_body(in_hbm, out_hbm, buf0, buf1, obuf, sem0, sem1):
    wid = lax.axis_index("s") * _NC + lax.axis_index("c")
    b = wid // (_NW // _B)
    c0 = (wid % (_NW // _B)) * _CPW

    bufs = (buf0, buf1)
    sems = (sem0, sem1)

    def dma(chunk, slot):
        t0 = jnp.minimum(chunk, _NCHUNK - 1) * _TC
        return pltpu.make_async_copy(
            in_hbm.at[b, pl.ds(t0, _TC), pl.ds(c0, _CPW)],
            bufs[slot], sems[slot])

    neg_inf = jnp.full((16,), -jnp.inf, dtype=jnp.float32)
    init = tuple(tuple(neg_inf for _ in range(_K)) for _ in range(_LG))

    dma(0, 0).start()
    dma(1, 1).start()

    @pl.loop(0, _NCHUNK, step=2, init_carry=init)
    def state(chunk, state):
        for slot in range(2):
            dma(chunk + slot, slot).wait()
            state = _insert_chunk(bufs[slot], state)
            dma(chunk + slot + 2, slot).start()
        return state

    dma(_NCHUNK, 0).wait()
    dma(_NCHUNK + 1, 1).wait()

    for l in range(_LG):
        for j in range(_K):
            obuf[j, pl.ds(16 * l, 16)] = state[l][j]

    pltpu.sync_copy(obuf, out_hbm.at[b, :, pl.ds(c0, _CPW)])


@jax.jit
def _kmax_sc(inputs):
    mesh = plsc.VectorSubcoreMesh(
        core_axis_name="c", subcore_axis_name="s",
        num_cores=_NC, num_subcores=_NS)
    kern = pl.kernel(
        _sc_body,
        out_type=jax.ShapeDtypeStruct((_B, _K, _C), jnp.float32),
        mesh=mesh,
        compiler_params=pltpu.CompilerParams(needs_layout_passes=False),
        scratch_types=[
            pltpu.VMEM((_TC, _CPW), jnp.float32),
            pltpu.VMEM((_TC, _CPW), jnp.float32),
            pltpu.VMEM((_K, _CPW), jnp.float32),
            pltpu.SemaphoreType.DMA,
            pltpu.SemaphoreType.DMA,
        ],
    )
    return kern(inputs)


def kernel(inputs):
    out = _kmax_sc(inputs)
    return out.transpose(0, 2, 1).reshape(_B, _C * _K)

# --- scband reference (transcript-rebuilt; emitter-appended) ---
"""Pipeline reference for scband-kmax-pooling-21698174779532 (READ-ONLY COPY).

The authoritative reference and input builder live on the scoring server;
editing this copy changes nothing except your own understanding.
"""

import jax, jax.numpy as jnp
import numpy as np

K = 8

def setup_inputs(seed: int = 0) -> dict:
    key = jax.random.key(seed)
    inputs = jax.random.normal(key, (4, 8192, 1024), dtype=jnp.float32)
    return {"inputs": inputs}

def reference(inputs):
    # KMaxPooling: transpose to [B, C, T], top-k over time axis (sorted), flatten
    shifted = jnp.transpose(inputs, (0, 2, 1))  # [B, C, T]
    top_k_vals, _ = jax.lax.top_k(shifted, K)   # [B, C, K], sorted descending
    out = top_k_vals.reshape(top_k_vals.shape[0], -1)  # [B, C*K]
    return out

if __name__ == "__main__":
    import jax
    _d = setup_inputs()
    print(jax.jit(kernel)(*tuple(_d.values())))

</pallas_src>

<mosaic_0001>
#map = affine_map<(d0, d1) -> (0, 0, 0)>
module attributes {stable_mosaic.version = 14 : i64} {
  func.func @_sc_body(%arg0: i32, %arg1: i32, %arg2: memref<4x8192x1024xf32, #tpu.memory_space<hbm>>, %arg3: memref<4x8x1024xf32, #tpu.memory_space<hbm>>, %arg4: memref<256x128xf32, #tpu.memory_space<vmem>>, %arg5: memref<256x128xf32, #tpu.memory_space<vmem>>, %arg6: memref<8x128xf32, #tpu.memory_space<vmem>>, %arg7: memref<!tpu.dma_semaphore, #tpu.memory_space<semaphore_mem>>, %arg8: memref<!tpu.dma_semaphore, #tpu.memory_space<semaphore_mem>>) attributes {dimension_semantics = [#tpu.dimension_semantics<core_parallel>, #tpu.dimension_semantics<subcore_parallel>], iteration_bounds = array<i64: 2, 16>, scalar_prefetch = 0 : i64, scratch_operands = 5 : i64, tpu.core_type = #tpu.core_type<sc_vector_subcore>, window_params = [{transform_indices = #map}, {transform_indices = #map}]} {
    %mul3A = arith.constant 2 : i32
    %mul3A_0 = arith.muli %arg1, %mul3A : i32
    %add3A = arith.addi %mul3A_0, %arg0 : i32
    %jit3A = arith.constant 8 : i32
    %div3A = arith.divsi %add3A, %jit3A : i32
    %sign3A = arith.constant 0 : i32
    %sign3A_1 = arith.cmpi sgt, %add3A, %sign3A : i32
    %sign3A_2 = arith.extui %sign3A_1 : i1 to i32
    %sign3A_3 = arith.constant 0 : i32
    %sign3A_4 = arith.cmpi slt, %add3A, %sign3A_3 : i32
    %sign3A_5 = arith.extui %sign3A_4 : i1 to i32
    %sign3A_6 = arith.subi %sign3A_2, %sign3A_5 : i32
    %sign3A_7 = arith.constant 0 : i32
    %sign3A_8 = arith.cmpi sgt, %jit3A, %sign3A_7 : i32
    %sign3A_9 = arith.extui %sign3A_8 : i1 to i32
    %sign3A_10 = arith.constant 0 : i32
    %sign3A_11 = arith.cmpi slt, %jit3A, %sign3A_10 : i32
    %sign3A_12 = arith.extui %sign3A_11 : i1 to i32
    %sign3A_13 = arith.subi %sign3A_9, %sign3A_12 : i32
    %ne3A = arith.cmpi ne, %sign3A_6, %sign3A_13 : i32
    %rem3A = arith.remsi %add3A, %jit3A : i32
    %ne3A_14 = arith.constant 0 : i32
    %ne3A_15 = arith.cmpi ne, %rem3A, %ne3A_14 : i32
    %and3A = arith.andi %ne3A, %ne3A_15 : i1
    %sub3A = arith.constant 1 : i32
    %sub3A_16 = arith.subi %div3A, %sub3A : i32
    %select_n3A = arith.select %and3A, %sub3A_16, %div3A : i32
    %jit3A_17 = arith.constant 8 : i32
    %eq3A = arith.constant 0 : i32
    %eq3A_18 = arith.cmpi eq, %jit3A_17, %eq3A : i32
    %jit3A_19 = arith.constant 1 : i32
    %select_n3A_20 = arith.select %eq3A_18, %jit3A_19, %jit3A_17 : i32
    %rem3A_21 = arith.remsi %add3A, %select_n3A_20 : i32
    %ne3A_22 = arith.constant 0 : i32
    %ne3A_23 = arith.cmpi ne, %rem3A_21, %ne3A_22 : i32
    %lt3A = arith.constant 0 : i32
    %lt3A_24 = arith.cmpi slt, %rem3A_21, %lt3A : i32
    %lt3A_25 = arith.constant 0 : i32
    %lt3A_26 = arith.cmpi slt, %select_n3A_20, %lt3A_25 : i32
    %ne3A_27 = arith.xori %lt3A_24, %lt3A_26 : i1
    %and3A_28 = arith.andi %ne3A_27, %ne3A_23 : i1
    %add3A_29 = arith.addi %rem3A_21, %select_n3A_20 : i32
    %select_n3A_30 = arith.select %and3A_28, %add3A_29, %rem3A_21 : i32
    %mul3A_31 = arith.constant 128 : i32
    %mul3A_32 = arith.muli %select_n3A_30, %mul3A_31 : i32
    %broadcast_in_dim3A = arith.constant 0xFF800000 : f32
    %broadcast_in_dim3A_33 = vector.broadcast %broadcast_in_dim3A : f32 to vector<16xf32>
    %min3A = arith.constant 0 : i32
    %min3A_34 = arith.constant 31 : i32
    %min3A_35 = arith.minsi %min3A, %min3A_34 : i32
    %mul3A_36 = arith.constant 256 : i32
    %mul3A_37 = arith.muli %min3A_35, %mul3A_36 : i32
    %dma_start3A = tpu.memref_slice %arg2[%select_n3A, %mul3A_37, %mul3A_32] : memref<4x8192x1024xf32, #tpu.memory_space<hbm>> -> memref<1x256x128xf32, #tpu.memory_space<hbm>>
    %dma_start3A_38 = tpu.memref_squeeze %dma_start3A : memref<1x256x128xf32, #tpu.memory_space<hbm>> -> memref<256x128xf32, #tpu.memory_space<hbm>>
    %dma_start3A_39 = tpu.memref_slice %arg2[%select_n3A, %mul3A_37, %mul3A_32] : memref<4x8192x1024xf32, #tpu.memory_space<hbm>> -> memref<1x256x128xf32, #tpu.memory_space<hbm>>
    %dma_start3A_40 = tpu.memref_squeeze %dma_start3A_39 : memref<1x256x128xf32, #tpu.memory_space<hbm>> -> memref<256x128xf32, #tpu.memory_space<hbm>>
    tpu.enqueue_dma source(%dma_start3A_40 : memref<256x128xf32, #tpu.memory_space<hbm>>) target(%arg4 : memref<256x128xf32, #tpu.memory_space<vmem>>) target_semaphore(%arg7 : memref<!tpu.dma_semaphore, #tpu.memory_space<semaphore_mem>>)
    %min3A_41 = arith.constant 1 : i32
    %min3A_42 = arith.constant 31 : i32
    %min3A_43 = arith.minsi %min3A_41, %min3A_42 : i32
    %mul3A_44 = arith.constant 256 : i32
    %mul3A_45 = arith.muli %min3A_43, %mul3A_44 : i32
    %dma_start3A_46 = tpu.memref_slice %arg2[%select_n3A, %mul3A_45, %mul3A_32] : memref<4x8192x1024xf32, #tpu.memory_space<hbm>> -> memref<1x256x128xf32, #tpu.memory_space<hbm>>
    %dma_start3A_47 = tpu.memref_squeeze %dma_start3A_46 : memref<1x256x128xf32, #tpu.memory_space<hbm>> -> memref<256x128xf32, #tpu.memory_space<hbm>>
    %dma_start3A_48 = tpu.memref_slice %arg2[%select_n3A, %mul3A_45, %mul3A_32] : memref<4x8192x1024xf32, #tpu.memory_space<hbm>> -> memref<1x256x128xf32, #tpu.memory_space<hbm>>
    %dma_start3A_49 = tpu.memref_squeeze %dma_start3A_48 : memref<1x256x128xf32, #tpu.memory_space<hbm>> -> memref<256x128xf32, #tpu.memory_space<hbm>>
    tpu.enqueue_dma source(%dma_start3A_49 : memref<256x128xf32, #tpu.memory_space<hbm>>) target(%arg5 : memref<256x128xf32, #tpu.memory_space<vmem>>) target_semaphore(%arg8 : memref<!tpu.dma_semaphore, #tpu.memory_space<semaphore_mem>>)
    %scan3A = arith.constant 0 : i32
    %scan3A_50 = arith.constant 16 : i32
    %scan3A_51 = arith.addi %scan3A, %scan3A_50 : i32
    %scan3A_52 = arith.constant 1 : i32
    %scan3A_53:64 = scf.for %scan3A_327 = %scan3A to %scan3A_51 step %scan3A_52 iter_args(%scan3A_328 = %broadcast_in_dim3A_33, %scan3A_329 = %broadcast_in_dim3A_33, %scan3A_330 = %broadcast_in_dim3A_33, %scan3A_331 = %broadcast_in_dim3A_33, %scan3A_332 = %broadcast_in_dim3A_33, %scan3A_333 = %broadcast_in_dim3A_33, %scan3A_334 = %broadcast_in_dim3A_33, %scan3A_335 = %broadcast_in_dim3A_33, %scan3A_336 = %broadcast_in_dim3A_33, %scan3A_337 = %broadcast_in_dim3A_33, %scan3A_338 = %broadcast_in_dim3A_33, %scan3A_339 = %broadcast_in_dim3A_33, %scan3A_340 = %broadcast_in_dim3A_33, %scan3A_341 = %broadcast_in_dim3A_33, %scan3A_342 = %broadcast_in_dim3A_33, %scan3A_343 = %broadcast_in_dim3A_33, %scan3A_344 = %broadcast_in_dim3A_33, %scan3A_345 = %broadcast_in_dim3A_33, %scan3A_346 = %broadcast_in_dim3A_33, %scan3A_347 = %broadcast_in_dim3A_33, %scan3A_348 = %broadcast_in_dim3A_33, %scan3A_349 = %broadcast_in_dim3A_33, %scan3A_350 = %broadcast_in_dim3A_33, %scan3A_351 = %broadcast_in_dim3A_33, %scan3A_352 = %broadcast_in_dim3A_33, %scan3A_353 = %broadcast_in_dim3A_33, %scan3A_354 = %broadcast_in_dim3A_33, %scan3A_355 = %broadcast_in_dim3A_33, %scan3A_356 = %broadcast_in_dim3A_33, %scan3A_357 = %broadcast_in_dim3A_33, %scan3A_358 = %broadcast_in_dim3A_33, %scan3A_359 = %broadcast_in_dim3A_33, %scan3A_360 = %broadcast_in_dim3A_33, %scan3A_361 = %broadcast_in_dim3A_33, %scan3A_362 = %broadcast_in_dim3A_33, %scan3A_363 = %broadcast_in_dim3A_33, %scan3A_364 = %broadcast_in_dim3A_33, %scan3A_365 = %broadcast_in_dim3A_33, %scan3A_366 = %broadcast_in_dim3A_33, %scan3A_367 = %broadcast_in_dim3A_33, %scan3A_368 = %broadcast_in_dim3A_33, %scan3A_369 = %broadcast_in_dim3A_33, %scan3A_370 = %broadcast_in_dim3A_33, %scan3A_371 = %broadcast_in_dim3A_33, %scan3A_372 = %broadcast_in_dim3A_33, %scan3A_373 = %broadcast_in_dim3A_33, %scan3A_374 = %broadcast_in_dim3A_33, %scan3A_375 = %broadcast_in_dim3A_33, %scan3A_376 = %broadcast_in_dim3A_33, %scan3A_377 = %broadcast_in_dim3A_33, %scan3A_378 = %broadcast_in_dim3A_33, %scan3A_379 = %broadcast_in_dim3A_33, %scan3A_380 = %broadcast_in_dim3A_33, %scan3A_381 = %broadcast_in_dim3A_33, %scan3A_382 = %broadcast_in_dim3A_33, %scan3A_383 = %broadcast_in_dim3A_33, %scan3A_384 = %broadcast_in_dim3A_33, %scan3A_385 = %broadcast_in_dim3A_33, %scan3A_386 = %broadcast_in_dim3A_33, %scan3A_387 = %broadcast_in_dim3A_33, %scan3A_388 = %broadcast_in_dim3A_33, %scan3A_389 = %broadcast_in_dim3A_33, %scan3A_390 = %broadcast_in_dim3A_33, %scan3A_391 = %broadcast_in_dim3A_33) -> (vector<16xf32>, vector<16xf32>, vector<16xf32>, vector<16xf32>, vector<16xf32>, vector<16xf32>, vector<16xf32>, vector<16xf32>, vector<16xf32>, vector<16xf32>, vector<16xf32>, vector<16xf32>, vector<16xf32>, vector<16xf32>, vector<16xf32>, vector<16xf32>, vector<16xf32>, vector<16xf32>, vector<16xf32>, vector<16xf32>, vector<16xf32>, vector<16xf32>, vector<16xf32>, vector<16xf32>, vector<16xf32>, vector<16xf32>, vector<16xf32>, vector<16xf32>, vector<16xf32>, vector<16xf32>, vector<16xf32>, vector<16xf32>, vector<16xf32>, vector<16xf32>, vector<16xf32>, vector<16xf32>, vector<16xf32>, vector<16xf32>, vector<16xf32>, vector<16xf32>, vector<16xf32>, vector<16xf32>, vector<16xf32>, vector<16xf32>, vector<16xf32>, vector<16xf32>, vector<16xf32>, vector<16xf32>, vector<16xf32>, vector<16xf32>, vector<16xf32>, vector<16xf32>, vector<16xf32>, vector<16xf32>, vector<16xf32>, vector<16xf32>, vector<16xf32>, vector<16xf32>, vector<16xf32>, vector<16xf32>, vector<16xf32>, vector<16xf32>, vector<16xf32>, vector<16xf32>)  : i32 {
      %mul3A_392 = arith.constant 2 : i32
      %mul3A_393 = arith.muli %scan3A_327, %mul3A_392 : i32
      %add3A_394 = arith.constant 0 : i32
      %add3A_395 = arith.addi %add3A_394, %mul3A_393 : i32
      %add3A_396 = arith.constant 0 : i32
      %add3A_397 = arith.addi %add3A_395, %add3A_396 : i32
      %min3A_398 = arith.constant 31 : i32
      %min3A_399 = arith.minsi %add3A_397, %min3A_398 : i32
      %mul3A_400 = arith.constant 256 : i32
      %mul3A_401 = arith.muli %min3A_399, %mul3A_400 : i32
      %dma_wait3A_402 = tpu.memref_slice %arg2[%select_n3A, %mul3A_401, %mul3A_32] : memref<4x8192x1024xf32, #tpu.memory_space<hbm>> -> memref<1x256x128xf32, #tpu.memory_space<hbm>>
      %dma_wait3A_403 = tpu.memref_squeeze %dma_wait3A_402 : memref<1x256x128xf32, #tpu.memory_space<hbm>> -> memref<256x128xf32, #tpu.memory_space<hbm>>
      %dma_wait3A_404 = tpu.memref_slice %arg2[%select_n3A, %mul3A_401, %mul3A_32] : memref<4x8192x1024xf32, #tpu.memory_space<hbm>> -> memref<1x256x128xf32, #tpu.memory_space<hbm>>
      %dma_wait3A_405 = tpu.memref_squeeze %dma_wait3A_404 : memref<1x256x128xf32, #tpu.memory_space<hbm>> -> memref<256x128xf32, #tpu.memory_space<hbm>>
      tpu.wait_dma2 semaphore(%arg7 : memref<!tpu.dma_semaphore, #tpu.memory_space<semaphore_mem>>) src(%dma_wait3A_405 : memref<256x128xf32, #tpu.memory_space<hbm>>) dst(%arg4 : memref<256x128xf32, #tpu.memory_space<vmem>>)
      %scan3A_406 = arith.constant 0 : i32
      %scan3A_407 = arith.constant 32 : i32
      %scan3A_408 = arith.addi %scan3A_406, %scan3A_407 : i32
      %scan3A_409 = arith.constant 1 : i32
      %scan3A_410:8 = scf.for %scan3A_536 = %scan3A_406 to %scan3A_408 step %scan3A_409 iter_args(%scan3A_537 = %scan3A_328, %scan3A_538 = %scan3A_329, %scan3A_539 = %scan3A_330, %scan3A_540 = %scan3A_331, %scan3A_541 = %scan3A_332, %scan3A_542 = %scan3A_333, %scan3A_543 = %scan3A_334, %scan3A_544 = %scan3A_335) -> (vector<16xf32>, vector<16xf32>, vector<16xf32>, vector<16xf32>, vector<16xf32>, vector<16xf32>, vector<16xf32>, vector<16xf32>)  : i32 {
        %mul3A_545 = arith.constant 8 : i32
        %mul3A_546 = arith.muli %scan3A_536, %mul3A_545 : i32
        %add3A_547 = arith.constant 0 : i32
        %add3A_548 = arith.addi %mul3A_546, %add3A_547 : i32
        %get3A = arith.index_cast %add3A_548 : i32 to index
        %get3A_549 = arith.constant 0 : index
        %get3A_550 = tpu.vector_load %arg4[%get3A, %get3A_549] {strides = array<i32>} : memref<256x128xf32, #tpu.memory_space<vmem>>, vector<16xf32>,
        %add3A_551 = arith.constant 1 : i32
        %add3A_552 = arith.addi %mul3A_546, %add3A_551 : i32
        %get3A_553 = arith.index_cast %add3A_552 : i32 to index
        %get3A_554 = arith.constant 0 : index
        %get3A_555 = tpu.vector_load %arg4[%get3A_553, %get3A_554] {strides = array<i32>} : memref<256x128xf32, #tpu.memory_space<vmem>>, vector<16xf32>,
        %add3A_556 = arith.constant 2 : i32
        %add3A_557 = arith.addi %mul3A_546, %add3A_556 : i32
        %get3A_558 = arith.index_cast %add3A_557 : i32 to index
        %get3A_559 = arith.constant 0 : index
        %get3A_560 = tpu.vector_load %arg4[%get3A_558, %get3A_559] {strides = array<i32>} : memref<256x128xf32, #tpu.memory_space<vmem>>, vector<16xf32>,
        %add3A_561 = arith.constant 3 : i32
        %add3A_562 = arith.addi %mul3A_546, %add3A_561 : i32
        %get3A_563 = arith.index_cast %add3A_562 : i32 to index
        %get3A_564 = arith.constant 0 : index
        %get3A_565 = tpu.vector_load %arg4[%get3A_563, %get3A_564] {strides = array<i32>} : memref<256x128xf32, #tpu.memory_space<vmem>>, vector<16xf32>,
        %add3A_566 = arith.constant 4 : i32
        %add3A_567 = arith.addi %mul3A_546, %add3A_566 : i32
        %get3A_568 = arith.index_cast %add3A_567 : i32 to index
        %get3A_569 = arith.constant 0 : index
        %get3A_570 = tpu.vector_load %arg4[%get3A_568, %get3A_569] {strides = array<i32>} : memref<256x128xf32, #tpu.memory_space<vmem>>, vector<16xf32>,
        %add3A_571 = arith.constant 5 : i32
        %add3A_572 = arith.addi %mul3A_546, %add3A_571 : i32
        %get3A_573 = arith.index_cast %add3A_572 : i32 to index
        %get3A_574 = arith.constant 0 : index
        %get3A_575 = tpu.vector_load %arg4[%get3A_573, %get3A_574] {strides = array<i32>} : memref<256x128xf32, #tpu.memory_space<vmem>>, vector<16xf32>,
        %add3A_576 = arith.constant 6 : i32
        %add3A_577 = arith.addi %mul3A_546, %add3A_576 : i32
        %get3A_578 = arith.index_cast %add3A_577 : i32 to index
        %get3A_579 = arith.constant 0 : index
        %get3A_580 = tpu.vector_load %arg4[%get3A_578, %get3A_579] {strides = array<i32>} : memref<256x128xf32, #tpu.memory_space<vmem>>, vector<16xf32>,
        %add3A_581 = arith.constant 7 : i32
        %add3A_582 = arith.addi %mul3A_546, %add3A_581 : i32
        %get3A_583 = arith.index_cast %add3A_582 : i32 to index
        %get3A_584 = arith.constant 0 : index
        %get3A_585 = tpu.vector_load %arg4[%get3A_583, %get3A_584] {strides = array<i32>} : memref<256x128xf32, #tpu.memory_space<vmem>>, vector<16xf32>,
        %max3A = arith.maximumf %get3A_550, %get3A_555 : vector<16xf32>
        %min3A_586 = arith.minimumf %get3A_550, %get3A_555 : vector<16xf32>
        %max3A_587 = arith.maximumf %get3A_560, %get3A_565 : vector<16xf32>
        %min3A_588 = arith.minimumf %get3A_560, %get3A_565 : vector<16xf32>
        %max3A_589 = arith.maximumf %get3A_570, %get3A_575 : vector<16xf32>
        %min3A_590 = arith.minimumf %get3A_570, %get3A_575 : vector<16xf32>
        %max3A_591 = arith.maximumf %get3A_580, %get3A_585 : vector<16xf32>
        %min3A_592 = arith.minimumf %get3A_580, %get3A_585 : vector<16xf32>
        %max3A_593 = arith.maximumf %max3A, %max3A_587 : vector<16xf32>
        %min3A_594 = arith.minimumf %max3A, %max3A_587 : vector<16xf32>
        %max3A_595 = arith.maximumf %min3A_586, %min3A_588 : vector<16xf32>
        %min3A_596 = arith.minimumf %min3A_586, %min3A_588 : vector<16xf32>
        %max3A_597 = arith.maximumf %max3A_589, %max3A_591 : vector<16xf32>
        %min3A_598 = arith.minimumf %max3A_589, %max3A_591 : vector<16xf32>
        %max3A_599 = arith.maximumf %min3A_590, %min3A_592 : vector<16xf32>
        %min3A_600 = arith.minimumf %min3A_590, %min3A_592 : vector<16xf32>
        %max3A_601 = arith.maximumf %max3A_595, %min3A_594 : vector<16xf32>
        %min3A_602 = arith.minimumf %max3A_595, %min3A_594 : vector<16xf32>
        %max3A_603 = arith.maximumf %max3A_599, %min3A_598 : vector<16xf32>
        %min3A_604 = arith.minimumf %max3A_599, %min3A_598 : vector<16xf32>
        %max3A_605 = arith.maximumf %max3A_593, %max3A_597 : vector<16xf32>
        %min3A_606 = arith.minimumf %max3A_593, %max3A_597 : vector<16xf32>
        %max3A_607 = arith.maximumf %max3A_601, %max3A_603 : vector<16xf32>
        %min3A_608 = arith.minimumf %max3A_601, %max3A_603 : vector<16xf32>
        %max3A_609 = arith.maximumf %min3A_602, %min3A_604 : vector<16xf32>
        %min3A_610 = arith.minimumf %min3A_602, %min3A_604 : vector<16xf32>
        %max3A_611 = arith.maximumf %min3A_596, %min3A_600 : vector<16xf32>
        %min3A_612 = arith.minimumf %min3A_596, %min3A_600 : vector<16xf32>
        %max3A_613 = arith.maximumf %max3A_609, %min3A_606 : vector<16xf32>
        %min3A_614 = arith.minimumf %max3A_609, %min3A_606 : vector<16xf32>
        %max3A_615 = arith.maximumf %max3A_611, %min3A_608 : vector<16xf32>
        %min3A_616 = arith.minimumf %max3A_611, %min3A_608 : vector<16xf32>
        %max3A_617 = arith.maximumf %max3A_607, %max3A_613 : vector<16xf32>
        %min3A_618 = arith.minimumf %max3A_607, %max3A_613 : vector<16xf32>
        %max3A_619 = arith.maximumf %max3A_615, %min3A_614 : vector<16xf32>
        %min3A_620 = arith.minimumf %max3A_615, %min3A_614 : vector<16xf32>
        %max3A_621 = arith.maximumf %min3A_616, %min3A_610 : vector<16xf32>
        %min3A_622 = arith.minimumf %min3A_616, %min3A_610 : vector<16xf32>
        %max3A_623 = arith.maximumf %scan3A_537, %min3A_612 : vector<16xf32>
        %max3A_624 = arith.maximumf %scan3A_538, %min3A_622 : vector<16xf32>
        %max3A_625 = arith.maximumf %scan3A_539, %max3A_621 : vector<16xf32>
        %max3A_626 = arith.maximumf %scan3A_540, %min3A_620 : vector<16xf32>
        %max3A_627 = arith.maximumf %scan3A_541, %max3A_619 : vector<16xf32>
        %max3A_628 = arith.maximumf %scan3A_542, %min3A_618 : vector<16xf32>
        %max3A_629 = arith.maximumf %scan3A_543, %max3A_617 : vector<16xf32>
        %max3A_630 = arith.maximumf %scan3A_544, %max3A_605 : vector<16xf32>
        %max3A_631 = arith.maximumf %max3A_623, %max3A_627 : vector<16xf32>
        %min3A_632 = arith.minimumf %max3A_623, %max3A_627 : vector<16xf32>
        %max3A_633 = arith.maximumf %max3A_624, %max3A_628 : vector<16xf32>
        %min3A_634 = arith.minimumf %max3A_624, %max3A_628 : vector<16xf32>
        %max3A_635 = arith.maximumf %max3A_625, %max3A_629 : vector<16xf32>
        %min3A_636 = arith.minimumf %max3A_625, %max3A_629 : vector<16xf32>
        %max3A_637 = arith.maximumf %max3A_626, %max3A_630 : vector<16xf32>
        %min3A_638 = arith.minimumf %max3A_626, %max3A_630 : vector<16xf32>
        %max3A_639 = arith.maximumf %max3A_631, %max3A_635 : vector<16xf32>
        %min3A_640 = arith.minimumf %max3A_631, %max3A_635 : vector<16xf32>
        %max3A_641 = arith.maximumf %max3A_633, %max3A_637 : vector<16xf32>
        %min3A_642 = arith.minimumf %max3A_633, %max3A_637 : vector<16xf32>
        %max3A_643 = arith.maximumf %min3A_632, %min3A_636 : vector<16xf32>
        %min3A_644 = arith.minimumf %min3A_632, %min3A_636 : vector<16xf32>
        %max3A_645 = arith.maximumf %min3A_634, %min3A_638 : vector<16xf32>
        %min3A_646 = arith.minimumf %min3A_634, %min3A_638 : vector<16xf32>
        %max3A_647 = arith.maximumf %max3A_639, %max3A_641 : vector<16xf32>
        %min3A_648 = arith.minimumf %max3A_639, %max3A_641 : vector<16xf32>
        %max3A_649 = arith.maximumf %min3A_640, %min3A_642 : vector<16xf32>
        %min3A_650 = arith.minimumf %min3A_640, %min3A_642 : vector<16xf32>
        %max3A_651 = arith.maximumf %max3A_643, %max3A_645 : vector<16xf32>
        %min3A_652 = arith.minimumf %max3A_643, %max3A_645 : vector<16xf32>
        %max3A_653 = arith.maximumf %min3A_644, %min3A_646 : vector<16xf32>
        %min3A_654 = arith.minimumf %min3A_644, %min3A_646 : vector<16xf32>
        scf.yield %max3A_647, %min3A_648, %max3A_649, %min3A_650, %max3A_651, %min3A_652, %max3A_653, %min3A_654 : vector<16xf32>, vector<16xf32>, vector<16xf32>, vector<16xf32>, vector<16xf32>, vector<16xf32>, vector<16xf32>, vector<16xf32>
      }
      %scan3A_411 = arith.constant 32 : i32
      %scan3A_412 = arith.constant 0 : i32
      %scan3A_413 = arith.constant 32 : i32
      %scan3A_414 = arith.addi %scan3A_412, %scan3A_413 : i32
      %scan3A_415 = arith.constant 1 : i32
      %scan3A_416:8 = scf.for %scan3A_536 = %scan3A_412 to %scan3A_414 step %scan3A_415 iter_args(%scan3A_537 = %scan3A_336, %scan3A_538 = %scan3A_337, %scan3A_539 = %scan3A_338, %scan3A_540 = %scan3A_339, %scan3A_541 = %scan3A_340, %scan3A_542 = %scan3A_341, %scan3A_543 = %scan3A_342, %scan3A_544 = %scan3A_343) -> (vector<16xf32>, vector<16xf32>, vector<16xf32>, vector<16xf32>, vector<16xf32>, vector<16xf32>, vector<16xf32>, vector<16xf32>)  : i32 {
        %mul3A_545 = arith.constant 8 : i32
        %mul3A_546 = arith.muli %scan3A_536, %mul3A_545 : i32
        %add3A_547 = arith.constant 0 : i32
        %add3A_548 = arith.addi %mul3A_546, %add3A_547 : i32
        %get3A = arith.index_cast %add3A_548 : i32 to index
        %get3A_549 = arith.constant 16 : index
        %get3A_550 = tpu.vector_load %arg4[%get3A, %get3A_549] {strides = array<i32>} : memref<256x128xf32, #tpu.memory_space<vmem>>, vector<16xf32>,
        %add3A_551 = arith.constant 1 : i32
        %add3A_552 = arith.addi %mul3A_546, %add3A_551 : i32
        %get3A_553 = arith.index_cast %add3A_552 : i32 to index
        %get3A_554 = arith.constant 16 : index
        %get3A_555 = tpu.vector_load %arg4[%get3A_553, %get3A_554] {strides = array<i32>} : memref<256x128xf32, #tpu.memory_space<vmem>>, vector<16xf32>,
        %add3A_556 = arith.constant 2 : i32
        %add3A_557 = arith.addi %mul3A_546, %add3A_556 : i32
        %get3A_558 = arith.index_cast %add3A_557 : i32 to index
        %get3A_559 = arith.constant 16 : index
        %get3A_560 = tpu.vector_load %arg4[%get3A_558, %get3A_559] {strides = array<i32>} : memref<256x128xf32, #tpu.memory_space<vmem>>, vector<16xf32>,
        %add3A_561 = arith.constant 3 : i32
        %add3A_562 = arith.addi %mul3A_546, %add3A_561 : i32
        %get3A_563 = arith.index_cast %add3A_562 : i32 to index
        %get3A_564 = arith.constant 16 : index
        %get3A_565 = tpu.vector_load %arg4[%get3A_563, %get3A_564] {strides = array<i32>} : memref<256x128xf32, #tpu.memory_space<vmem>>, vector<16xf32>,
        %add3A_566 = arith.constant 4 : i32
        %add3A_567 = arith.addi %mul3A_546, %add3A_566 : i32
        %get3A_568 = arith.index_cast %add3A_567 : i32 to index
        %get3A_569 = arith.constant 16 : index
        %get3A_570 = tpu.vector_load %arg4[%get3A_568, %get3A_569] {strides = array<i32>} : memref<256x128xf32, #tpu.memory_space<vmem>>, vector<16xf32>,
        %add3A_571 = arith.constant 5 : i32
        %add3A_572 = arith.addi %mul3A_546, %add3A_571 : i32
        %get3A_573 = arith.index_cast %add3A_572 : i32 to index
        %get3A_574 = arith.constant 16 : index
        %get3A_575 = tpu.vector_load %arg4[%get3A_573, %get3A_574] {strides = array<i32>} : memref<256x128xf32, #tpu.memory_space<vmem>>, vector<16xf32>,
        %add3A_576 = arith.constant 6 : i32
        %add3A_577 = arith.addi %mul3A_546, %add3A_576 : i32
        %get3A_578 = arith.index_cast %add3A_577 : i32 to index
        %get3A_579 = arith.constant 16 : index
        %get3A_580 = tpu.vector_load %arg4[%get3A_578, %get3A_579] {strides = array<i32>} : memref<256x128xf32, #tpu.memory_space<vmem>>, vector<16xf32>,
        %add3A_581 = arith.constant 7 : i32
        %add3A_582 = arith.addi %mul3A_546, %add3A_581 : i32
        %get3A_583 = arith.index_cast %add3A_582 : i32 to index
        %get3A_584 = arith.constant 16 : index
        %get3A_585 = tpu.vector_load %arg4[%get3A_583, %get3A_584] {strides = array<i32>} : memref<256x128xf32, #tpu.memory_space<vmem>>, vector<16xf32>,
        %max3A = arith.maximumf %get3A_550, %get3A_555 : vector<16xf32>
        %min3A_586 = arith.minimumf %get3A_550, %get3A_555 : vector<16xf32>
        %max3A_587 = arith.maximumf %get3A_560, %get3A_565 : vector<16xf32>
        %min3A_588 = arith.minimumf %get3A_560, %get3A_565 : vector<16xf32>
        %max3A_589 = arith.maximumf %get3A_570, %get3A_575 : vector<16xf32>
        %min3A_590 = arith.minimumf %get3A_570, %get3A_575 : vector<16xf32>
        %max3A_591 = arith.maximumf %get3A_580, %get3A_585 : vector<16xf32>
        %min3A_592 = arith.minimumf %get3A_580, %get3A_585 : vector<16xf32>
        %max3A_593 = arith.maximumf %max3A, %max3A_587 : vector<16xf32>
        %min3A_594 = arith.minimumf %max3A, %max3A_587 : vector<16xf32>
        %max3A_595 = arith.maximumf %min3A_586, %min3A_588 : vector<16xf32>
        %min3A_596 = arith.minimumf %min3A_586, %min3A_588 : vector<16xf32>
        %max3A_597 = arith.maximumf %max3A_589, %max3A_591 : vector<16xf32>
        %min3A_598 = arith.minimumf %max3A_589, %max3A_591 : vector<16xf32>
        %max3A_599 = arith.maximumf %min3A_590, %min3A_592 : vector<16xf32>
        %min3A_600 = arith.minimumf %min3A_590, %min3A_592 : vector<16xf32>
        %max3A_601 = arith.maximumf %max3A_595, %min3A_594 : vector<16xf32>
        %min3A_602 = arith.minimumf %max3A_595, %min3A_594 : vector<16xf32>
        %max3A_603 = arith.maximumf %max3A_599, %min3A_598 : vector<16xf32>
        %min3A_604 = arith.minimumf %max3A_599, %min3A_598 : vector<16xf32>
        %max3A_605 = arith.maximumf %max3A_593, %max3A_597 : vector<16xf32>
        %min3A_606 = arith.minimumf %max3A_593, %max3A_597 : vector<16xf32>
        %max3A_607 = arith.maximumf %max3A_601, %max3A_603 : vector<16xf32>
        %min3A_608 = arith.minimumf %max3A_601, %max3A_603 : vector<16xf32>
        %max3A_609 = arith.maximumf %min3A_602, %min3A_604 : vector<16xf32>
        %min3A_610 = arith.minimumf %min3A_602, %min3A_604 : vector<16xf32>
        %max3A_611 = arith.maximumf %min3A_596, %min3A_600 : vector<16xf32>
        %min3A_612 = arith.minimumf %min3A_596, %min3A_600 : vector<16xf32>
        %max3A_613 = arith.maximumf %max3A_609, %min3A_606 : vector<16xf32>
        %min3A_614 = arith.minimumf %max3A_609, %min3A_606 : vector<16xf32>
        %max3A_615 = arith.maximumf %max3A_611, %min3A_608 : vector<16xf32>
        %min3A_616 = arith.minimumf %max3A_611, %min3A_608 : vector<16xf32>
        %max3A_617 = arith.maximumf %max3A_607, %max3A_613 : vector<16xf32>
        %min3A_618 = arith.minimumf %max3A_607, %max3A_613 : vector<16xf32>
        %max3A_619 = arith.maximumf %max3A_615, %min3A_614 : vector<16xf32>
        %min3A_620 = arith.minimumf %max3A_615, %min3A_614 : vector<16xf32>
        %max3A_621 = arith.maximumf %min3A_616, %min3A_610 : vector<16xf32>
        %min3A_622 = arith.minimumf %min3A_616, %min3A_610 : vector<16xf32>
        %max3A_623 = arith.maximumf %scan3A_537, %min3A_612 : vector<16xf32>
        %max3A_624 = arith.maximumf %scan3A_538, %min3A_622 : vector<16xf32>
        %max3A_625 = arith.maximumf %scan3A_539, %max3A_621 : vector<16xf32>
        %max3A_626 = arith.maximumf %scan3A_540, %min3A_620 : vector<16xf32>
        %max3A_627 = arith.maximumf %scan3A_541, %max3A_619 : vector<16xf32>
        %max3A_628 = arith.maximumf %scan3A_542, %min3A_618 : vector<16xf32>
        %max3A_629 = arith.maximumf %scan3A_543, %max3A_617 : vector<16xf32>
        %max3A_630 = arith.maximumf %scan3A_544, %max3A_605 : vector<16xf32>
        %max3A_631 = arith.maximumf %max3A_623, %max3A_627 : vector<16xf32>
        %min3A_632 = arith.minimumf %max3A_623, %max3A_627 : vector<16xf32>
        %max3A_633 = arith.maximumf %max3A_624, %max3A_628 : vector<16xf32>
        %min3A_634 = arith.minimumf %max3A_624, %max3A_628 : vector<16xf32>
        %max3A_635 = arith.maximumf %max3A_625, %max3A_629 : vector<16xf32>
        %min3A_636 = arith.minimumf %max3A_625, %max3A_629 : vector<16xf32>
        %max3A_637 = arith.maximumf %max3A_626, %max3A_630 : vector<16xf32>
        %min3A_638 = arith.minimumf %max3A_626, %max3A_630 : vector<16xf32>
        %max3A_639 = arith.maximumf %max3A_631, %max3A_635 : vector<16xf32>
        %min3A_640 = arith.minimumf %max3A_631, %max3A_635 : vector<16xf32>
        %max3A_641 = arith.maximumf %max3A_633, %max3A_637 : vector<16xf32>
        %min3A_642 = arith.minimumf %max3A_633, %max3A_637 : vector<16xf32>
        %max3A_643 = arith.maximumf %min3A_632, %min3A_636 : vector<16xf32>
        %min3A_644 = arith.minimumf %min3A_632, %min3A_636 : vector<16xf32>
        %max3A_645 = arith.maximumf %min3A_634, %min3A_638 : vector<16xf32>
        %min3A_646 = arith.minimumf %min3A_634, %min3A_638 : vector<16xf32>
        %max3A_647 = arith.maximumf %max3A_639, %max3A_641 : vector<16xf32>
        %min3A_648 = arith.minimumf %max3A_639, %max3A_641 : vector<16xf32>
        %max3A_649 = arith.maximumf %min3A_640, %min3A_642 : vector<16xf32>
        %min3A_650 = arith.minimumf %min3A_640, %min3A_642 : vector<16xf32>
        %max3A_651 = arith.maximumf %max3A_643, %max3A_645 : vector<16xf32>
        %min3A_652 = arith.minimumf %max3A_643, %max3A_645 : vector<16xf32>
        %max3A_653 = arith.maximumf %min3A_644, %min3A_646 : vector<16xf32>
        %min3A_654 = arith.minimumf %min3A_644, %min3A_646 : vector<16xf32>
        scf.yield %max3A_647, %min3A_648, %max3A_649, %min3A_650, %max3A_651, %min3A_652, %max3A_653, %min3A_654 : vector<16xf32>, vector<16xf32>, vector<16xf32>, vector<16xf32>, vector<16xf32>, vector<16xf32>, vector<16xf32>, vector<16xf32>
      }
      %scan3A_417 = arith.constant 32 : i32
      %scan3A_418 = arith.constant 0 : i32
      %scan3A_419 = arith.constant 32 : i32
      %scan3A_420 = arith.addi %scan3A_418, %scan3A_419 : i32
      %scan3A_421 = arith.constant 1 : i32
      %scan3A_422:8 = scf.for %scan3A_536 = %scan3A_418 to %scan3A_420 step %scan3A_421 iter_args(%scan3A_537 = %scan3A_344, %scan3A_538 = %scan3A_345, %scan3A_539 = %scan3A_346, %scan3A_540 = %scan3A_347, %scan3A_541 = %scan3A_348, %scan3A_542 = %scan3A_349, %scan3A_543 = %scan3A_350, %scan3A_544 = %scan3A_351) -> (vector<16xf32>, vector<16xf32>, vector<16xf32>, vector<16xf32>, vector<16xf32>, vector<16xf32>, vector<16xf32>, vector<16xf32>)  : i32 {
        %mul3A_545 = arith.constant 8 : i32
        %mul3A_546 = arith.muli %scan3A_536, %mul3A_545 : i32
        %add3A_547 = arith.constant 0 : i32
        %add3A_548 = arith.addi %mul3A_546, %add3A_547 : i32
        %get3A = arith.index_cast %add3A_548 : i32 to index
        %get3A_549 = arith.constant 32 : index
        %get3A_550 = tpu.vector_load %arg4[%get3A, %get3A_549] {strides = array<i32>} : memref<256x128xf32, #tpu.memory_space<vmem>>, vector<16xf32>,
        %add3A_551 = arith.constant 1 : i32
        %add3A_552 = arith.addi %mul3A_546, %add3A_551 : i32
        %get3A_553 = arith.index_cast %add3A_552 : i32 to index
        %get3A_554 = arith.constant 32 : index
        %get3A_555 = tpu.vector_load %arg4[%get3A_553, %get3A_554] {strides = array<i32>} : memref<256x128xf32, #tpu.memory_space<vmem>>, vector<16xf32>,
        %add3A_556 = arith.constant 2 : i32
        %add3A_557 = arith.addi %mul3A_546, %add3A_556 : i32
        %get3A_558 = arith.index_cast %add3A_557 : i32 to index
        %get3A_559 = arith.constant 32 : index
        %get3A_560 = tpu.vector_load %arg4[%get3A_558, %get3A_559] {strides = array<i32>} : memref<256x128xf32, #tpu.memory_space<vmem>>, vector<16xf32>,
        %add3A_561 = arith.constant 3 : i32
        %add3A_562 = arith.addi %mul3A_546, %add3A_561 : i32
        %get3A_563 = arith.index_cast %add3A_562 : i32 to index
        %get3A_564 = arith.constant 32 : index
        %get3A_565 = tpu.vector_load %arg4[%get3A_563, %get3A_564] {strides = array<i32>} : memref<256x128xf32, #tpu.memory_space<vmem>>, vector<16xf32>,
        %add3A_566 = arith.constant 4 : i32
        %add3A_567 = arith.addi %mul3A_546, %add3A_566 : i32
        %get3A_568 = arith.index_cast %add3A_567 : i32 to index
        %get3A_569 = arith.constant 32 : index
        %get3A_570 = tpu.vector_load %arg4[%get3A_568, %get3A_569] {strides = array<i32>} : memref<256x128xf32, #tpu.memory_space<vmem>>, vector<16xf32>,
        %add3A_571 = arith.constant 5 : i32
        %add3A_572 = arith.addi %mul3A_546, %add3A_571 : i32
        %get3A_573 = arith.index_cast %add3A_572 : i32 to index
        %get3A_574 = arith.constant 32 : index
        %get3A_575 = tpu.vector_load %arg4[%get3A_573, %get3A_574] {strides = array<i32>} : memref<256x128xf32, #tpu.memory_space<vmem>>, vector<16xf32>,
        %add3A_576 = arith.constant 6 : i32
        %add3A_577 = arith.addi %mul3A_546, %add3A_576 : i32
        %get3A_578 = arith.index_cast %add3A_577 : i32 to index
        %get3A_579 = arith.constant 32 : index
        %get3A_580 = tpu.vector_load %arg4[%get3A_578, %get3A_579] {strides = array<i32>} : memref<256x128xf32, #tpu.memory_space<vmem>>, vector<16xf32>,
        %add3A_581 = arith.constant 7 : i32
        %add3A_582 = arith.addi %mul3A_546, %add3A_581 : i32
        %get3A_583 = arith.index_cast %add3A_582 : i32 to index
        %get3A_584 = arith.constant 32 : index
        %get3A_585 = tpu.vector_load %arg4[%get3A_583, %get3A_584] {strides = array<i32>} : memref<256x128xf32, #tpu.memory_space<vmem>>, vector<16xf32>,
        %max3A = arith.maximumf %get3A_550, %get3A_555 : vector<16xf32>
        %min3A_586 = arith.minimumf %get3A_550, %get3A_555 : vector<16xf32>
        %max3A_587 = arith.maximumf %get3A_560, %get3A_565 : vector<16xf32>
        %min3A_588 = arith.minimumf %get3A_560, %get3A_565 : vector<16xf32>
        %max3A_589 = arith.maximumf %get3A_570, %get3A_575 : vector<16xf32>
        %min3A_590 = arith.minimumf %get3A_570, %get3A_575 : vector<16xf32>
        %max3A_591 = arith.maximumf %get3A_580, %get3A_585 : vector<16xf32>
        %min3A_592 = arith.minimumf %get3A_580, %get3A_585 : vector<16xf32>
        %max3A_593 = arith.maximumf %max3A, %max3A_587 : vector<16xf32>
        %min3A_594 = arith.minimumf %max3A, %max3A_587 : vector<16xf32>
        %max3A_595 = arith.maximumf %min3A_586, %min3A_588 : vector<16xf32>
        %min3A_596 = arith.minimumf %min3A_586, %min3A_588 : vector<16xf32>
        %max3A_597 = arith.maximumf %max3A_589, %max3A_591 : vector<16xf32>
        %min3A_598 = arith.minimumf %max3A_589, %max3A_591 : vector<16xf32>
        %max3A_599 = arith.maximumf %min3A_590, %min3A_592 : vector<16xf32>
        %min3A_600 = arith.minimumf %min3A_590, %min3A_592 : vector<16xf32>
        %max3A_601 = arith.maximumf %max3A_595, %min3A_594 : vector<16xf32>
        %min3A_602 = arith.minimumf %max3A_595, %min3A_594 : vector<16xf32>
        %max3A_603 = arith.maximumf %max3A_599, %min3A_598 : vector<16xf32>
        %min3A_604 = arith.minimumf %max3A_599, %min3A_598 : vector<16xf32>
        %max3A_605 = arith.maximumf %max3A_593, %max3A_597 : vector<16xf32>
        %min3A_606 = arith.minimumf %max3A_593, %max3A_597 : vector<16xf32>
        %max3A_607 = arith.maximumf %max3A_601, %max3A_603 : vector<16xf32>
        %min3A_608 = arith.minimumf %max3A_601, %max3A_603 : vector<16xf32>
        %max3A_609 = arith.maximumf %min3A_602, %min3A_604 : vector<16xf32>
        %min3A_610 = arith.minimumf %min3A_602, %min3A_604 : vector<16xf32>
        %max3A_611 = arith.maximumf %min3A_596, %min3A_600 : vector<16xf32>
        %min3A_612 = arith.minimumf %min3A_596, %min3A_600 : vector<16xf32>
        %max3A_613 = arith.maximumf %max3A_609, %min3A_606 : vector<16xf32>
        %min3A_614 = arith.minimumf %max3A_609, %min3A_606 : vector<16xf32>
        %max3A_615 = arith.maximumf %max3A_611, %min3A_608 : vector<16xf32>
        %min3A_616 = arith.minimumf %max3A_611, %min3A_608 : vector<16xf32>
        %max3A_617 = arith.maximumf %max3A_607, %max3A_613 : vector<16xf32>
        %min3A_618 = arith.minimumf %max3A_607, %max3A_613 : vector<16xf32>
        %max3A_619 = arith.maximumf %max3A_615, %min3A_614 : vector<16xf32>
        %min3A_620 = arith.minimumf %max3A_615, %min3A_614 : vector<16xf32>
        %max3A_621 = arith.maximumf %min3A_616, %min3A_610 : vector<16xf32>
        %min3A_622 = arith.minimumf %min3A_616, %min3A_610 : vector<16xf32>
        %max3A_623 = arith.maximumf %scan3A_537, %min3A_612 : vector<16xf32>
        %max3A_624 = arith.maximumf %scan3A_538, %min3A_622 : vector<16xf32>
        %max3A_625 = arith.maximumf %scan3A_539, %max3A_621 : vector<16xf32>
        %max3A_626 = arith.maximumf %scan3A_540, %min3A_620 : vector<16xf32>
        %max3A_627 = arith.maximumf %scan3A_541, %max3A_619 : vector<16xf32>
        %max3A_628 = arith.maximumf %scan3A_542, %min3A_618 : vector<16xf32>
        %max3A_629 = arith.maximumf %scan3A_543, %max3A_617 : vector<16xf32>
        %max3A_630 = arith.maximumf %scan3A_544, %max3A_605 : vector<16xf32>
        %max3A_631 = arith.maximumf %max3A_623, %max3A_627 : vector<16xf32>
        %min3A_632 = arith.minimumf %max3A_623, %max3A_627 : vector<16xf32>
        %max3A_633 = arith.maximumf %max3A_624, %max3A_628 : vector<16xf32>
        %min3A_634 = arith.minimumf %max3A_624, %max3A_628 : vector<16xf32>
        %max3A_635 = arith.maximumf %max3A_625, %max3A_629 : vector<16xf32>
        %min3A_636 = arith.minimumf %max3A_625, %max3A_629 : vector<16xf32>
        %max3A_637 = arith.maximumf %max3A_626, %max3A_630 : vector<16xf32>
        %min3A_638 = arith.minimumf %max3A_626, %max3A_630 : vector<16xf32>
        %max3A_639 = arith.maximumf %max3A_631, %max3A_635 : vector<16xf32>
        %min3A_640 = arith.minimumf %max3A_631, %max3A_635 : vector<16xf32>
        %max3A_641 = arith.maximumf %max3A_633, %max3A_637 : vector<16xf32>
        %min3A_642 = arith.minimumf %max3A_633, %max3A_637 : vector<16xf32>
        %max3A_643 = arith.maximumf %min3A_632, %min3A_636 : vector<16xf32>
        %min3A_644 = arith.minimumf %min3A_632, %min3A_636 : vector<16xf32>
        %max3A_645 = arith.maximumf %min3A_634, %min3A_638 : vector<16xf32>
        %min3A_646 = arith.minimumf %min3A_634, %min3A_638 : vector<16xf32>
        %max3A_647 = arith.maximumf %max3A_639, %max3A_641 : vector<16xf32>
        %min3A_648 = arith.minimumf %max3A_639, %max3A_641 : vector<16xf32>
        %max3A_649 = arith.maximumf %min3A_640, %min3A_642 : vector<16xf32>
        %min3A_650 = arith.minimumf %min3A_640, %min3A_642 : vector<16xf32>
        %max3A_651 = arith.maximumf %max3A_643, %max3A_645 : vector<16xf32>
        %min3A_652 = arith.minimumf %max3A_643, %max3A_645 : vector<16xf32>
        %max3A_653 = arith.maximumf %min3A_644, %min3A_646 : vector<16xf32>
        %min3A_654 = arith.minimumf %min3A_644, %min3A_646 : vector<16xf32>
        scf.yield %max3A_647, %min3A_648, %max3A_649, %min3A_650, %max3A_651, %min3A_652, %max3A_653, %min3A_654 : vector<16xf32>, vector<16xf32>, vector<16xf32>, vector<16xf32>, vector<16xf32>, vector<16xf32>, vector<16xf32>, vector<16xf32>
      }
      %scan3A_423 = arith.constant 32 : i32
      %scan3A_424 = arith.constant 0 : i32
      %scan3A_425 = arith.constant 32 : i32
      %scan3A_426 = arith.addi %scan3A_424, %scan3A_425 : i32
      %scan3A_427 = arith.constant 1 : i32
      %scan3A_428:8 = scf.for %scan3A_536 = %scan3A_424 to %scan3A_426 step %scan3A_427 iter_args(%scan3A_537 = %scan3A_352, %scan3A_538 = %scan3A_353, %scan3A_539 = %scan3A_354, %scan3A_540 = %scan3A_355, %scan3A_541 = %scan3A_356, %scan3A_542 = %scan3A_357, %scan3A_543 = %scan3A_358, %scan3A_544 = %scan3A_359) -> (vector<16xf32>, vector<16xf32>, vector<16xf32>, vector<16xf32>, vector<16xf32>, vector<16xf32>, vector<16xf32>, vector<16xf32>)  : i32 {
        %mul3A_545 = arith.constant 8 : i32
        %mul3A_546 = arith.muli %scan3A_536, %mul3A_545 : i32
        %add3A_547 = arith.constant 0 : i32
        %add3A_548 = arith.addi %mul3A_546, %add3A_547 : i32
        %get3A = arith.index_cast %add3A_548 : i32 to index
        %get3A_549 = arith.constant 48 : index
        %get3A_550 = tpu.vector_load %arg4[%get3A, %get3A_549] {strides = array<i32>} : memref<256x128xf32, #tpu.memory_space<vmem>>, vector<16xf32>,
        %add3A_551 = arith.constant 1 : i32
        %add3A_552 = arith.addi %mul3A_546, %add3A_551 : i32
        %get3A_553 = arith.index_cast %add3A_552 : i32 to index
        %get3A_554 = arith.constant 48 : index
        %get3A_555 = tpu.vector_load %arg4[%get3A_553, %get3A_554] {strides = array<i32>} : memref<256x128xf32, #tpu.memory_space<vmem>>, vector<16xf32>,
        %add3A_556 = arith.constant 2 : i32
        %add3A_557 = arith.addi %mul3A_546, %add3A_556 : i32
        %get3A_558 = arith.index_cast %add3A_557 : i32 to index
        %get3A_559 = arith.constant 48 : index
        %get3A_560 = tpu.vector_load %arg4[%get3A_558, %get3A_559] {strides = array<i32>} : memref<256x128xf32, #tpu.memory_space<vmem>>, vector<16xf32>,
        %add3A_561 = arith.constant 3 : i32
        %add3A_562 = arith.addi %mul3A_546, %add3A_561 : i32
        %get3A_563 = arith.index_cast %add3A_562 : i32 to index
        %get3A_564 = arith.constant 48 : index
        %get3A_565 = tpu.vector_load %arg4[%get3A_563, %get3A_564] {strides = array<i32>} : memref<256x128xf32, #tpu.memory_space<vmem>>, vector<16xf32>,
        %add3A_566 = arith.constant 4 : i32
        %add3A_567 = arith.addi %mul3A_546, %add3A_566 : i32
        %get3A_568 = arith.index_cast %add3A_567 : i32 to index
        %get3A_569 = arith.constant 48 : index
        %get3A_570 = tpu.vector_load %arg4[%get3A_568, %get3A_569] {strides = array<i32>} : memref<256x128xf32, #tpu.memory_space<vmem>>, vector<16xf32>,
        %add3A_571 = arith.constant 5 : i32
        %add3A_572 = arith.addi %mul3A_546, %add3A_571 : i32
        %get3A_573 = arith.index_cast %add3A_572 : i32 to index
        %get3A_574 = arith.constant 48 : index
        %get3A_575 = tpu.vector_load %arg4[%get3A_573, %get3A_574] {strides = array<i32>} : memref<256x128xf32, #tpu.memory_space<vmem>>, vector<16xf32>,
        %add3A_576 = arith.constant 6 : i32
        %add3A_577 = arith.addi %mul3A_546, %add3A_576 : i32
        %get3A_578 = arith.index_cast %add3A_577 : i32 to index
        %get3A_579 = arith.constant 48 : index
        %get3A_580 = tpu.vector_load %arg4[%get3A_578, %get3A_579] {strides = array<i32>} : memref<256x128xf32, #tpu.memory_space<vmem>>, vector<16xf32>,
        %add3A_581 = arith.constant 7 : i32
        %add3A_582 = arith.addi %mul3A_546, %add3A_581 : i32
        %get3A_583 = arith.index_cast %add3A_582 : i32 to index
        %get3A_584 = arith.constant 48 : index
        %get3A_585 = tpu.vector_load %arg4[%get3A_583, %get3A_584] {strides = array<i32>} : memref<256x128xf32, #tpu.memory_space<vmem>>, vector<16xf32>,
        %max3A = arith.maximumf %get3A_550, %get3A_555 : vector<16xf32>
        %min3A_586 = arith.minimumf %get3A_550, %get3A_555 : vector<16xf32>
        %max3A_587 = arith.maximumf %get3A_560, %get3A_565 : vector<16xf32>
        %min3A_588 = arith.minimumf %get3A_560, %get3A_565 : vector<16xf32>
        %max3A_589 = arith.maximumf %get3A_570, %get3A_575 : vector<16xf32>
        %min3A_590 = arith.minimumf %get3A_570, %get3A_575 : vector<16xf32>
        %max3A_591 = arith.maximumf %get3A_580, %get3A_585 : vector<16xf32>
        %min3A_592 = arith.minimumf %get3A_580, %get3A_585 : vector<16xf32>
        %max3A_593 = arith.maximumf %max3A, %max3A_587 : vector<16xf32>
        %min3A_594 = arith.minimumf %max3A, %max3A_587 : vector<16xf32>
        %max3A_595 = arith.maximumf %min3A_586, %min3A_588 : vector<16xf32>
        %min3A_596 = arith.minimumf %min3A_586, %min3A_588 : vector<16xf32>
        %max3A_597 = arith.maximumf %max3A_589, %max3A_591 : vector<16xf32>
        %min3A_598 = arith.minimumf %max3A_589, %max3A_591 : vector<16xf32>
        %max3A_599 = arith.maximumf %min3A_590, %min3A_592 : vector<16xf32>
        %min3A_600 = arith.minimumf %min3A_590, %min3A_592 : vector<16xf32>
        %max3A_601 = arith.maximumf %max3A_595, %min3A_594 : vector<16xf32>
        %min3A_602 = arith.minimumf %max3A_595, %min3A_594 : vector<16xf32>
        %max3A_603 = arith.maximumf %max3A_599, %min3A_598 : vector<16xf32>
        %min3A_604 = arith.minimumf %max3A_599, %min3A_598 : vector<16xf32>
        %max3A_605 = arith.maximumf %max3A_593, %max3A_597 : vector<16xf32>
        %min3A_606 = arith.minimumf %max3A_593, %max3A_597 : vector<16xf32>
        %max3A_607 = arith.maximumf %max3A_601, %max3A_603 : vector<16xf32>
        %min3A_608 = arith.minimumf %max3A_601, %max3A_603 : vector<16xf32>
        %max3A_609 = arith.maximumf %min3A_602, %min3A_604 : vector<16xf32>
        %min3A_610 = arith.minimumf %min3A_602, %min3A_604 : vector<16xf32>
        %max3A_611 = arith.maximumf %min3A_596, %min3A_600 : vector<16xf32>
        %min3A_612 = arith.minimumf %min3A_596, %min3A_600 : vector<16xf32>
        %max3A_613 = arith.maximumf %max3A_609, %min3A_606 : vector<16xf32>
        %min3A_614 = arith.minimumf %max3A_609, %min3A_606 : vector<16xf32>
        %max3A_615 = arith.maximumf %max3A_611, %min3A_608 : vector<16xf32>
        %min3A_616 = arith.minimumf %max3A_611, %min3A_608 : vector<16xf32>
        %max3A_617 = arith.maximumf %max3A_607, %max3A_613 : vector<16xf32>
        %min3A_618 = arith.minimumf %max3A_607, %max3A_613 : vector<16xf32>
        %max3A_619 = arith.maximumf %max3A_615, %min3A_614 : vector<16xf32>
        %min3A_620 = arith.minimumf %max3A_615, %min3A_614 : vector<16xf32>
        %max3A_621 = arith.maximumf %min3A_616, %min3A_610 : vector<16xf32>
        %min3A_622 = arith.minimumf %min3A_616, %min3A_610 : vector<16xf32>
        %max3A_623 = arith.maximumf %scan3A_537, %min3A_612 : vector<16xf32>
        %max3A_624 = arith.maximumf %scan3A_538, %min3A_622 : vector<16xf32>
        %max3A_625 = arith.maximumf %scan3A_539, %max3A_621 : vector<16xf32>
        %max3A_626 = arith.maximumf %scan3A_540, %min3A_620 : vector<16xf32>
        %max3A_627 = arith.maximumf %scan3A_541, %max3A_619 : vector<16xf32>
        %max3A_628 = arith.maximumf %scan3A_542, %min3A_618 : vector<16xf32>
        %max3A_629 = arith.maximumf %scan3A_543, %max3A_617 : vector<16xf32>
        %max3A_630 = arith.maximumf %scan3A_544, %max3A_605 : vector<16xf32>
        %max3A_631 = arith.maximumf %max3A_623, %max3A_627 : vector<16xf32>
        %min3A_632 = arith.minimumf %max3A_623, %max3A_627 : vector<16xf32>
        %max3A_633 = arith.maximumf %max3A_624, %max3A_628 : vector<16xf32>
        %min3A_634 = arith.minimumf %max3A_624, %max3A_628 : vector<16xf32>
        %max3A_635 = arith.maximumf %max3A_625, %max3A_629 : vector<16xf32>
        %min3A_636 = arith.minimumf %max3A_625, %max3A_629 : vector<16xf32>
        %max3A_637 = arith.maximumf %max3A_626, %max3A_630 : vector<16xf32>
        %min3A_638 = arith.minimumf %max3A_626, %max3A_630 : vector<16xf32>
        %max3A_639 = arith.maximumf %max3A_631, %max3A_635 : vector<16xf32>
        %min3A_640 = arith.minimumf %max3A_631, %max3A_635 : vector<16xf32>
        %max3A_641 = arith.maximumf %max3A_633, %max3A_637 : vector<16xf32>
        %min3A_642 = arith.minimumf %max3A_633, %max3A_637 : vector<16xf32>
        %max3A_643 = arith.maximumf %min3A_632, %min3A_636 : vector<16xf32>
        %min3A_644 = arith.minimumf %min3A_632, %min3A_636 : vector<16xf32>
        %max3A_645 = arith.maximumf %min3A_634, %min3A_638 : vector<16xf32>
        %min3A_646 = arith.minimumf %min3A_634, %min3A_638 : vector<16xf32>
        %max3A_647 = arith.maximumf %max3A_639, %max3A_641 : vector<16xf32>
        %min3A_648 = arith.minimumf %max3A_639, %max3A_641 : vector<16xf32>
        %max3A_649 = arith.maximumf %min3A_640, %min3A_642 : vector<16xf32>
        %min3A_650 = arith.minimumf %min3A_640, %min3A_642 : vector<16xf32>
        %max3A_651 = arith.maximumf %max3A_643, %max3A_645 : vector<16xf32>
        %min3A_652 = arith.minimumf %max3A_643, %max3A_645 : vector<16xf32>
        %max3A_653 = arith.maximumf %min3A_644, %min3A_646 : vector<16xf32>
        %min3A_654 = arith.minimumf %min3A_644, %min3A_646 : vector<16xf32>
        scf.yield %max3A_647, %min3A_648, %max3A_649, %min3A_650, %max3A_651, %min3A_652, %max3A_653, %min3A_654 : vector<16xf32>, vector<16xf32>, vector<16xf32>, vector<16xf32>, vector<16xf32>, vector<16xf32>, vector<16xf32>, vector<16xf32>
      }
      %scan3A_429 = arith.constant 32 : i32
      %scan3A_430 = arith.constant 0 : i32
      %scan3A_431 = arith.constant 32 : i32
      %scan3A_432 = arith.addi %scan3A_430, %scan3A_431 : i32
      %scan3A_433 = arith.constant 1 : i32
      %scan3A_434:8 = scf.for %scan3A_536 = %scan3A_430 to %scan3A_432 step %scan3A_433 iter_args(%scan3A_537 = %scan3A_360, %scan3A_538 = %scan3A_361, %scan3A_539 = %scan3A_362, %scan3A_540 = %scan3A_363, %scan3A_541 = %scan3A_364, %scan3A_542 = %scan3A_365, %scan3A_543 = %scan3A_366, %scan3A_544 = %scan3A_367) -> (vector<16xf32>, vector<16xf32>, vector<16xf32>, vector<16xf32>, vector<16xf32>, vector<16xf32>, vector<16xf32>, vector<16xf32>)  : i32 {
        %mul3A_545 = arith.constant 8 : i32
        %mul3A_546 = arith.muli %scan3A_536, %mul3A_545 : i32
        %add3A_547 = arith.constant 0 : i32
        %add3A_548 = arith.addi %mul3A_546, %add3A_547 : i32
        %get3A = arith.index_cast %add3A_548 : i32 to index
        %get3A_549 = arith.constant 64 : index
        %get3A_550 = tpu.vector_load %arg4[%get3A, %get3A_549] {strides = array<i32>} : memref<256x128xf32, #tpu.memory_space<vmem>>, vector<16xf32>,
        %add3A_551 = arith.constant 1 : i32
        %add3A_552 = arith.addi %mul3A_546, %add3A_551 : i32
        %get3A_553 = arith.index_cast %add3A_552 : i32 to index
        %get3A_554 = arith.constant 64 : index
        %get3A_555 = tpu.vector_load %arg4[%get3A_553, %get3A_554] {strides = array<i32>} : memref<256x128xf32, #tpu.memory_space<vmem>>, vector<16xf32>,
        %add3A_556 = arith.constant 2 : i32
        %add3A_557 = arith.addi %mul3A_546, %add3A_556 : i32
        %get3A_558 = arith.index_cast %add3A_557 : i32 to index
        %get3A_559 = arith.constant 64 : index
        %get3A_560 = tpu.vector_load %arg4[%get3A_558, %get3A_559] {strides = array<i32>} : memref<256x128xf32, #tpu.memory_space<vmem>>, vector<16xf32>,
        %add3A_561 = arith.constant 3 : i32
        %add3A_562 = arith.addi %mul3A_546, %add3A_561 : i32
        %get3A_563 = arith.index_cast %add3A_562 : i32 to index
        %get3A_564 = arith.constant 64 : index
        %get3A_565 = tpu.vector_load %arg4[%get3A_563, %get3A_564] {strides = array<i32>} : memref<256x128xf32, #tpu.memory_space<vmem>>, vector<16xf32>,
        %add3A_566 = arith.constant 4 : i32
        %add3A_567 = arith.addi %mul3A_546, %add3A_566 : i32
        %get3A_568 = arith.index_cast %add3A_567 : i32 to index
        %get3A_569 = arith.constant 64 : index
        %get3A_570 = tpu.vector_load %arg4[%get3A_568, %get3A_569] {strides = array<i32>} : memref<256x128xf32, #tpu.memory_space<vmem>>, vector<16xf32>,
        %add3A_571 = arith.constant 5 : i32
        %add3A_572 = arith.addi %mul3A_546, %add3A_571 : i32
        %get3A_573 = arith.index_cast %add3A_572 : i32 to index
        %get3A_574 = arith.constant 64 : index
        %get3A_575 = tpu.vector_load %arg4[%get3A_573, %get3A_574] {strides = array<i32>} : memref<256x128xf32, #tpu.memory_space<vmem>>, vector<16xf32>,
        %add3A_576 = arith.constant 6 : i32
        %add3A_577 = arith.addi %mul3A_546, %add3A_576 : i32
        %get3A_578 = arith.index_cast %add3A_577 : i32 to index
        %get3A_579 = arith.constant 64 : index
        %get3A_580 = tpu.vector_load %arg4[%get3A_578, %get3A_579] {strides = array<i32>} : memref<256x128xf32, #tpu.memory_space<vmem>>, vector<16xf32>,
        %add3A_581 = arith.constant 7 : i32
        %add3A_582 = arith.addi %mul3A_546, %add3A_581 : i32
        %get3A_583 = arith.index_cast %add3A_582 : i32 to index
        %get3A_584 = arith.constant 64 : index
        %get3A_585 = tpu.vector_load %arg4[%get3A_583, %get3A_584] {strides = array<i32>} : memref<256x128xf32, #tpu.memory_space<vmem>>, vector<16xf32>,
        %max3A = arith.maximumf %get3A_550, %get3A_555 : vector<16xf32>
        %min3A_586 = arith.minimumf %get3A_550, %get3A_555 : vector<16xf32>
        %max3A_587 = arith.maximumf %get3A_560, %get3A_565 : vector<16xf32>
        %min3A_588 = arith.minimumf %get3A_560, %get3A_565 : vector<16xf32>
        %max3A_589 = arith.maximumf %get3A_570, %get3A_575 : vector<16xf32>
        %min3A_590 = arith.minimumf %get3A_570, %get3A_575 : vector<16xf32>
        %max3A_591 = arith.maximumf %get3A_580, %get3A_585 : vector<16xf32>
        %min3A_592 = arith.minimumf %get3A_580, %get3A_585 : vector<16xf32>
        %max3A_593 = arith.maximumf %max3A, %max3A_587 : vector<16xf32>
        %min3A_594 = arith.minimumf %max3A, %max3A_587 : vector<16xf32>
        %max3A_595 = arith.maximumf %min3A_586, %min3A_588 : vector<16xf32>
        %min3A_596 = arith.minimumf %min3A_586, %min3A_588 : vector<16xf32>
        %max3A_597 = arith.maximumf %max3A_589, %max3A_591 : vector<16xf32>
        %min3A_598 = arith.minimumf %max3A_589, %max3A_591 : vector<16xf32>
        %max3A_599 = arith.maximumf %min3A_590, %min3A_592 : vector<16xf32>
        %min3A_600 = arith.minimumf %min3A_590, %min3A_592 : vector<16xf32>
        %max3A_601 = arith.maximumf %max3A_595, %min3A_594 : vector<16xf32>
        %min3A_602 = arith.minimumf %max3A_595, %min3A_594 : vector<16xf32>
        %max3A_603 = arith.maximumf %max3A_599, %min3A_598 : vector<16xf32>
        %min3A_604 = arith.minimumf %max3A_599, %min3A_598 : vector<16xf32>
        %max3A_605 = arith.maximumf %max3A_593, %max3A_597 : vector<16xf32>
        %min3A_606 = arith.minimumf %max3A_593, %max3A_597 : vector<16xf32>
        %max3A_607 = arith.maximumf %max3A_601, %max3A_603 : vector<16xf32>
        %min3A_608 = arith.minimumf %max3A_601, %max3A_603 : vector<16xf32>
        %max3A_609 = arith.maximumf %min3A_602, %min3A_604 : vector<16xf32>
        %min3A_610 = arith.minimumf %min3A_602, %min3A_604 : vector<16xf32>
        %max3A_611 = arith.maximumf %min3A_596, %min3A_600 : vector<16xf32>
        %min3A_612 = arith.minimumf %min3A_596, %min3A_600 : vector<16xf32>
        %max3A_613 = arith.maximumf %max3A_609, %min3A_606 : vector<16xf32>
        %min3A_614 = arith.minimumf %max3A_609, %min3A_606 : vector<16xf32>
        %max3A_615 = arith.maximumf %max3A_611, %min3A_608 : vector<16xf32>
        %min3A_616 = arith.minimumf %max3A_611, %min3A_608 : vector<16xf32>
        %max3A_617 = arith.maximumf %max3A_607, %max3A_613 : vector<16xf32>
        %min3A_618 = arith.minimumf %max3A_607, %max3A_613 : vector<16xf32>
        %max3A_619 = arith.maximumf %max3A_615, %min3A_614 : vector<16xf32>
        %min3A_620 = arith.minimumf %max3A_615, %min3A_614 : vector<16xf32>
        %max3A_621 = arith.maximumf %min3A_616, %min3A_610 : vector<16xf32>
        %min3A_622 = arith.minimumf %min3A_616, %min3A_610 : vector<16xf32>
        %max3A_623 = arith.maximumf %scan3A_537, %min3A_612 : vector<16xf32>
        %max3A_624 = arith.maximumf %scan3A_538, %min3A_622 : vector<16xf32>
        %max3A_625 = arith.maximumf %scan3A_539, %max3A_621 : vector<16xf32>
        %max3A_626 = arith.maximumf %scan3A_540, %min3A_620 : vector<16xf32>
        %max3A_627 = arith.maximumf %scan3A_541, %max3A_619 : vector<16xf32>
        %max3A_628 = arith.maximumf %scan3A_542, %min3A_618 : vector<16xf32>
        %max3A_629 = arith.maximumf %scan3A_543, %max3A_617 : vector<16xf32>
        %max3A_630 = arith.maximumf %scan3A_544, %max3A_605 : vector<16xf32>
        %max3A_631 = arith.maximumf %max3A_623, %max3A_627 : vector<16xf32>
        %min3A_632 = arith.minimumf %max3A_623, %max3A_627 : vector<16xf32>
        %max3A_633 = arith.maximumf %max3A_624, %max3A_628 : vector<16xf32>
        %min3A_634 = arith.minimumf %max3A_624, %max3A_628 : vector<16xf32>
        %max3A_635 = arith.maximumf %max3A_625, %max3A_629 : vector<16xf32>
        %min3A_636 = arith.minimumf %max3A_625, %max3A_629 : vector<16xf32>
        %max3A_637 = arith.maximumf %max3A_626, %max3A_630 : vector<16xf32>
        %min3A_638 = arith.minimumf %max3A_626, %max3A_630 : vector<16xf32>
        %max3A_639 = arith.maximumf %max3A_631, %max3A_635 : vector<16xf32>
        %min3A_640 = arith.minimumf %max3A_631, %max3A_635 : vector<16xf32>
        %max3A_641 = arith.maximumf %max3A_633, %max3A_637 : vector<16xf32>
        %min3A_642 = arith.minimumf %max3A_633, %max3A_637 : vector<16xf32>
        %max3A_643 = arith.maximumf %min3A_632, %min3A_636 : vector<16xf32>
        %min3A_644 = arith.minimumf %min3A_632, %min3A_636 : vector<16xf32>
        %max3A_645 = arith.maximumf %min3A_634, %min3A_638 : vector<16xf32>
        %min3A_646 = arith.minimumf %min3A_634, %min3A_638 : vector<16xf32>
        %max3A_647 = arith.maximumf %max3A_639, %max3A_641 : vector<16xf32>
        %min3A_648 = arith.minimumf %max3A_639, %max3A_641 : vector<16xf32>
        %max3A_649 = arith.maximumf %min3A_640, %min3A_642 : vector<16xf32>
        %min3A_650 = arith.minimumf %min3A_640, %min3A_642 : vector<16xf32>
        %max3A_651 = arith.maximumf %max3A_643, %max3A_645 : vector<16xf32>
        %min3A_652 = arith.minimumf %max3A_643, %max3A_645 : vector<16xf32>
        %max3A_653 = arith.maximumf %min3A_644, %min3A_646 : vector<16xf32>
        %min3A_654 = arith.minimumf %min3A_644, %min3A_646 : vector<16xf32>
        scf.yield %max3A_647, %min3A_648, %max3A_649, %min3A_650, %max3A_651, %min3A_652, %max3A_653, %min3A_654 : vector<16xf32>, vector<16xf32>, vector<16xf32>, vector<16xf32>, vector<16xf32>, vector<16xf32>, vector<16xf32>, vector<16xf32>
      }
      %scan3A_435 = arith.constant 32 : i32
      %scan3A_436 = arith.constant 0 : i32
      %scan3A_437 = arith.constant 32 : i32
      %scan3A_438 = arith.addi %scan3A_436, %scan3A_437 : i32
      %scan3A_439 = arith.constant 1 : i32
      %scan3A_440:8 = scf.for %scan3A_536 = %scan3A_436 to %scan3A_438 step %scan3A_439 iter_args(%scan3A_537 = %scan3A_368, %scan3A_538 = %scan3A_369, %scan3A_539 = %scan3A_370, %scan3A_540 = %scan3A_371, %scan3A_541 = %scan3A_372, %scan3A_542 = %scan3A_373, %scan3A_543 = %scan3A_374, %scan3A_544 = %scan3A_375) -> (vector<16xf32>, vector<16xf32>, vector<16xf32>, vector<16xf32>, vector<16xf32>, vector<16xf32>, vector<16xf32>, vector<16xf32>)  : i32 {
        %mul3A_545 = arith.constant 8 : i32
        %mul3A_546 = arith.muli %scan3A_536, %mul3A_545 : i32
        %add3A_547 = arith.constant 0 : i32
        %add3A_548 = arith.addi %mul3A_546, %add3A_547 : i32
        %get3A = arith.index_cast %add3A_548 : i32 to index
        %get3A_549 = arith.constant 80 : index
        %get3A_550 = tpu.vector_load %arg4[%get3A, %get3A_549] {strides = array<i32>} : memref<256x128xf32, #tpu.memory_space<vmem>>, vector<16xf32>,
        %add3A_551 = arith.constant 1 : i32
        %add3A_552 = arith.addi %mul3A_546, %add3A_551 : i32
        %get3A_553 = arith.index_cast %add3A_552 : i32 to index
        %get3A_554 = arith.constant 80 : index
        %get3A_555 = tpu.vector_load %arg4[%get3A_553, %get3A_554] {strides = array<i32>} : memref<256x128xf32, #tpu.memory_space<vmem>>, vector<16xf32>,
        %add3A_556 = arith.constant 2 : i32
        %add3A_557 = arith.addi %mul3A_546, %add3A_556 : i32
        %get3A_558 = arith.index_cast %add3A_557 : i32 to index
        %get3A_559 = arith.constant 80 : index
        %get3A_560 = tpu.vector_load %arg4[%get3A_558, %get3A_559] {strides = array<i32>} : memref<256x128xf32, #tpu.memory_space<vmem>>, vector<16xf32>,
        %add3A_561 = arith.constant 3 : i32
        %add3A_562 = arith.addi %mul3A_546, %add3A_561 : i32
        %get3A_563 = arith.index_cast %add3A_562 : i32 to index
        %get3A_564 = arith.constant 80 : index
        %get3A_565 = tpu.vector_load %arg4[%get3A_563, %get3A_564] {strides = array<i32>} : memref<256x128xf32, #tpu.memory_space<vmem>>, vector<16xf32>,
        %add3A_566 = arith.constant 4 : i32
        %add3A_567 = arith.addi %mul3A_546, %add3A_566 : i32
        %get3A_568 = arith.index_cast %add3A_567 : i32 to index
        %get3A_569 = arith.constant 80 : index
        %get3A_570 = tpu.vector_load %arg4[%get3A_568, %get3A_569] {strides = array<i32>} : memref<256x128xf32, #tpu.memory_space<vmem>>, vector<16xf32>,
        %add3A_571 = arith.constant 5 : i32
        %add3A_572 = arith.addi %mul3A_546, %add3A_571 : i32
        %get3A_573 = arith.index_cast %add3A_572 : i32 to index
        %get3A_574 = arith.constant 80 : index
        %get3A_575 = tpu.vector_load %arg4[%get3A_573, %get3A_574] {strides = array<i32>} : memref<256x128xf32, #tpu.memory_space<vmem>>, vector<16xf32>,
        %add3A_576 = arith.constant 6 : i32
        %add3A_577 = arith.addi %mul3A_546, %add3A_576 : i32
        %get3A_578 = arith.index_cast %add3A_577 : i32 to index
        %get3A_579 = arith.constant 80 : index
        %get3A_580 = tpu.vector_load %arg4[%get3A_578, %get3A_579] {strides = array<i32>} : memref<256x128xf32, #tpu.memory_space<vmem>>, vector<16xf32>,
        %add3A_581 = arith.constant 7 : i32
        %add3A_582 = arith.addi %mul3A_546, %add3A_581 : i32
        %get3A_583 = arith.index_cast %add3A_582 : i32 to index
        %get3A_584 = arith.constant 80 : index
        %get3A_585 = tpu.vector_load %arg4[%get3A_583, %get3A_584] {strides = array<i32>} : memref<256x128xf32, #tpu.memory_space<vmem>>, vector<16xf32>,
        %max3A = arith.maximumf %get3A_550, %get3A_555 : vector<16xf32>
        %min3A_586 = arith.minimumf %get3A_550, %get3A_555 : vector<16xf32>
        %max3A_587 = arith.maximumf %get3A_560, %get3A_565 : vector<16xf32>
        %min3A_588 = arith.minimumf %get3A_560, %get3A_565 : vector<16xf32>
        %max3A_589 = arith.maximumf %get3A_570, %get3A_575 : vector<16xf32>
        %min3A_590 = arith.minimumf %get3A_570, %get3A_575 : vector<16xf32>
        %max3A_591 = arith.maximumf %get3A_580, %get3A_585 : vector<16xf32>
        %min3A_592 = arith.minimumf %get3A_580, %get3A_585 : vector<16xf32>
        %max3A_593 = arith.maximumf %max3A, %max3A_587 : vector<16xf32>
        %min3A_594 = arith.minimumf %max3A, %max3A_587 : vector<16xf32>
        %max3A_595 = arith.maximumf %min3A_586, %min3A_588 : vector<16xf32>
        %min3A_596 = arith.minimumf %min3A_586, %min3A_588 : vector<16xf32>
        %max3A_597 = arith.maximumf %max3A_589, %max3A_591 : vector<16xf32>
        %min3A_598 = arith.minimumf %max3A_589, %max3A_591 : vector<16xf32>
        %max3A_599 = arith.maximumf %min3A_590, %min3A_592 : vector<16xf32>
        %min3A_600 = arith.minimumf %min3A_590, %min3A_592 : vector<16xf32>
        %max3A_601 = arith.maximumf %max3A_595, %min3A_594 : vector<16xf32>
        %min3A_602 = arith.minimumf %max3A_595, %min3A_594 : vector<16xf32>
        %max3A_603 = arith.maximumf %max3A_599, %min3A_598 : vector<16xf32>
        %min3A_604 = arith.minimumf %max3A_599, %min3A_598 : vector<16xf32>
        %max3A_605 = arith.maximumf %max3A_593, %max3A_597 : vector<16xf32>
        %min3A_606 = arith.minimumf %max3A_593, %max3A_597 : vector<16xf32>
        %max3A_607 = arith.maximumf %max3A_601, %max3A_603 : vector<16xf32>
        %min3A_608 = arith.minimumf %max3A_601, %max3A_603 : vector<16xf32>
        %max3A_609 = arith.maximumf %min3A_602, %min3A_604 : vector<16xf32>
        %min3A_610 = arith.minimumf %min3A_602, %min3A_604 : vector<16xf32>
        %max3A_611 = arith.maximumf %min3A_596, %min3A_600 : vector<16xf32>
        %min3A_612 = arith.minimumf %min3A_596, %min3A_600 : vector<16xf32>
        %max3A_613 = arith.maximumf %max3A_609, %min3A_606 : vector<16xf32>
        %min3A_614 = arith.minimumf %max3A_609, %min3A_606 : vector<16xf32>
        %max3A_615 = arith.maximumf %max3A_611, %min3A_608 : vector<16xf32>
        %min3A_616 = arith.minimumf %max3A_611, %min3A_608 : vector<16xf32>
        %max3A_617 = arith.maximumf %max3A_607, %max3A_613 : vector<16xf32>
        %min3A_618 = arith.minimumf %max3A_607, %max3A_613 : vector<16xf32>
        %max3A_619 = arith.maximumf %max3A_615, %min3A_614 : vector<16xf32>
        %min3A_620 = arith.minimumf %max3A_615, %min3A_614 : vector<16xf32>
        %max3A_621 = arith.maximumf %min3A_616, %min3A_610 : vector<16xf32>
        %min3A_622 = arith.minimumf %min3A_616, %min3A_610 : vector<16xf32>
        %max3A_623 = arith.maximumf %scan3A_537, %min3A_612 : vector<16xf32>
        %max3A_624 = arith.maximumf %scan3A_538, %min3A_622 : vector<16xf32>
        %max3A_625 = arith.maximumf %scan3A_539, %max3A_621 : vector<16xf32>
        %max3A_626 = arith.maximumf %scan3A_540, %min3A_620 : vector<16xf32>
        %max3A_627 = arith.maximumf %scan3A_541, %max3A_619 : vector<16xf32>
        %max3A_628 = arith.maximumf %scan3A_542, %min3A_618 : vector<16xf32>
        %max3A_629 = arith.maximumf %scan3A_543, %max3A_617 : vector<16xf32>
        %max3A_630 = arith.maximumf %scan3A_544, %max3A_605 : vector<16xf32>
        %max3A_631 = arith.maximumf %max3A_623, %max3A_627 : vector<16xf32>
        %min3A_632 = arith.minimumf %max3A_623, %max3A_627 : vector<16xf32>
        %max3A_633 = arith.maximumf %max3A_624, %max3A_628 : vector<16xf32>
        %min3A_634 = arith.minimumf %max3A_624, %max3A_628 : vector<16xf32>
        %max3A_635 = arith.maximumf %max3A_625, %max3A_629 : vector<16xf32>
        %min3A_636 = arith.minimumf %max3A_625, %max3A_629 : vector<16xf32>
        %max3A_637 = arith.maximumf %max3A_626, %max3A_630 : vector<16xf32>
        %min3A_638 = arith.minimumf %max3A_626, %max3A_630 : vector<16xf32>
        %max3A_639 = arith.maximumf %max3A_631, %max3A_635 : vector<16xf32>
        %min3A_640 = arith.minimumf %max3A_631, %max3A_635 : vector<16xf32>
        %max3A_641 = arith.maximumf %max3A_633, %max3A_637 : vector<16xf32>
        %min3A_642 = arith.minimumf %max3A_633, %max3A_637 : vector<16xf32>
        %max3A_643 = arith.maximumf %min3A_632, %min3A_636 : vector<16xf32>
        %min3A_644 = arith.minimumf %min3A_632, %min3A_636 : vector<16xf32>
        %max3A_645 = arith.maximumf %min3A_634, %min3A_638 : vector<16xf32>
        %min3A_646 = arith.minimumf %min3A_634, %min3A_638 : vector<16xf32>
        %max3A_647 = arith.maximumf %max3A_639, %max3A_641 : vector<16xf32>
        %min3A_648 = arith.minimumf %max3A_639, %max3A_641 : vector<16xf32>
        %max3A_649 = arith.maximumf %min3A_640, %min3A_642 : vector<16xf32>
        %min3A_650 = arith.minimumf %min3A_640, %min3A_642 : vector<16xf32>
        %max3A_651 = arith.maximumf %max3A_643, %max3A_645 : vector<16xf32>
        %min3A_652 = arith.minimumf %max3A_643, %max3A_645 : vector<16xf32>
        %max3A_653 = arith.maximumf %min3A_644, %min3A_646 : vector<16xf32>
        %min3A_654 = arith.minimumf %min3A_644, %min3A_646 : vector<16xf32>
        scf.yield %max3A_647, %min3A_648, %max3A_649, %min3A_650, %max3A_651, %min3A_652, %max3A_653, %min3A_654 : vector<16xf32>, vector<16xf32>, vector<16xf32>, vector<16xf32>, vector<16xf32>, vector<16xf32>, vector<16xf32>, vector<16xf32>
      }
      %scan3A_441 = arith.constant 32 : i32
      %scan3A_442 = arith.constant 0 : i32
      %scan3A_443 = arith.constant 32 : i32
      %scan3A_444 = arith.addi %scan3A_442, %scan3A_443 : i32
      %scan3A_445 = arith.constant 1 : i32
      %scan3A_446:8 = scf.for %scan3A_536 = %scan3A_442 to %scan3A_444 step %scan3A_445 iter_args(%scan3A_537 = %scan3A_376, %scan3A_538 = %scan3A_377, %scan3A_539 = %scan3A_378, %scan3A_540 = %scan3A_379, %scan3A_541 = %scan3A_380, %scan3A_542 = %scan3A_381, %scan3A_543 = %scan3A_382, %scan3A_544 = %scan3A_383) -> (vector<16xf32>, vector<16xf32>, vector<16xf32>, vector<16xf32>, vector<16xf32>, vector<16xf32>, vector<16xf32>, vector<16xf32>)  : i32 {
        %mul3A_545 = arith.constant 8 : i32
        %mul3A_546 = arith.muli %scan3A_536, %mul3A_545 : i32
        %add3A_547 = arith.constant 0 : i32
        %add3A_548 = arith.addi %mul3A_546, %add3A_547 : i32
        %get3A = arith.index_cast %add3A_548 : i32 to index
        %get3A_549 = arith.constant 96 : index
        %get3A_550 = tpu.vector_load %arg4[%get3A, %get3A_549] {strides = array<i32>} : memref<256x128xf32, #tpu.memory_space<vmem>>, vector<16xf32>,
        %add3A_551 = arith.constant 1 : i32
        %add3A_552 = arith.addi %mul3A_546, %add3A_551 : i32
        %get3A_553 = arith.index_cast %add3A_552 : i32 to index
        %get3A_554 = arith.constant 96 : index
        %get3A_555 = tpu.vector_load %arg4[%get3A_553, %get3A_554] {strides = array<i32>} : memref<256x128xf32, #tpu.memory_space<vmem>>, vector<16xf32>,
        %add3A_556 = arith.constant 2 : i32
        %add3A_557 = arith.addi %mul3A_546, %add3A_556 : i32
        %get3A_558 = arith.index_cast %add3A_557 : i32 to index
        %get3A_559 = arith.constant 96 : index
        %get3A_560 = tpu.vector_load %arg4[%get3A_558, %get3A_559] {strides = array<i32>} : memref<256x128xf32, #tpu.memory_space<vmem>>, vector<16xf32>,
        %add3A_561 = arith.constant 3 : i32
        %add3A_562 = arith.addi %mul3A_546, %add3A_561 : i32
        %get3A_563 = arith.index_cast %add3A_562 : i32 to index
        %get3A_564 = arith.constant 96 : index
        %get3A_565 = tpu.vector_load %arg4[%get3A_563, %get3A_564] {strides = array<i32>} : memref<256x128xf32, #tpu.memory_space<vmem>>, vector<16xf32>,
        %add3A_566 = arith.constant 4 : i32
        %add3A_567 = arith.addi %mul3A_546, %add3A_566 : i32
        %get3A_568 = arith.index_cast %add3A_567 : i32 to index
        %get3A_569 = arith.constant 96 : index
        %get3A_570 = tpu.vector_load %arg4[%get3A_568, %get3A_569] {strides = array<i32>} : memref<256x128xf32, #tpu.memory_space<vmem>>, vector<16xf32>,
        %add3A_571 = arith.constant 5 : i32
        %add3A_572 = arith.addi %mul3A_546, %add3A_571 : i32
        %get3A_573 = arith.index_cast %add3A_572 : i32 to index
        %get3A_574 = arith.constant 96 : index
        %get3A_575 = tpu.vector_load %arg4[%get3A_573, %get3A_574] {strides = array<i32>} : memref<256x128xf32, #tpu.memory_space<vmem>>, vector<16xf32>,
        %add3A_576 = arith.constant 6 : i32
        %add3A_577 = arith.addi %mul3A_546, %add3A_576 : i32
        %get3A_578 = arith.index_cast %add3A_577 : i32 to index
        %get3A_579 = arith.constant 96 : index
        %get3A_580 = tpu.vector_load %arg4[%get3A_578, %get3A_579] {strides = array<i32>} : memref<256x128xf32, #tpu.memory_space<vmem>>, vector<16xf32>,
        %add3A_581 = arith.constant 7 : i32
        %add3A_582 = arith.addi %mul3A_546, %add3A_581 : i32
        %get3A_583 = arith.index_cast %add3A_582 : i32 to index
        %get3A_584 = arith.constant 96 : index
        %get3A_585 = tpu.vector_load %arg4[%get3A_583, %get3A_584] {strides = array<i32>} : memref<256x128xf32, #tpu.memory_space<vmem>>, vector<16xf32>,
        %max3A = arith.maximumf %get3A_550, %get3A_555 : vector<16xf32>
        %min3A_586 = arith.minimumf %get3A_550, %get3A_555 : vector<16xf32>
        %max3A_587 = arith.maximumf %get3A_560, %get3A_565 : vector<16xf32>
        %min3A_588 = arith.minimumf %get3A_560, %get3A_565 : vector<16xf32>
        %max3A_589 = arith.maximumf %get3A_570, %get3A_575 : vector<16xf32>
        %min3A_590 = arith.minimumf %get3A_570, %get3A_575 : vector<16xf32>
        %max3A_591 = arith.maximumf %get3A_580, %get3A_585 : vector<16xf32>
        %min3A_592 = arith.minimumf %get3A_580, %get3A_585 : vector<16xf32>
        %max3A_593 = arith.maximumf %max3A, %max3A_587 : vector<16xf32>
        %min3A_594 = arith.minimumf %max3A, %max3A_587 : vector<16xf32>
        %max3A_595 = arith.maximumf %min3A_586, %min3A_588 : vector<16xf32>
        %min3A_596 = arith.minimumf %min3A_586, %min3A_588 : vector<16xf32>
        %max3A_597 = arith.maximumf %max3A_589, %max3A_591 : vector<16xf32>
        %min3A_598 = arith.minimumf %max3A_589, %max3A_591 : vector<16xf32>
        %max3A_599 = arith.maximumf %min3A_590, %min3A_592 : vector<16xf32>
        %min3A_600 = arith.minimumf %min3A_590, %min3A_592 : vector<16xf32>
        %max3A_601 = arith.maximumf %max3A_595, %min3A_594 : vector<16xf32>
        %min3A_602 = arith.minimumf %max3A_595, %min3A_594 : vector<16xf32>
        %max3A_603 = arith.maximumf %max3A_599, %min3A_598 : vector<16xf32>
        %min3A_604 = arith.minimumf %max3A_599, %min3A_598 : vector<16xf32>
        %max3A_605 = arith.maximumf %max3A_593, %max3A_597 : vector<16xf32>
        %min3A_606 = arith.minimumf %max3A_593, %max3A_597 : vector<16xf32>
        %max3A_607 = arith.maximumf %max3A_601, %max3A_603 : vector<16xf32>
        %min3A_608 = arith.minimumf %max3A_601, %max3A_603 : vector<16xf32>
        %max3A_609 = arith.maximumf %min3A_602, %min3A_604 : vector<16xf32>
        %min3A_610 = arith.minimumf %min3A_602, %min3A_604 : vector<16xf32>
        %max3A_611 = arith.maximumf %min3A_596, %min3A_600 : vector<16xf32>
        %min3A_612 = arith.minimumf %min3A_596, %min3A_600 : vector<16xf32>
        %max3A_613 = arith.maximumf %max3A_609, %min3A_606 : vector<16xf32>
        %min3A_614 = arith.minimumf %max3A_609, %min3A_606 : vector<16xf32>
        %max3A_615 = arith.maximumf %max3A_611, %min3A_608 : vector<16xf32>
        %min3A_616 = arith.minimumf %max3A_611, %min3A_608 : vector<16xf32>
        %max3A_617 = arith.maximumf %max3A_607, %max3A_613 : vector<16xf32>
        %min3A_618 = arith.minimumf %max3A_607, %max3A_613 : vector<16xf32>
        %max3A_619 = arith.maximumf %max3A_615, %min3A_614 : vector<16xf32>
        %min3A_620 = arith.minimumf %max3A_615, %min3A_614 : vector<16xf32>
        %max3A_621 = arith.maximumf %min3A_616, %min3A_610 : vector<16xf32>
        %min3A_622 = arith.minimumf %min3A_616, %min3A_610 : vector<16xf32>
        %max3A_623 = arith.maximumf %scan3A_537, %min3A_612 : vector<16xf32>
        %max3A_624 = arith.maximumf %scan3A_538, %min3A_622 : vector<16xf32>
        %max3A_625 = arith.maximumf %scan3A_539, %max3A_621 : vector<16xf32>
        %max3A_626 = arith.maximumf %scan3A_540, %min3A_620 : vector<16xf32>
        %max3A_627 = arith.maximumf %scan3A_541, %max3A_619 : vector<16xf32>
        %max3A_628 = arith.maximumf %scan3A_542, %min3A_618 : vector<16xf32>
        %max3A_629 = arith.maximumf %scan3A_543, %max3A_617 : vector<16xf32>
        %max3A_630 = arith.maximumf %scan3A_544, %max3A_605 : vector<16xf32>
        %max3A_631 = arith.maximumf %max3A_623, %max3A_627 : vector<16xf32>
        %min3A_632 = arith.minimumf %max3A_623, %max3A_627 : vector<16xf32>
        %max3A_633 = arith.maximumf %max3A_624, %max3A_628 : vector<16xf32>
        %min3A_634 = arith.minimumf %max3A_624, %max3A_628 : vector<16xf32>
        %max3A_635 = arith.maximumf %max3A_625, %max3A_629 : vector<16xf32>
        %min3A_636 = arith.minimumf %max3A_625, %max3A_629 : vector<16xf32>
        %max3A_637 = arith.maximumf %max3A_626, %max3A_630 : vector<16xf32>
        %min3A_638 = arith.minimumf %max3A_626, %max3A_630 : vector<16xf32>
        %max3A_639 = arith.maximumf %max3A_631, %max3A_635 : vector<16xf32>
        %min3A_640 = arith.minimumf %max3A_631, %max3A_635 : vector<16xf32>
        %max3A_641 = arith.maximumf %max3A_633, %max3A_637 : vector<16xf32>
        %min3A_642 = arith.minimumf %max3A_633, %max3A_637 : vector<16xf32>
        %max3A_643 = arith.maximumf %min3A_632, %min3A_636 : vector<16xf32>
        %min3A_644 = arith.minimumf %min3A_632, %min3A_636 : vector<16xf32>
        %max3A_645 = arith.maximumf %min3A_634, %min3A_638 : vector<16xf32>
        %min3A_646 = arith.minimumf %min3A_634, %min3A_638 : vector<16xf32>
        %max3A_647 = arith.maximumf %max3A_639, %max3A_641 : vector<16xf32>
        %min3A_648 = arith.minimumf %max3A_639, %max3A_641 : vector<16xf32>
        %max3A_649 = arith.maximumf %min3A_640, %min3A_642 : vector<16xf32>
        %min3A_650 = arith.minimumf %min3A_640, %min3A_642 : vector<16xf32>
        %max3A_651 = arith.maximumf %max3A_643, %max3A_645 : vector<16xf32>
        %min3A_652 = arith.minimumf %max3A_643, %max3A_645 : vector<16xf32>
        %max3A_653 = arith.maximumf %min3A_644, %min3A_646 : vector<16xf32>
        %min3A_654 = arith.minimumf %min3A_644, %min3A_646 : vector<16xf32>
        scf.yield %max3A_647, %min3A_648, %max3A_649, %min3A_650, %max3A_651, %min3A_652, %max3A_653, %min3A_654 : vector<16xf32>, vector<16xf32>, vector<16xf32>, vector<16xf32>, vector<16xf32>, vector<16xf32>, vector<16xf32>, vector<16xf32>
      }
      %scan3A_447 = arith.constant 32 : i32
      %scan3A_448 = arith.constant 0 : i32
      %scan3A_449 = arith.constant 32 : i32
      %scan3A_450 = arith.addi %scan3A_448, %scan3A_449 : i32
      %scan3A_451 = arith.constant 1 : i32
      %scan3A_452:8 = scf.for %scan3A_536 = %scan3A_448 to %scan3A_450 step %scan3A_451 iter_args(%scan3A_537 = %scan3A_384, %scan3A_538 = %scan3A_385, %scan3A_539 = %scan3A_386, %scan3A_540 = %scan3A_387, %scan3A_541 = %scan3A_388, %scan3A_542 = %scan3A_389, %scan3A_543 = %scan3A_390, %scan3A_544 = %scan3A_391) -> (vector<16xf32>, vector<16xf32>, vector<16xf32>, vector<16xf32>, vector<16xf32>, vector<16xf32>, vector<16xf32>, vector<16xf32>)  : i32 {
        %mul3A_545 = arith.constant 8 : i32
        %mul3A_546 = arith.muli %scan3A_536, %mul3A_545 : i32
        %add3A_547 = arith.constant 0 : i32
        %add3A_548 = arith.addi %mul3A_546, %add3A_547 : i32
        %get3A = arith.index_cast %add3A_548 : i32 to index
        %get3A_549 = arith.constant 112 : index
        %get3A_550 = tpu.vector_load %arg4[%get3A, %get3A_549] {strides = array<i32>} : memref<256x128xf32, #tpu.memory_space<vmem>>, vector<16xf32>,
        %add3A_551 = arith.constant 1 : i32
        %add3A_552 = arith.addi %mul3A_546, %add3A_551 : i32
        %get3A_553 = arith.index_cast %add3A_552 : i32 to index
        %get3A_554 = arith.constant 112 : index
        %get3A_555 = tpu.vector_load %arg4[%get3A_553, %get3A_554] {strides = array<i32>} : memref<256x128xf32, #tpu.memory_space<vmem>>, vector<16xf32>,
        %add3A_556 = arith.constant 2 : i32
        %add3A_557 = arith.addi %mul3A_546, %add3A_556 : i32
        %get3A_558 = arith.index_cast %add3A_557 : i32 to index
        %get3A_559 = arith.constant 112 : index
        %get3A_560 = tpu.vector_load %arg4[%get3A_558, %get3A_559] {strides = array<i32>} : memref<256x128xf32, #tpu.memory_space<vmem>>, vector<16xf32>,
        %add3A_561 = arith.constant 3 : i32
        %add3A_562 = arith.addi %mul3A_546, %add3A_561 : i32
        %get3A_563 = arith.index_cast %add3A_562 : i32 to index
        %get3A_564 = arith.constant 112 : index
        %get3A_565 = tpu.vector_load %arg4[%get3A_563, %get3A_564] {strides = array<i32>} : memref<256x128xf32, #tpu.memory_space<vmem>>, vector<16xf32>,
        %add3A_566 = arith.constant 4 : i32
        %add3A_567 = arith.addi %mul3A_546, %add3A_566 : i32
        %get3A_568 = arith.index_cast %add3A_567 : i32 to index
        %get3A_569 = arith.constant 112 : index
        %get3A_570 = tpu.vector_load %arg4[%get3A_568, %get3A_569] {strides = array<i32>} : memref<256x128xf32, #tpu.memory_space<vmem>>, vector<16xf32>,
        %add3A_571 = arith.constant 5 : i32
        %add3A_572 = arith.addi %mul3A_546, %add3A_571 : i32
        %get3A_573 = arith.index_cast %add3A_572 : i32 to index
        %get3A_574 = arith.constant 112 : index
        %get3A_575 = tpu.vector_load %arg4[%get3A_573, %get3A_574] {strides = array<i32>} : memref<256x128xf32, #tpu.memory_space<vmem>>, vector<16xf32>,
        %add3A_576 = arith.constant 6 : i32
        %add3A_577 = arith.addi %mul3A_546, %add3A_576 : i32
        %get3A_578 = arith.index_cast %add3A_577 : i32 to index
        %get3A_579 = arith.constant 112 : index
        %get3A_580 = tpu.vector_load %arg4[%get3A_578, %get3A_579] {strides = array<i32>} : memref<256x128xf32, #tpu.memory_space<vmem>>, vector<16xf32>,
        %add3A_581 = arith.constant 7 : i32
        %add3A_582 = arith.addi %mul3A_546, %add3A_581 : i32
        %get3A_583 = arith.index_cast %add3A_582 : i32 to index
        %get3A_584 = arith.constant 112 : index
        %get3A_585 = tpu.vector_load %arg4[%get3A_583, %get3A_584] {strides = array<i32>} : memref<256x128xf32, #tpu.memory_space<vmem>>, vector<16xf32>,
        %max3A = arith.maximumf %get3A_550, %get3A_555 : vector<16xf32>
        %min3A_586 = arith.minimumf %get3A_550, %get3A_555 : vector<16xf32>
        %max3A_587 = arith.maximumf %get3A_560, %get3A_565 : vector<16xf32>
        %min3A_588 = arith.minimumf %get3A_560, %get3A_565 : vector<16xf32>
        %max3A_589 = arith.maximumf %get3A_570, %get3A_575 : vector<16xf32>
        %min3A_590 = arith.minimumf %get3A_570, %get3A_575 : vector<16xf32>
        %max3A_591 = arith.maximumf %get3A_580, %get3A_585 : vector<16xf32>
        %min3A_592 = arith.minimumf %get3A_580, %get3A_585 : vector<16xf32>
        %max3A_593 = arith.maximumf %max3A, %max3A_587 : vector<16xf32>
        %min3A_594 = arith.minimumf %max3A, %max3A_587 : vector<16xf32>
        %max3A_595 = arith.maximumf %min3A_586, %min3A_588 : vector<16xf32>
        %min3A_596 = arith.minimumf %min3A_586, %min3A_588 : vector<16xf32>
        %max3A_597 = arith.maximumf %max3A_589, %max3A_591 : vector<16xf32>
        %min3A_598 = arith.minimumf %max3A_589, %max3A_591 : vector<16xf32>
        %max3A_599 = arith.maximumf %min3A_590, %min3A_592 : vector<16xf32>
        %min3A_600 = arith.minimumf %min3A_590, %min3A_592 : vector<16xf32>
        %max3A_601 = arith.maximumf %max3A_595, %min3A_594 : vector<16xf32>
        %min3A_602 = arith.minimumf %max3A_595, %min3A_594 : vector<16xf32>
        %max3A_603 = arith.maximumf %max3A_599, %min3A_598 : vector<16xf32>
        %min3A_604 = arith.minimumf %max3A_599, %min3A_598 : vector<16xf32>
        %max3A_605 = arith.maximumf %max3A_593, %max3A_597 : vector<16xf32>
        %min3A_606 = arith.minimumf %max3A_593, %max3A_597 : vector<16xf32>
        %max3A_607 = arith.maximumf %max3A_601, %max3A_603 : vector<16xf32>
        %min3A_608 = arith.minimumf %max3A_601, %max3A_603 : vector<16xf32>
        %max3A_609 = arith.maximumf %min3A_602, %min3A_604 : vector<16xf32>
        %min3A_610 = arith.minimumf %min3A_602, %min3A_604 : vector<16xf32>
        %max3A_611 = arith.maximumf %min3A_596, %min3A_600 : vector<16xf32>
        %min3A_612 = arith.minimumf %min3A_596, %min3A_600 : vector<16xf32>
        %max3A_613 = arith.maximumf %max3A_609, %min3A_606 : vector<16xf32>
        %min3A_614 = arith.minimumf %max3A_609, %min3A_606 : vector<16xf32>
        %max3A_615 = arith.maximumf %max3A_611, %min3A_608 : vector<16xf32>
        %min3A_616 = arith.minimumf %max3A_611, %min3A_608 : vector<16xf32>
        %max3A_617 = arith.maximumf %max3A_607, %max3A_613 : vector<16xf32>
        %min3A_618 = arith.minimumf %max3A_607, %max3A_613 : vector<16xf32>
        %max3A_619 = arith.maximumf %max3A_615, %min3A_614 : vector<16xf32>
        %min3A_620 = arith.minimumf %max3A_615, %min3A_614 : vector<16xf32>
        %max3A_621 = arith.maximumf %min3A_616, %min3A_610 : vector<16xf32>
        %min3A_622 = arith.minimumf %min3A_616, %min3A_610 : vector<16xf32>
        %max3A_623 = arith.maximumf %scan3A_537, %min3A_612 : vector<16xf32>
        %max3A_624 = arith.maximumf %scan3A_538, %min3A_622 : vector<16xf32>
        %max3A_625 = arith.maximumf %scan3A_539, %max3A_621 : vector<16xf32>
        %max3A_626 = arith.maximumf %scan3A_540, %min3A_620 : vector<16xf32>
        %max3A_627 = arith.maximumf %scan3A_541, %max3A_619 : vector<16xf32>
        %max3A_628 = arith.maximumf %scan3A_542, %min3A_618 : vector<16xf32>
        %max3A_629 = arith.maximumf %scan3A_543, %max3A_617 : vector<16xf32>
        %max3A_630 = arith.maximumf %scan3A_544, %max3A_605 : vector<16xf32>
        %max3A_631 = arith.maximumf %max3A_623, %max3A_627 : vector<16xf32>
        %min3A_632 = arith.minimumf %max3A_623, %max3A_627 : vector<16xf32>
        %max3A_633 = arith.maximumf %max3A_624, %max3A_628 : vector<16xf32>
        %min3A_634 = arith.minimumf %max3A_624, %max3A_628 : vector<16xf32>
        %max3A_635 = arith.maximumf %max3A_625, %max3A_629 : vector<16xf32>
        %min3A_636 = arith.minimumf %max3A_625, %max3A_629 : vector<16xf32>
        %max3A_637 = arith.maximumf %max3A_626, %max3A_630 : vector<16xf32>
        %min3A_638 = arith.minimumf %max3A_626, %max3A_630 : vector<16xf32>
        %max3A_639 = arith.maximumf %max3A_631, %max3A_635 : vector<16xf32>
        %min3A_640 = arith.minimumf %max3A_631, %max3A_635 : vector<16xf32>
        %max3A_641 = arith.maximumf %max3A_633, %max3A_637 : vector<16xf32>
        %min3A_642 = arith.minimumf %max3A_633, %max3A_637 : vector<16xf32>
        %max3A_643 = arith.maximumf %min3A_632, %min3A_636 : vector<16xf32>
        %min3A_644 = arith.minimumf %min3A_632, %min3A_636 : vector<16xf32>
        %max3A_645 = arith.maximumf %min3A_634, %min3A_638 : vector<16xf32>
        %min3A_646 = arith.minimumf %min3A_634, %min3A_638 : vector<16xf32>
        %max3A_647 = arith.maximumf %max3A_639, %max3A_641 : vector<16xf32>
        %min3A_648 = arith.minimumf %max3A_639, %max3A_641 : vector<16xf32>
        %max3A_649 = arith.maximumf %min3A_640, %min3A_642 : vector<16xf32>
        %min3A_650 = arith.minimumf %min3A_640, %min3A_642 : vector<16xf32>
        %max3A_651 = arith.maximumf %max3A_643, %max3A_645 : vector<16xf32>
        %min3A_652 = arith.minimumf %max3A_643, %max3A_645 : vector<16xf32>
        %max3A_653 = arith.maximumf %min3A_644, %min3A_646 : vector<16xf32>
        %min3A_654 = arith.minimumf %min3A_644, %min3A_646 : vector<16xf32>
        scf.yield %max3A_647, %min3A_648, %max3A_649, %min3A_650, %max3A_651, %min3A_652, %max3A_653, %min3A_654 : vector<16xf32>, vector<16xf32>, vector<16xf32>, vector<16xf32>, vector<16xf32>, vector<16xf32>, vector<16xf32>, vector<16xf32>
      }
      %scan3A_453 = arith.constant 32 : i32
      %add3A_454 = arith.constant 0 : i32
      %add3A_455 = arith.addi %add3A_395, %add3A_454 : i32
      %add3A_456 = arith.constant 2 : i32
      %add3A_457 = arith.addi %add3A_455, %add3A_456 : i32
      %min3A_458 = arith.constant 31 : i32
      %min3A_459 = arith.minsi %add3A_457, %min3A_458 : i32
      %mul3A_460 = arith.constant 256 : i32
      %mul3A_461 = arith.muli %min3A_459, %mul3A_460 : i32
      %dma_start3A_462 = tpu.memref_slice %arg2[%select_n3A, %mul3A_461, %mul3A_32] : memref<4x8192x1024xf32, #tpu.memory_space<hbm>> -> memref<1x256x128xf32, #tpu.memory_space<hbm>>
      %dma_start3A_463 = tpu.memref_squeeze %dma_start3A_462 : memref<1x256x128xf32, #tpu.memory_space<hbm>> -> memref<256x128xf32, #tpu.memory_space<hbm>>
      %dma_start3A_464 = tpu.memref_slice %arg2[%select_n3A, %mul3A_461, %mul3A_32] : memref<4x8192x1024xf32, #tpu.memory_space<hbm>> -> memref<1x256x128xf32, #tpu.memory_space<hbm>>
      %dma_start3A_465 = tpu.memref_squeeze %dma_start3A_464 : memref<1x256x128xf32, #tpu.memory_space<hbm>> -> memref<256x128xf32, #tpu.memory_space<hbm>>
      tpu.enqueue_dma source(%dma_start3A_465 : memref<256x128xf32, #tpu.memory_space<hbm>>) target(%arg4 : memref<256x128xf32, #tpu.memory_space<vmem>>) target_semaphore(%arg7 : memref<!tpu.dma_semaphore, #tpu.memory_space<semaphore_mem>>)
      %add3A_466 = arith.constant 1 : i32
      %add3A_467 = arith.addi %add3A_395, %add3A_466 : i32
      %min3A_468 = arith.constant 31 : i32
      %min3A_469 = arith.minsi %add3A_467, %min3A_468 : i32
      %mul3A_470 = arith.constant 256 : i32
      %mul3A_471 = arith.muli %min3A_469, %mul3A_470 : i32
      %dma_wait3A_472 = tpu.memref_slice %arg2[%select_n3A, %mul3A_471, %mul3A_32] : memref<4x8192x1024xf32, #tpu.memory_space<hbm>> -> memref<1x256x128xf32, #tpu.memory_space<hbm>>
      %dma_wait3A_473 = tpu.memref_squeeze %dma_wait3A_472 : memref<1x256x128xf32, #tpu.memory_space<hbm>> -> memref<256x128xf32, #tpu.memory_space<hbm>>
      %dma_wait3A_474 = tpu.memref_slice %arg2[%select_n3A, %mul3A_471, %mul3A_32] : memref<4x8192x1024xf32, #tpu.memory_space<hbm>> -> memref<1x256x128xf32, #tpu.memory_space<hbm>>
      %dma_wait3A_475 = tpu.memref_squeeze %dma_wait3A_474 : memref<1x256x128xf32, #tpu.memory_space<hbm>> -> memref<256x128xf32, #tpu.memory_space<hbm>>
      tpu.wait_dma2 semaphore(%arg8 : memref<!tpu.dma_semaphore, #tpu.memory_space<semaphore_mem>>) src(%dma_wait3A_475 : memref<256x128xf32, #tpu.memory_space<hbm>>) dst(%arg5 : memref<256x128xf32, #tpu.memory_space<vmem>>)
      %scan3A_476 = arith.constant 0 : i32
      %scan3A_477 = arith.constant 32 : i32
      %scan3A_478 = arith.addi %scan3A_476, %scan3A_477 : i32
      %scan3A_479 = arith.constant 1 : i32
      %scan3A_480:8 = scf.for %scan3A_536 = %scan3A_476 to %scan3A_478 step %scan3A_479 iter_args(%scan3A_537 = %scan3A_410#0, %scan3A_538 = %scan3A_410#1, %scan3A_539 = %scan3A_410#2, %scan3A_540 = %scan3A_410#3, %scan3A_541 = %scan3A_410#4, %scan3A_542 = %scan3A_410#5, %scan3A_543 = %scan3A_410#6, %scan3A_544 = %scan3A_410#7) -> (vector<16xf32>, vector<16xf32>, vector<16xf32>, vector<16xf32>, vector<16xf32>, vector<16xf32>, vector<16xf32>, vector<16xf32>)  : i32 {
        %mul3A_545 = arith.constant 8 : i32
        %mul3A_546 = arith.muli %scan3A_536, %mul3A_545 : i32
        %add3A_547 = arith.constant 0 : i32
        %add3A_548 = arith.addi %mul3A_546, %add3A_547 : i32
        %get3A = arith.index_cast %add3A_548 : i32 to index
        %get3A_549 = arith.constant 0 : index
        %get3A_550 = tpu.vector_load %arg5[%get3A, %get3A_549] {strides = array<i32>} : memref<256x128xf32, #tpu.memory_space<vmem>>, vector<16xf32>,
        %add3A_551 = arith.constant 1 : i32
        %add3A_552 = arith.addi %mul3A_546, %add3A_551 : i32
        %get3A_553 = arith.index_cast %add3A_552 : i32 to index
        %get3A_554 = arith.constant 0 : index
        %get3A_555 = tpu.vector_load %arg5[%get3A_553, %get3A_554] {strides = array<i32>} : memref<256x128xf32, #tpu.memory_space<vmem>>, vector<16xf32>,
        %add3A_556 = arith.constant 2 : i32
        %add3A_557 = arith.addi %mul3A_546, %add3A_556 : i32
        %get3A_558 = arith.index_cast %add3A_557 : i32 to index
        %get3A_559 = arith.constant 0 : index
        %get3A_560 = tpu.vector_load %arg5[%get3A_558, %get3A_559] {strides = array<i32>} : memref<256x128xf32, #tpu.memory_space<vmem>>, vector<16xf32>,
        %add3A_561 = arith.constant 3 : i32
        %add3A_562 = arith.addi %mul3A_546, %add3A_561 : i32
        %get3A_563 = arith.index_cast %add3A_562 : i32 to index
        %get3A_564 = arith.constant 0 : index
        %get3A_565 = tpu.vector_load %arg5[%get3A_563, %get3A_564] {strides = array<i32>} : memref<256x128xf32, #tpu.memory_space<vmem>>, vector<16xf32>,
        %add3A_566 = arith.constant 4 : i32
        %add3A_567 = arith.addi %mul3A_546, %add3A_566 : i32
        %get3A_568 = arith.index_cast %add3A_567 : i32 to index
        %get3A_569 = arith.constant 0 : index
        %get3A_570 = tpu.vector_load %arg5[%get3A_568, %get3A_569] {strides = array<i32>} : memref<256x128xf32, #tpu.memory_space<vmem>>, vector<16xf32>,
        %add3A_571 = arith.constant 5 : i32
        %add3A_572 = arith.addi %mul3A_546, %add3A_571 : i32
        %get3A_573 = arith.index_cast %add3A_572 : i32 to index
        %get3A_574 = arith.constant 0 : index
        %get3A_575 = tpu.vector_load %arg5[%get3A_573, %get3A_574] {strides = array<i32>} : memref<256x128xf32, #tpu.memory_space<vmem>>, vector<16xf32>,
        %add3A_576 = arith.constant 6 : i32
        %add3A_577 = arith.addi %mul3A_546, %add3A_576 : i32
        %get3A_578 = arith.index_cast %add3A_577 : i32 to index
        %get3A_579 = arith.constant 0 : index
        %get3A_580 = tpu.vector_load %arg5[%get3A_578, %get3A_579] {strides = array<i32>} : memref<256x128xf32, #tpu.memory_space<vmem>>, vector<16xf32>,
        %add3A_581 = arith.constant 7 : i32
        %add3A_582 = arith.addi %mul3A_546, %add3A_581 : i32
        %get3A_583 = arith.index_cast %add3A_582 : i32 to index
        %get3A_584 = arith.constant 0 : index
        %get3A_585 = tpu.vector_load %arg5[%get3A_583, %get3A_584] {strides = array<i32>} : memref<256x128xf32, #tpu.memory_space<vmem>>, vector<16xf32>,
        %max3A = arith.maximumf %get3A_550, %get3A_555 : vector<16xf32>
        %min3A_586 = arith.minimumf %get3A_550, %get3A_555 : vector<16xf32>
        %max3A_587 = arith.maximumf %get3A_560, %get3A_565 : vector<16xf32>
        %min3A_588 = arith.minimumf %get3A_560, %get3A_565 : vector<16xf32>
        %max3A_589 = arith.maximumf %get3A_570, %get3A_575 : vector<16xf32>
        %min3A_590 = arith.minimumf %get3A_570, %get3A_575 : vector<16xf32>
        %max3A_591 = arith.maximumf %get3A_580, %get3A_585 : vector<16xf32>
        %min3A_592 = arith.minimumf %get3A_580, %get3A_585 : vector<16xf32>
        %max3A_593 = arith.maximumf %max3A, %max3A_587 : vector<16xf32>
        %min3A_594 = arith.minimumf %max3A, %max3A_587 : vector<16xf32>
        %max3A_595 = arith.maximumf %min3A_586, %min3A_588 : vector<16xf32>
        %min3A_596 = arith.minimumf %min3A_586, %min3A_588 : vector<16xf32>
        %max3A_597 = arith.maximumf %max3A_589, %max3A_591 : vector<16xf32>
        %min3A_598 = arith.minimumf %max3A_589, %max3A_591 : vector<16xf32>
        %max3A_599 = arith.maximumf %min3A_590, %min3A_592 : vector<16xf32>
        %min3A_600 = arith.minimumf %min3A_590, %min3A_592 : vector<16xf32>
        %max3A_601 = arith.maximumf %max3A_595, %min3A_594 : vector<16xf32>
        %min3A_602 = arith.minimumf %max3A_595, %min3A_594 : vector<16xf32>
        %max3A_603 = arith.maximumf %max3A_599, %min3A_598 : vector<16xf32>
        %min3A_604 = arith.minimumf %max3A_599, %min3A_598 : vector<16xf32>
        %max3A_605 = arith.maximumf %max3A_593, %max3A_597 : vector<16xf32>
        %min3A_606 = arith.minimumf %max3A_593, %max3A_597 : vector<16xf32>
        %max3A_607 = arith.maximumf %max3A_601, %max3A_603 : vector<16xf32>
        %min3A_608 = arith.minimumf %max3A_601, %max3A_603 : vector<16xf32>
        %max3A_609 = arith.maximumf %min3A_602, %min3A_604 : vector<16xf32>
        %min3A_610 = arith.minimumf %min3A_602, %min3A_604 : vector<16xf32>
        %max3A_611 = arith.maximumf %min3A_596, %min3A_600 : vector<16xf32>
        %min3A_612 = arith.minimumf %min3A_596, %min3A_600 : vector<16xf32>
        %max3A_613 = arith.maximumf %max3A_609, %min3A_606 : vector<16xf32>
        %min3A_614 = arith.minimumf %max3A_609, %min3A_606 : vector<16xf32>
        %max3A_615 = arith.maximumf %max3A_611, %min3A_608 : vector<16xf32>
        %min3A_616 = arith.minimumf %max3A_611, %min3A_608 : vector<16xf32>
        %max3A_617 = arith.maximumf %max3A_607, %max3A_613 : vector<16xf32>
        %min3A_618 = arith.minimumf %max3A_607, %max3A_613 : vector<16xf32>
        %max3A_619 = arith.maximumf %max3A_615, %min3A_614 : vector<16xf32>
        %min3A_620 = arith.minimumf %max3A_615, %min3A_614 : vector<16xf32>
        %max3A_621 = arith.maximumf %min3A_616, %min3A_610 : vector<16xf32>
        %min3A_622 = arith.minimumf %min3A_616, %min3A_610 : vector<16xf32>
        %max3A_623 = arith.maximumf %scan3A_537, %min3A_612 : vector<16xf32>
        %max3A_624 = arith.maximumf %scan3A_538, %min3A_622 : vector<16xf32>
        %max3A_625 = arith.maximumf %scan3A_539, %max3A_621 : vector<16xf32>
        %max3A_626 = arith.maximumf %scan3A_540, %min3A_620 : vector<16xf32>
        %max3A_627 = arith.maximumf %scan3A_541, %max3A_619 : vector<16xf32>
        %max3A_628 = arith.maximumf %scan3A_542, %min3A_618 : vector<16xf32>
        %max3A_629 = arith.maximumf %scan3A_543, %max3A_617 : vector<16xf32>
        %max3A_630 = arith.maximumf %scan3A_544, %max3A_605 : vector<16xf32>
        %max3A_631 = arith.maximumf %max3A_623, %max3A_627 : vector<16xf32>
        %min3A_632 = arith.minimumf %max3A_623, %max3A_627 : vector<16xf32>
        %max3A_633 = arith.maximumf %max3A_624, %max3A_628 : vector<16xf32>
        %min3A_634 = arith.minimumf %max3A_624, %max3A_628 : vector<16xf32>
        %max3A_635 = arith.maximumf %max3A_625, %max3A_629 : vector<16xf32>
        %min3A_636 = arith.minimumf %max3A_625, %max3A_629 : vector<16xf32>
        %max3A_637 = arith.maximumf %max3A_626, %max3A_630 : vector<16xf32>
        %min3A_638 = arith.minimumf %max3A_626, %max3A_630 : vector<16xf32>
        %max3A_639 = arith.maximumf %max3A_631, %max3A_635 : vector<16xf32>
        %min3A_640 = arith.minimumf %max3A_631, %max3A_635 : vector<16xf32>
        %max3A_641 = arith.maximumf %max3A_633, %max3A_637 : vector<16xf32>
        %min3A_642 = arith.minimumf %max3A_633, %max3A_637 : vector<16xf32>
        %max3A_643 = arith.maximumf %min3A_632, %min3A_636 : vector<16xf32>
        %min3A_644 = arith.minimumf %min3A_632, %min3A_636 : vector<16xf32>
        %max3A_645 = arith.maximumf %min3A_634, %min3A_638 : vector<16xf32>
        %min3A_646 = arith.minimumf %min3A_634, %min3A_638 : vector<16xf32>
        %max3A_647 = arith.maximumf %max3A_639, %max3A_641 : vector<16xf32>
        %min3A_648 = arith.minimumf %max3A_639, %max3A_641 : vector<16xf32>
        %max3A_649 = arith.maximumf %min3A_640, %min3A_642 : vector<16xf32>
        %min3A_650 = arith.minimumf %min3A_640, %min3A_642 : vector<16xf32>
        %max3A_651 = arith.maximumf %max3A_643, %max3A_645 : vector<16xf32>
        %min3A_652 = arith.minimumf %max3A_643, %max3A_645 : vector<16xf32>
        %max3A_653 = arith.maximumf %min3A_644, %min3A_646 : vector<16xf32>
        %min3A_654 = arith.minimumf %min3A_644, %min3A_646 : vector<16xf32>
        scf.yield %max3A_647, %min3A_648, %max3A_649, %min3A_650, %max3A_651, %min3A_652, %max3A_653, %min3A_654 : vector<16xf32>, vector<16xf32>, vector<16xf32>, vector<16xf32>, vector<16xf32>, vector<16xf32>, vector<16xf32>, vector<16xf32>
      }
      %scan3A_481 = arith.constant 32 : i32
      %scan3A_482 = arith.constant 0 : i32
      %scan3A_483 = arith.constant 32 : i32
      %scan3A_484 = arith.addi %scan3A_482, %scan3A_483 : i32
      %scan3A_485 = arith.constant 1 : i32
      %scan3A_486:8 = scf.for %scan3A_536 = %scan3A_482 to %scan3A_484 step %scan3A_485 iter_args(%scan3A_537 = %scan3A_416#0, %scan3A_538 = %scan3A_416#1, %scan3A_539 = %scan3A_416#2, %scan3A_540 = %scan3A_416#3, %scan3A_541 = %scan3A_416#4, %scan3A_542 = %scan3A_416#5, %scan3A_543 = %scan3A_416#6, %scan3A_544 = %scan3A_416#7) -> (vector<16xf32>, vector<16xf32>, vector<16xf32>, vector<16xf32>, vector<16xf32>, vector<16xf32>, vector<16xf32>, vector<16xf32>)  : i32 {
        %mul3A_545 = arith.constant 8 : i32
        %mul3A_546 = arith.muli %scan3A_536, %mul3A_545 : i32
        %add3A_547 = arith.constant 0 : i32
        %add3A_548 = arith.addi %mul3A_546, %add3A_547 : i32
        %get3A = arith.index_cast %add3A_548 : i32 to index
        %get3A_549 = arith.constant 16 : index
        %get3A_550 = tpu.vector_load %arg5[%get3A, %get3A_549] {strides = array<i32>} : memref<256x128xf32, #tpu.memory_space<vmem>>, vector<16xf32>,
        %add3A_551 = arith.constant 1 : i32
        %add3A_552 = arith.addi %mul3A_546, %add3A_551 : i32
        %get3A_553 = arith.index_cast %add3A_552 : i32 to index
        %get3A_554 = arith.constant 16 : index
        %get3A_555 = tpu.vector_load %arg5[%get3A_553, %get3A_554] {strides = array<i32>} : memref<256x128xf32, #tpu.memory_space<vmem>>, vector<16xf32>,
        %add3A_556 = arith.constant 2 : i32
        %add3A_557 = arith.addi %mul3A_546, %add3A_556 : i32
        %get3A_558 = arith.index_cast %add3A_557 : i32 to index
        %get3A_559 = arith.constant 16 : index
        %get3A_560 = tpu.vector_load %arg5[%get3A_558, %get3A_559] {strides = array<i32>} : memref<256x128xf32, #tpu.memory_space<vmem>>, vector<16xf32>,
        %add3A_561 = arith.constant 3 : i32
        %add3A_562 = arith.addi %mul3A_546, %add3A_561 : i32
        %get3A_563 = arith.index_cast %add3A_562 : i32 to index
        %get3A_564 = arith.constant 16 : index
        %get3A_565 = tpu.vector_load %arg5[%get3A_563, %get3A_564] {strides = array<i32>} : memref<256x128xf32, #tpu.memory_space<vmem>>, vector<16xf32>,
        %add3A_566 = arith.constant 4 : i32
        %add3A_567 = arith.addi %mul3A_546, %add3A_566 : i32
        %get3A_568 = arith.index_cast %add3A_567 : i32 to index
        %get3A_569 = arith.constant 16 : index
        %get3A_570 = tpu.vector_load %arg5[%get3A_568, %get3A_569] {strides = array<i32>} : memref<256x128xf32, #tpu.memory_space<vmem>>, vector<16xf32>,
        %add3A_571 = arith.constant 5 : i32
        %add3A_572 = arith.addi %mul3A_546, %add3A_571 : i32
        %get3A_573 = arith.index_cast %add3A_572 : i32 to index
        %get3A_574 = arith.constant 16 : index
        %get3A_575 = tpu.vector_load %arg5[%get3A_573, %get3A_574] {strides = array<i32>} : memref<256x128xf32, #tpu.memory_space<vmem>>, vector<16xf32>,
        %add3A_576 = arith.constant 6 : i32
        %add3A_577 = arith.addi %mul3A_546, %add3A_576 : i32
        %get3A_578 = arith.index_cast %add3A_577 : i32 to index
        %get3A_579 = arith.constant 16 : index
        %get3A_580 = tpu.vector_load %arg5[%get3A_578, %get3A_579] {strides = array<i32>} : memref<256x128xf32, #tpu.memory_space<vmem>>, vector<16xf32>,
        %add3A_581 = arith.constant 7 : i32
        %add3A_582 = arith.addi %mul3A_546, %add3A_581 : i32
        %get3A_583 = arith.index_cast %add3A_582 : i32 to index
        %get3A_584 = arith.constant 16 : index
        %get3A_585 = tpu.vector_load %arg5[%get3A_583, %get3A_584] {strides = array<i32>} : memref<256x128xf32, #tpu.memory_space<vmem>>, vector<16xf32>,
        %max3A = arith.maximumf %get3A_550, %get3A_555 : vector<16xf32>
        %min3A_586 = arith.minimumf %get3A_550, %get3A_555 : vector<16xf32>
        %max3A_587 = arith.maximumf %get3A_560, %get3A_565 : vector<16xf32>
        %min3A_588 = arith.minimumf %get3A_560, %get3A_565 : vector<16xf32>
        %max3A_589 = arith.maximumf %get3A_570, %get3A_575 : vector<16xf32>
        %min3A_590 = arith.minimumf %get3A_570, %get3A_575 : vector<16xf32>
        %max3A_591 = arith.maximumf %get3A_580, %get3A_585 : vector<16xf32>
        %min3A_592 = arith.minimumf %get3A_580, %get3A_585 : vector<16xf32>
        %max3A_593 = arith.maximumf %max3A, %max3A_587 : vector<16xf32>
        %min3A_594 = arith.minimumf %max3A, %max3A_587 : vector<16xf32>
        %max3A_595 = arith.maximumf %min3A_586, %min3A_588 : vector<16xf32>
        %min3A_596 = arith.minimumf %min3A_586, %min3A_588 : vector<16xf32>
        %max3A_597 = arith.maximumf %max3A_589, %max3A_591 : vector<16xf32>
        %min3A_598 = arith.minimumf %max3A_589, %max3A_591 : vector<16xf32>
        %max3A_599 = arith.maximumf %min3A_590, %min3A_592 : vector<16xf32>
        %min3A_600 = arith.minimumf %min3A_590, %min3A_592 : vector<16xf32>
        %max3A_601 = arith.maximumf %max3A_595, %min3A_594 : vector<16xf32>
        %min3A_602 = arith.minimumf %max3A_595, %min3A_594 : vector<16xf32>
        %max3A_603 = arith.maximumf %max3A_599, %min3A_598 : vector<16xf32>
        %min3A_604 = arith.minimumf %max3A_599, %min3A_598 : vector<16xf32>
        %max3A_605 = arith.maximumf %max3A_593, %max3A_597 : vector<16xf32>
        %min3A_606 = arith.minimumf %max3A_593, %max3A_597 : vector<16xf32>
        %max3A_607 = arith.maximumf %max3A_601, %max3A_603 : vector<16xf32>
        %min3A_608 = arith.minimumf %max3A_601, %max3A_603 : vector<16xf32>
        %max3A_609 = arith.maximumf %min3A_602, %min3A_604 : vector<16xf32>
        %min3A_610 = arith.minimumf %min3A_602, %min3A_604 : vector<16xf32>
        %max3A_611 = arith.maximumf %min3A_596, %min3A_600 : vector<16xf32>
        %min3A_612 = arith.minimumf %min3A_596, %min3A_600 : vector<16xf32>
        %max3A_613 = arith.maximumf %max3A_609, %min3A_606 : vector<16xf32>
        %min3A_614 = arith.minimumf %max3A_609, %min3A_606 : vector<16xf32>
        %max3A_615 = arith.maximumf %max3A_611, %min3A_608 : vector<16xf32>
        %min3A_616 = arith.minimumf %max3A_611, %min3A_608 : vector<16xf32>
        %max3A_617 = arith.maximumf %max3A_607, %max3A_613 : vector<16xf32>
        %min3A_618 = arith.minimumf %max3A_607, %max3A_613 : vector<16xf32>
        %max3A_619 = arith.maximumf %max3A_615, %min3A_614 : vector<16xf32>
        %min3A_620 = arith.minimumf %max3A_615, %min3A_614 : vector<16xf32>
        %max3A_621 = arith.maximumf %min3A_616, %min3A_610 : vector<16xf32>
        %min3A_622 = arith.minimumf %min3A_616, %min3A_610 : vector<16xf32>
        %max3A_623 = arith.maximumf %scan3A_537, %min3A_612 : vector<16xf32>
        %max3A_624 = arith.maximumf %scan3A_538, %min3A_622 : vector<16xf32>
        %max3A_625 = arith.maximumf %scan3A_539, %max3A_621 : vector<16xf32>
        %max3A_626 = arith.maximumf %scan3A_540, %min3A_620 : vector<16xf32>
        %max3A_627 = arith.maximumf %scan3A_541, %max3A_619 : vector<16xf32>
        %max3A_628 = arith.maximumf %scan3A_542, %min3A_618 : vector<16xf32>
        %max3A_629 = arith.maximumf %scan3A_543, %max3A_617 : vector<16xf32>
        %max3A_630 = arith.maximumf %scan3A_544, %max3A_605 : vector<16xf32>
        %max3A_631 = arith.maximumf %max3A_623, %max3A_627 : vector<16xf32>
        %min3A_632 = arith.minimumf %max3A_623, %max3A_627 : vector<16xf32>
        %max3A_633 = arith.maximumf %max3A_624, %max3A_628 : vector<16xf32>
        %min3A_634 = arith.minimumf %max3A_624, %max3A_628 : vector<16xf32>
        %max3A_635 = arith.maximumf %max3A_625, %max3A_629 : vector<16xf32>
        %min3A_636 = arith.minimumf %max3A_625, %max3A_629 : vector<16xf32>
        %max3A_637 = arith.maximumf %max3A_626, %max3A_630 : vector<16xf32>
        %min3A_638 = arith.minimumf %max3A_626, %max3A_630 : vector<16xf32>
        %max3A_639 = arith.maximumf %max3A_631, %max3A_635 : vector<16xf32>
        %min3A_640 = arith.minimumf %max3A_631, %max3A_635 : vector<16xf32>
        %max3A_641 = arith.maximumf %max3A_633, %max3A_637 : vector<16xf32>
        %min3A_642 = arith.minimumf %max3A_633, %max3A_637 : vector<16xf32>
        %max3A_643 = arith.maximumf %min3A_632, %min3A_636 : vector<16xf32>
        %min3A_644 = arith.minimumf %min3A_632, %min3A_636 : vector<16xf32>
        %max3A_645 = arith.maximumf %min3A_634, %min3A_638 : vector<16xf32>
        %min3A_646 = arith.minimumf %min3A_634, %min3A_638 : vector<16xf32>
        %max3A_647 = arith.maximumf %max3A_639, %max3A_641 : vector<16xf32>
        %min3A_648 = arith.minimumf %max3A_639, %max3A_641 : vector<16xf32>
        %max3A_649 = arith.maximumf %min3A_640, %min3A_642 : vector<16xf32>
        %min3A_650 = arith.minimumf %min3A_640, %min3A_642 : vector<16xf32>
        %max3A_651 = arith.maximumf %max3A_643, %max3A_645 : vector<16xf32>
        %min3A_652 = arith.minimumf %max3A_643, %max3A_645 : vector<16xf32>
        %max3A_653 = arith.maximumf %min3A_644, %min3A_646 : vector<16xf32>
        %min3A_654 = arith.minimumf %min3A_644, %min3A_646 : vector<16xf32>
        scf.yield %max3A_647, %min3A_648, %max3A_649, %min3A_650, %max3A_651, %min3A_652, %max3A_653, %min3A_654 : vector<16xf32>, vector<16xf32>, vector<16xf32>, vector<16xf32>, vector<16xf32>, vector<16xf32>, vector<16xf32>, vector<16xf32>
      }
      %scan3A_487 = arith.constant 32 : i32
      %scan3A_488 = arith.constant 0 : i32
      %scan3A_489 = arith.constant 32 : i32
      %scan3A_490 = arith.addi %scan3A_488, %scan3A_489 : i32
      %scan3A_491 = arith.constant 1 : i32
      %scan3A_492:8 = scf.for %scan3A_536 = %scan3A_488 to %scan3A_490 step %scan3A_491 iter_args(%scan3A_537 = %scan3A_422#0, %scan3A_538 = %scan3A_422#1, %scan3A_539 = %scan3A_422#2, %scan3A_540 = %scan3A_422#3, %scan3A_541 = %scan3A_422#4, %scan3A_542 = %scan3A_422#5, %scan3A_543 = %scan3A_422#6, %scan3A_544 = %scan3A_422#7) -> (vector<16xf32>, vector<16xf32>, vector<16xf32>, vector<16xf32>, vector<16xf32>, vector<16xf32>, vector<16xf32>, vector<16xf32>)  : i32 {
        %mul3A_545 = arith.constant 8 : i32
        %mul3A_546 = arith.muli %scan3A_536, %mul3A_545 : i32
        %add3A_547 = arith.constant 0 : i32
        %add3A_548 = arith.addi %mul3A_546, %add3A_547 : i32
        %get3A = arith.index_cast %add3A_548 : i32 to index
        %get3A_549 = arith.constant 32 : index
        %get3A_550 = tpu.vector_load %arg5[%get3A, %get3A_549] {strides = array<i32>} : memref<256x128xf32, #tpu.memory_space<vmem>>, vector<16xf32>,
        %add3A_551 = arith.constant 1 : i32
        %add3A_552 = arith.addi %mul3A_546, %add3A_551 : i32
        %get3A_553 = arith.index_cast %add3A_552 : i32 to index
        %get3A_554 = arith.constant 32 : index
        %get3A_555 = tpu.vector_load %arg5[%get3A_553, %get3A_554] {strides = array<i32>} : memref<256x128xf32, #tpu.memory_space<vmem>>, vector<16xf32>,
        %add3A_556 = arith.constant 2 : i32
        %add3A_557 = arith.addi %mul3A_546, %add3A_556 : i32
        %get3A_558 = arith.index_cast %add3A_557 : i32 to index
        %get3A_559 = arith.constant 32 : index
        %get3A_560 = tpu.vector_load %arg5[%get3A_558, %get3A_559] {strides = array<i32>} : memref<256x128xf32, #tpu.memory_space<vmem>>, vector<16xf32>,
        %add3A_561 = arith.constant 3 : i32
        %add3A_562 = arith.addi %mul3A_546, %add3A_561 : i32
        %get3A_563 = arith.index_cast %add3A_562 : i32 to index
        %get3A_564 = arith.constant 32 : index
        %get3A_565 = tpu.vector_load %arg5[%get3A_563, %get3A_564] {strides = array<i32>} : memref<256x128xf32, #tpu.memory_space<vmem>>, vector<16xf32>,
        %add3A_566 = arith.constant 4 : i32
        %add3A_567 = arith.addi %mul3A_546, %add3A_566 : i32
        %get3A_568 = arith.index_cast %add3A_567 : i32 to index
        %get3A_569 = arith.constant 32 : index
        %get3A_570 = tpu.vector_load %arg5[%get3A_568, %get3A_569] {strides = array<i32>} : memref<256x128xf32, #tpu.memory_space<vmem>>, vector<16xf32>,
        %add3A_571 = arith.constant 5 : i32
        %add3A_572 = arith.addi %mul3A_546, %add3A_571 : i32
        %get3A_573 = arith.index_cast %add3A_572 : i32 to index
        %get3A_574 = arith.constant 32 : index
        %get3A_575 = tpu.vector_load %arg5[%get3A_573, %get3A_574] {strides = array<i32>} : memref<256x128xf32, #tpu.memory_space<vmem>>, vector<16xf32>,
        %add3A_576 = arith.constant 6 : i32
        %add3A_577 = arith.addi %mul3A_546, %add3A_576 : i32
        %get3A_578 = arith.index_cast %add3A_577 : i32 to index
        %get3A_579 = arith.constant 32 : index
        %get3A_580 = tpu.vector_load %arg5[%get3A_578, %get3A_579] {strides = array<i32>} : memref<256x128xf32, #tpu.memory_space<vmem>>, vector<16xf32>,
        %add3A_581 = arith.constant 7 : i32
        %add3A_582 = arith.addi %mul3A_546, %add3A_581 : i32
        %get3A_583 = arith.index_cast %add3A_582 : i32 to index
        %get3A_584 = arith.constant 32 : index
        %get3A_585 = tpu.vector_load %arg5[%get3A_583, %get3A_584] {strides = array<i32>} : memref<256x128xf32, #tpu.memory_space<vmem>>, vector<16xf32>,
        %max3A = arith.maximumf %get3A_550, %get3A_555 : vector<16xf32>
        %min3A_586 = arith.minimumf %get3A_550, %get3A_555 : vector<16xf32>
        %max3A_587 = arith.maximumf %get3A_560, %get3A_565 : vector<16xf32>
        %min3A_588 = arith.minimumf %get3A_560, %get3A_565 : vector<16xf32>
        %max3A_589 = arith.maximumf %get3A_570, %get3A_575 : vector<16xf32>
        %min3A_590 = arith.minimumf %get3A_570, %get3A_575 : vector<16xf32>
        %max3A_591 = arith.maximumf %get3A_580, %get3A_585 : vector<16xf32>
        %min3A_592 = arith.minimumf %get3A_580, %get3A_585 : vector<16xf32>
        %max3A_593 = arith.maximumf %max3A, %max3A_587 : vector<16xf32>
        %min3A_594 = arith.minimumf %max3A, %max3A_587 : vector<16xf32>
        %max3A_595 = arith.maximumf %min3A_586, %min3A_588 : vector<16xf32>
        %min3A_596 = arith.minimumf %min3A_586, %min3A_588 : vector<16xf32>
        %max3A_597 = arith.maximumf %max3A_589, %max3A_591 : vector<16xf32>
        %min3A_598 = arith.minimumf %max3A_589, %max3A_591 : vector<16xf32>
        %max3A_599 = arith.maximumf %min3A_590, %min3A_592 : vector<16xf32>
        %min3A_600 = arith.minimumf %min3A_590, %min3A_592 : vector<16xf32>
        %max3A_601 = arith.maximumf %max3A_595, %min3A_594 : vector<16xf32>
        %min3A_602 = arith.minimumf %max3A_595, %min3A_594 : vector<16xf32>
        %max3A_603 = arith.maximumf %max3A_599, %min3A_598 : vector<16xf32>
        %min3A_604 = arith.minimumf %max3A_599, %min3A_598 : vector<16xf32>
        %max3A_605 = arith.maximumf %max3A_593, %max3A_597 : vector<16xf32>
        %min3A_606 = arith.minimumf %max3A_593, %max3A_597 : vector<16xf32>
        %max3A_607 = arith.maximumf %max3A_601, %max3A_603 : vector<16xf32>
        %min3A_608 = arith.minimumf %max3A_601, %max3A_603 : vector<16xf32>
        %max3A_609 = arith.maximumf %min3A_602, %min3A_604 : vector<16xf32>
        %min3A_610 = arith.minimumf %min3A_602, %min3A_604 : vector<16xf32>
        %max3A_611 = arith.maximumf %min3A_596, %min3A_600 : vector<16xf32>
        %min3A_612 = arith.minimumf %min3A_596, %min3A_600 : vector<16xf32>
        %max3A_613 = arith.maximumf %max3A_609, %min3A_606 : vector<16xf32>
        %min3A_614 = arith.minimumf %max3A_609, %min3A_606 : vector<16xf32>
        %max3A_615 = arith.maximumf %max3A_611, %min3A_608 : vector<16xf32>
        %min3A_616 = arith.minimumf %max3A_611, %min3A_608 : vector<16xf32>
        %max3A_617 = arith.maximumf %max3A_607, %max3A_613 : vector<16xf32>
        %min3A_618 = arith.minimumf %max3A_607, %max3A_613 : vector<16xf32>
        %max3A_619 = arith.maximumf %max3A_615, %min3A_614 : vector<16xf32>
        %min3A_620 = arith.minimumf %max3A_615, %min3A_614 : vector<16xf32>
        %max3A_621 = arith.maximumf %min3A_616, %min3A_610 : vector<16xf32>
        %min3A_622 = arith.minimumf %min3A_616, %min3A_610 : vector<16xf32>
        %max3A_623 = arith.maximumf %scan3A_537, %min3A_612 : vector<16xf32>
        %max3A_624 = arith.maximumf %scan3A_538, %min3A_622 : vector<16xf32>
        %max3A_625 = arith.maximumf %scan3A_539, %max3A_621 : vector<16xf32>
        %max3A_626 = arith.maximumf %scan3A_540, %min3A_620 : vector<16xf32>
        %max3A_627 = arith.maximumf %scan3A_541, %max3A_619 : vector<16xf32>
        %max3A_628 = arith.maximumf %scan3A_542, %min3A_618 : vector<16xf32>
        %max3A_629 = arith.maximumf %scan3A_543, %max3A_617 : vector<16xf32>
        %max3A_630 = arith.maximumf %scan3A_544, %max3A_605 : vector<16xf32>
        %max3A_631 = arith.maximumf %max3A_623, %max3A_627 : vector<16xf32>
        %min3A_632 = arith.minimumf %max3A_623, %max3A_627 : vector<16xf32>
        %max3A_633 = arith.maximumf %max3A_624, %max3A_628 : vector<16xf32>
        %min3A_634 = arith.minimumf %max3A_624, %max3A_628 : vector<16xf32>
        %max3A_635 = arith.maximumf %max3A_625, %max3A_629 : vector<16xf32>
        %min3A_636 = arith.minimumf %max3A_625, %max3A_629 : vector<16xf32>
        %max3A_637 = arith.maximumf %max3A_626, %max3A_630 : vector<16xf32>
        %min3A_638 = arith.minimumf %max3A_626, %max3A_630 : vector<16xf32>
        %max3A_639 = arith.maximumf %max3A_631, %max3A_635 : vector<16xf32>
        %min3A_640 = arith.minimumf %max3A_631, %max3A_635 : vector<16xf32>
        %max3A_641 = arith.maximumf %max3A_633, %max3A_637 : vector<16xf32>
        %min3A_642 = arith.minimumf %max3A_633, %max3A_637 : vector<16xf32>
        %max3A_643 = arith.maximumf %min3A_632, %min3A_636 : vector<16xf32>
        %min3A_644 = arith.minimumf %min3A_632, %min3A_636 : vector<16xf32>
        %max3A_645 = arith.maximumf %min3A_634, %min3A_638 : vector<16xf32>
        %min3A_646 = arith.minimumf %min3A_634, %min3A_638 : vector<16xf32>
        %max3A_647 = arith.maximumf %max3A_639, %max3A_641 : vector<16xf32>
        %min3A_648 = arith.minimumf %max3A_639, %max3A_641 : vector<16xf32>
        %max3A_649 = arith.maximumf %min3A_640, %min3A_642 : vector<16xf32>
        %min3A_650 = arith.minimumf %min3A_640, %min3A_642 : vector<16xf32>
        %max3A_651 = arith.maximumf %max3A_643, %max3A_645 : vector<16xf32>
        %min3A_652 = arith.minimumf %max3A_643, %max3A_645 : vector<16xf32>
        %max3A_653 = arith.maximumf %min3A_644, %min3A_646 : vector<16xf32>
        %min3A_654 = arith.minimumf %min3A_644, %min3A_646 : vector<16xf32>
        scf.yield %max3A_647, %min3A_648, %max3A_649, %min3A_650, %max3A_651, %min3A_652, %max3A_653, %min3A_654 : vector<16xf32>, vector<16xf32>, vector<16xf32>, vector<16xf32>, vector<16xf32>, vector<16xf32>, vector<16xf32>, vector<16xf32>
      }
      %scan3A_493 = arith.constant 32 : i32
      %scan3A_494 = arith.constant 0 : i32
      %scan3A_495 = arith.constant 32 : i32
      %scan3A_496 = arith.addi %scan3A_494, %scan3A_495 : i32
      %scan3A_497 = arith.constant 1 : i32
      %scan3A_498:8 = scf.for %scan3A_536 = %scan3A_494 to %scan3A_496 step %scan3A_497 iter_args(%scan3A_537 = %scan3A_428#0, %scan3A_538 = %scan3A_428#1, %scan3A_539 = %scan3A_428#2, %scan3A_540 = %scan3A_428#3, %scan3A_541 = %scan3A_428#4, %scan3A_542 = %scan3A_428#5, %scan3A_543 = %scan3A_428#6, %scan3A_544 = %scan3A_428#7) -> (vector<16xf32>, vector<16xf32>, vector<16xf32>, vector<16xf32>, vector<16xf32>, vector<16xf32>, vector<16xf32>, vector<16xf32>)  : i32 {
        %mul3A_545 = arith.constant 8 : i32
        %mul3A_546 = arith.muli %scan3A_536, %mul3A_545 : i32
        %add3A_547 = arith.constant 0 : i32
        %add3A_548 = arith.addi %mul3A_546, %add3A_547 : i32
        %get3A = arith.index_cast %add3A_548 : i32 to index
        %get3A_549 = arith.constant 48 : index
        %get3A_550 = tpu.vector_load %arg5[%get3A, %get3A_549] {strides = array<i32>} : memref<256x128xf32, #tpu.memory_space<vmem>>, vector<16xf32>,
        %add3A_551 = arith.constant 1 : i32
        %add3A_552 = arith.addi %mul3A_546, %add3A_551 : i32
        %get3A_553 = arith.index_cast %add3A_552 : i32 to index
        %get3A_554 = arith.constant 48 : index
        %get3A_555 = tpu.vector_load %arg5[%get3A_553, %get3A_554] {strides = array<i32>} : memref<256x128xf32, #tpu.memory_space<vmem>>, vector<16xf32>,
        %add3A_556 = arith.constant 2 : i32
        %add3A_557 = arith.addi %mul3A_546, %add3A_556 : i32
        %get3A_558 = arith.index_cast %add3A_557 : i32 to index
        %get3A_559 = arith.constant 48 : index
        %get3A_560 = tpu.vector_load %arg5[%get3A_558, %get3A_559] {strides = array<i32>} : memref<256x128xf32, #tpu.memory_space<vmem>>, vector<16xf32>,
        %add3A_561 = arith.constant 3 : i32
        %add3A_562 = arith.addi %mul3A_546, %add3A_561 : i32
        %get3A_563 = arith.index_cast %add3A_562 : i32 to index
        %get3A_564 = arith.constant 48 : index
        %get3A_565 = tpu.vector_load %arg5[%get3A_563, %get3A_564] {strides = array<i32>} : memref<256x128xf32, #tpu.memory_space<vmem>>, vector<16xf32>,
        %add3A_566 = arith.constant 4 : i32
        %add3A_567 = arith.addi %mul3A_546, %add3A_566 : i32
        %get3A_568 = arith.index_cast %add3A_567 : i32 to index
        %get3A_569 = arith.constant 48 : index
        %get3A_570 = tpu.vector_load %arg5[%get3A_568, %get3A_569] {strides = array<i32>} : memref<256x128xf32, #tpu.memory_space<vmem>>, vector<16xf32>,
        %add3A_571 = arith.constant 5 : i32
        %add3A_572 = arith.addi %mul3A_546, %add3A_571 : i32
        %get3A_573 = arith.index_cast %add3A_572 : i32 to index
        %get3A_574 = arith.constant 48 : index
        %get3A_575 = tpu.vector_load %arg5[%get3A_573, %get3A_574] {strides = array<i32>} : memref<256x128xf32, #tpu.memory_space<vmem>>, vector<16xf32>,
        %add3A_576 = arith.constant 6 : i32
        %add3A_577 = arith.addi %mul3A_546, %add3A_576 : i32
        %get3A_578 = arith.index_cast %add3A_577 : i32 to index
        %get3A_579 = arith.constant 48 : index
        %get3A_580 = tpu.vector_load %arg5[%get3A_578, %get3A_579] {strides = array<i32>} : memref<256x128xf32, #tpu.memory_space<vmem>>, vector<16xf32>,
        %add3A_581 = arith.constant 7 : i32
        %add3A_582 = arith.addi %mul3A_546, %add3A_581 : i32
        %get3A_583 = arith.index_cast %add3A_582 : i32 to index
        %get3A_584 = arith.constant 48 : index
        %get3A_585 = tpu.vector_load %arg5[%get3A_583, %get3A_584] {strides = array<i32>} : memref<256x128xf32, #tpu.memory_space<vmem>>, vector<16xf32>,
        %max3A = arith.maximumf %get3A_550, %get3A_555 : vector<16xf32>
        %min3A_586 = arith.minimumf %get3A_550, %get3A_555 : vector<16xf32>
        %max3A_587 = arith.maximumf %get3A_560, %get3A_565 : vector<16xf32>
        %min3A_588 = arith.minimumf %get3A_560, %get3A_565 : vector<16xf32>
        %max3A_589 = arith.maximumf %get3A_570, %get3A_575 : vector<16xf32>
        %min3A_590 = arith.minimumf %get3A_570, %get3A_575 : vector<16xf32>
        %max3A_591 = arith.maximumf %get3A_580, %get3A_585 : vector<16xf32>
        %min3A_592 = arith.minimumf %get3A_580, %get3A_585 : vector<16xf32>
        %max3A_593 = arith.maximumf %max3A, %max3A_587 : vector<16xf32>
        %min3A_594 = arith.minimumf %max3A, %max3A_587 : vector<16xf32>
        %max3A_595 = arith.maximumf %min3A_586, %min3A_588 : vector<16xf32>
        %min3A_596 = arith.minimumf %min3A_586, %min3A_588 : vector<16xf32>
        %max3A_597 = arith.maximumf %max3A_589, %max3A_591 : vector<16xf32>
        %min3A_598 = arith.minimumf %max3A_589, %max3A_591 : vector<16xf32>
        %max3A_599 = arith.maximumf %min3A_590, %min3A_592 : vector<16xf32>
        %min3A_600 = arith.minimumf %min3A_590, %min3A_592 : vector<16xf32>
        %max3A_601 = arith.maximumf %max3A_595, %min3A_594 : vector<16xf32>
        %min3A_602 = arith.minimumf %max3A_595, %min3A_594 : vector<16xf32>
        %max3A_603 = arith.maximumf %max3A_599, %min3A_598 : vector<16xf32>
        %min3A_604 = arith.minimumf %max3A_599, %min3A_598 : vector<16xf32>
        %max3A_605 = arith.maximumf %max3A_593, %max3A_597 : vector<16xf32>
        %min3A_606 = arith.minimumf %max3A_593, %max3A_597 : vector<16xf32>
        %max3A_607 = arith.maximumf %max3A_601, %max3A_603 : vector<16xf32>
        %min3A_608 = arith.minimumf %max3A_601, %max3A_603 : vector<16xf32>
        %max3A_609 = arith.maximumf %min3A_602, %min3A_604 : vector<16xf32>
        %min3A_610 = arith.minimumf %min3A_602, %min3A_604 : vector<16xf32>
        %max3A_611 = arith.maximumf %min3A_596, %min3A_600 : vector<16xf32>
        %min3A_612 = arith.minimumf %min3A_596, %min3A_600 : vector<16xf32>
        %max3A_613 = arith.maximumf %max3A_609, %min3A_606 : vector<16xf32>
        %min3A_614 = arith.minimumf %max3A_609, %min3A_606 : vector<16xf32>
        %max3A_615 = arith.maximumf %max3A_611, %min3A_608 : vector<16xf32>
        %min3A_616 = arith.minimumf %max3A_611, %min3A_608 : vector<16xf32>
        %max3A_617 = arith.maximumf %max3A_607, %max3A_613 : vector<16xf32>
        %min3A_618 = arith.minimumf %max3A_607, %max3A_613 : vector<16xf32>
        %max3A_619 = arith.maximumf %max3A_615, %min3A_614 : vector<16xf32>
        %min3A_620 = arith.minimumf %max3A_615, %min3A_614 : vector<16xf32>
        %max3A_621 = arith.maximumf %min3A_616, %min3A_610 : vector<16xf32>
        %min3A_622 = arith.minimumf %min3A_616, %min3A_610 : vector<16xf32>
        %max3A_623 = arith.maximumf %scan3A_537, %min3A_612 : vector<16xf32>
        %max3A_624 = arith.maximumf %scan3A_538, %min3A_622 : vector<16xf32>
        %max3A_625 = arith.maximumf %scan3A_539, %max3A_621 : vector<16xf32>
        %max3A_626 = arith.maximumf %scan3A_540, %min3A_620 : vector<16xf32>
        %max3A_627 = arith.maximumf %scan3A_541, %max3A_619 : vector<16xf32>
        %max3A_628 = arith.maximumf %scan3A_542, %min3A_618 : vector<16xf32>
        %max3A_629 = arith.maximumf %scan3A_543, %max3A_617 : vector<16xf32>
        %max3A_630 = arith.maximumf %scan3A_544, %max3A_605 : vector<16xf32>
        %max3A_631 = arith.maximumf %max3A_623, %max3A_627 : vector<16xf32>
        %min3A_632 = arith.minimumf %max3A_623, %max3A_627 : vector<16xf32>
        %max3A_633 = arith.maximumf %max3A_624, %max3A_628 : vector<16xf32>
        %min3A_634 = arith.minimumf %max3A_624, %max3A_628 : vector<16xf32>
        %max3A_635 = arith.maximumf %max3A_625, %max3A_629 : vector<16xf32>
        %min3A_636 = arith.minimumf %max3A_625, %max3A_629 : vector<16xf32>
        %max3A_637 = arith.maximumf %max3A_626, %max3A_630 : vector<16xf32>
        %min3A_638 = arith.minimumf %max3A_626, %max3A_630 : vector<16xf32>
        %max3A_639 = arith.maximumf %max3A_631, %max3A_635 : vector<16xf32>
        %min3A_640 = arith.minimumf %max3A_631, %max3A_635 : vector<16xf32>
        %max3A_641 = arith.maximumf %max3A_633, %max3A_637 : vector<16xf32>
        %min3A_642 = arith.minimumf %max3A_633, %max3A_637 : vector<16xf32>
        %max3A_643 = arith.maximumf %min3A_632, %min3A_636 : vector<16xf32>
        %min3A_644 = arith.minimumf %min3A_632, %min3A_636 : vector<16xf32>
        %max3A_645 = arith.maximumf %min3A_634, %min3A_638 : vector<16xf32>
        %min3A_646 = arith.minimumf %min3A_634, %min3A_638 : vector<16xf32>
        %max3A_647 = arith.maximumf %max3A_639, %max3A_641 : vector<16xf32>
        %min3A_648 = arith.minimumf %max3A_639, %max3A_641 : vector<16xf32>
        %max3A_649 = arith.maximumf %min3A_640, %min3A_642 : vector<16xf32>
        %min3A_650 = arith.minimumf %min3A_640, %min3A_642 : vector<16xf32>
        %max3A_651 = arith.maximumf %max3A_643, %max3A_645 : vector<16xf32>
        %min3A_652 = arith.minimumf %max3A_643, %max3A_645 : vector<16xf32>
        %max3A_653 = arith.maximumf %min3A_644, %min3A_646 : vector<16xf32>
        %min3A_654 = arith.minimumf %min3A_644, %min3A_646 : vector<16xf32>
        scf.yield %max3A_647, %min3A_648, %max3A_649, %min3A_650, %max3A_651, %min3A_652, %max3A_653, %min3A_654 : vector<16xf32>, vector<16xf32>, vector<16xf32>, vector<16xf32>, vector<16xf32>, vector<16xf32>, vector<16xf32>, vector<16xf32>
      }
      %scan3A_499 = arith.constant 32 : i32
      %scan3A_500 = arith.constant 0 : i32
      %scan3A_501 = arith.constant 32 : i32
      %scan3A_502 = arith.addi %scan3A_500, %scan3A_501 : i32
      %scan3A_503 = arith.constant 1 : i32
      %scan3A_504:8 = scf.for %scan3A_536 = %scan3A_500 to %scan3A_502 step %scan3A_503 iter_args(%scan3A_537 = %scan3A_434#0, %scan3A_538 = %scan3A_434#1, %scan3A_539 = %scan3A_434#2, %scan3A_540 = %scan3A_434#3, %scan3A_541 = %scan3A_434#4, %scan3A_542 = %scan3A_434#5, %scan3A_543 = %scan3A_434#6, %scan3A_544 = %scan3A_434#7) -> (vector<16xf32>, vector<16xf32>, vector<16xf32>, vector<16xf32>, vector<16xf32>, vector<16xf32>, vector<16xf32>, vector<16xf32>)  : i32 {
        %mul3A_545 = arith.constant 8 : i32
        %mul3A_546 = arith.muli %scan3A_536, %mul3A_545 : i32
        %add3A_547 = arith.constant 0 : i32
        %add3A_548 = arith.addi %mul3A_546, %add3A_547 : i32
        %get3A = arith.index_cast %add3A_548 : i32 to index
        %get3A_549 = arith.constant 64 : index
        %get3A_550 = tpu.vector_load %arg5[%get3A, %get3A_549] {strides = array<i32>} : memref<256x128xf32, #tpu.memory_space<vmem>>, vector<16xf32>,
        %add3A_551 = arith.constant 1 : i32
        %add3A_552 = arith.addi %mul3A_546, %add3A_551 : i32
        %get3A_553 = arith.index_cast %add3A_552 : i32 to index
        %get3A_554 = arith.constant 64 : index
        %get3A_555 = tpu.vector_load %arg5[%get3A_553, %get3A_554] {strides = array<i32>} : memref<256x128xf32, #tpu.memory_space<vmem>>, vector<16xf32>,
        %add3A_556 = arith.constant 2 : i32
        %add3A_557 = arith.addi %mul3A_546, %add3A_556 : i32
        %get3A_558 = arith.index_cast %add3A_557 : i32 to index
        %get3A_559 = arith.constant 64 : index
        %get3A_560 = tpu.vector_load %arg5[%get3A_558, %get3A_559] {strides = array<i32>} : memref<256x128xf32, #tpu.memory_space<vmem>>, vector<16xf32>,
        %add3A_561 = arith.constant 3 : i32
        %add3A_562 = arith.addi %mul3A_546, %add3A_561 : i32
        %get3A_563 = arith.index_cast %add3A_562 : i32 to index
        %get3A_564 = arith.constant 64 : index
        %get3A_565 = tpu.vector_load %arg5[%get3A_563, %get3A_564] {strides = array<i32>} : memref<256x128xf32, #tpu.memory_space<vmem>>, vector<16xf32>,
        %add3A_566 = arith.constant 4 : i32
        %add3A_567 = arith.addi %mul3A_546, %add3A_566 : i32
        %get3A_568 = arith.index_cast %add3A_567 : i32 to index
        %get3A_569 = arith.constant 64 : index
        %get3A_570 = tpu.vector_load %arg5[%get3A_568, %get3A_569] {strides = array<i32>} : memref<256x128xf32, #tpu.memory_space<vmem>>, vector<16xf32>,
        %add3A_571 = arith.constant 5 : i32
        %add3A_572 = arith.addi %mul3A_546, %add3A_571 : i32
        %get3A_573 = arith.index_cast %add3A_572 : i32 to index
        %get3A_574 = arith.constant 64 : index
        %get3A_575 = tpu.vector_load %arg5[%get3A_573, %get3A_574] {strides = array<i32>} : memref<256x128xf32, #tpu.memory_space<vmem>>, vector<16xf32>,
        %add3A_576 = arith.constant 6 : i32
        %add3A_577 = arith.addi %mul3A_546, %add3A_576 : i32
        %get3A_578 = arith.index_cast %add3A_577 : i32 to index
        %get3A_579 = arith.constant 64 : index
        %get3A_580 = tpu.vector_load %arg5[%get3A_578, %get3A_579] {strides = array<i32>} : memref<256x128xf32, #tpu.memory_space<vmem>>, vector<16xf32>,
        %add3A_581 = arith.constant 7 : i32
        %add3A_582 = arith.addi %mul3A_546, %add3A_581 : i32
        %get3A_583 = arith.index_cast %add3A_582 : i32 to index
        %get3A_584 = arith.constant 64 : index
        %get3A_585 = tpu.vector_load %arg5[%get3A_583, %get3A_584] {strides = array<i32>} : memref<256x128xf32, #tpu.memory_space<vmem>>, vector<16xf32>,
        %max3A = arith.maximumf %get3A_550, %get3A_555 : vector<16xf32>
        %min3A_586 = arith.minimumf %get3A_550, %get3A_555 : vector<16xf32>
        %max3A_587 = arith.maximumf %get3A_560, %get3A_565 : vector<16xf32>
        %min3A_588 = arith.minimumf %get3A_560, %get3A_565 : vector<16xf32>
        %max3A_589 = arith.maximumf %get3A_570, %get3A_575 : vector<16xf32>
        %min3A_590 = arith.minimumf %get3A_570, %get3A_575 : vector<16xf32>
        %max3A_591 = arith.maximumf %get3A_580, %get3A_585 : vector<16xf32>
        %min3A_592 = arith.minimumf %get3A_580, %get3A_585 : vector<16xf32>
        %max3A_593 = arith.maximumf %max3A, %max3A_587 : vector<16xf32>
        %min3A_594 = arith.minimumf %max3A, %max3A_587 : vector<16xf32>
        %max3A_595 = arith.maximumf %min3A_586, %min3A_588 : vector<16xf32>
        %min3A_596 = arith.minimumf %min3A_586, %min3A_588 : vector<16xf32>
        %max3A_597 = arith.maximumf %max3A_589, %max3A_591 : vector<16xf32>
        %min3A_598 = arith.minimumf %max3A_589, %max3A_591 : vector<16xf32>
        %max3A_599 = arith.maximumf %min3A_590, %min3A_592 : vector<16xf32>
        %min3A_600 = arith.minimumf %min3A_590, %min3A_592 : vector<16xf32>
        %max3A_601 = arith.maximumf %max3A_595, %min3A_594 : vector<16xf32>
        %min3A_602 = arith.minimumf %max3A_595, %min3A_594 : vector<16xf32>
        %max3A_603 = arith.maximumf %max3A_599, %min3A_598 : vector<16xf32>
        %min3A_604 = arith.minimumf %max3A_599, %min3A_598 : vector<16xf32>
        %max3A_605 = arith.maximumf %max3A_593, %max3A_597 : vector<16xf32>
        %min3A_606 = arith.minimumf %max3A_593, %max3A_597 : vector<16xf32>
        %max3A_607 = arith.maximumf %max3A_601, %max3A_603 : vector<16xf32>
        %min3A_608 = arith.minimumf %max3A_601, %max3A_603 : vector<16xf32>
        %max3A_609 = arith.maximumf %min3A_602, %min3A_604 : vector<16xf32>
        %min3A_610 = arith.minimumf %min3A_602, %min3A_604 : vector<16xf32>
        %max3A_611 = arith.maximumf %min3A_596, %min3A_600 : vector<16xf32>
        %min3A_612 = arith.minimumf %min3A_596, %min3A_600 : vector<16xf32>
        %max3A_613 = arith.maximumf %max3A_609, %min3A_606 : vector<16xf32>
        %min3A_614 = arith.minimumf %max3A_609, %min3A_606 : vector<16xf32>
        %max3A_615 = arith.maximumf %max3A_611, %min3A_608 : vector<16xf32>
        %min3A_616 = arith.minimumf %max3A_611, %min3A_608 : vector<16xf32>
        %max3A_617 = arith.maximumf %max3A_607, %max3A_613 : vector<16xf32>
        %min3A_618 = arith.minimumf %max3A_607, %max3A_613 : vector<16xf32>
        %max3A_619 = arith.maximumf %max3A_615, %min3A_614 : vector<16xf32>
        %min3A_620 = arith.minimumf %max3A_615, %min3A_614 : vector<16xf32>
        %max3A_621 = arith.maximumf %min3A_616, %min3A_610 : vector<16xf32>
        %min3A_622 = arith.minimumf %min3A_616, %min3A_610 : vector<16xf32>
        %max3A_623 = arith.maximumf %scan3A_537, %min3A_612 : vector<16xf32>
        %max3A_624 = arith.maximumf %scan3A_538, %min3A_622 : vector<16xf32>
        %max3A_625 = arith.maximumf %scan3A_539, %max3A_621 : vector<16xf32>
        %max3A_626 = arith.maximumf %scan3A_540, %min3A_620 : vector<16xf32>
        %max3A_627 = arith.maximumf %scan3A_541, %max3A_619 : vector<16xf32>
        %max3A_628 = arith.maximumf %scan3A_542, %min3A_618 : vector<16xf32>
        %max3A_629 = arith.maximumf %scan3A_543, %max3A_617 : vector<16xf32>
        %max3A_630 = arith.maximumf %scan3A_544, %max3A_605 : vector<16xf32>
        %max3A_631 = arith.maximumf %max3A_623, %max3A_627 : vector<16xf32>
        %min3A_632 = arith.minimumf %max3A_623, %max3A_627 : vector<16xf32>
        %max3A_633 = arith.maximumf %max3A_624, %max3A_628 : vector<16xf32>
        %min3A_634 = arith.minimumf %max3A_624, %max3A_628 : vector<16xf32>
        %max3A_635 = arith.maximumf %max3A_625, %max3A_629 : vector<16xf32>
        %min3A_636 = arith.minimumf %max3A_625, %max3A_629 : vector<16xf32>
        %max3A_637 = arith.maximumf %max3A_626, %max3A_630 : vector<16xf32>
        %min3A_638 = arith.minimumf %max3A_626, %max3A_630 : vector<16xf32>
        %max3A_639 = arith.maximumf %max3A_631, %max3A_635 : vector<16xf32>
        %min3A_640 = arith.minimumf %max3A_631, %max3A_635 : vector<16xf32>
        %max3A_641 = arith.maximumf %max3A_633, %max3A_637 : vector<16xf32>
        %min3A_642 = arith.minimumf %max3A_633, %max3A_637 : vector<16xf32>
        %max3A_643 = arith.maximumf %min3A_632, %min3A_636 : vector<16xf32>
        %min3A_644 = arith.minimumf %min3A_632, %min3A_636 : vector<16xf32>
        %max3A_645 = arith.maximumf %min3A_634, %min3A_638 : vector<16xf32>
        %min3A_646 = arith.minimumf %min3A_634, %min3A_638 : vector<16xf32>
        %max3A_647 = arith.maximumf %max3A_639, %max3A_641 : vector<16xf32>
        %min3A_648 = arith.minimumf %max3A_639, %max3A_641 : vector<16xf32>
        %max3A_649 = arith.maximumf %min3A_640, %min3A_642 : vector<16xf32>
        %min3A_650 = arith.minimumf %min3A_640, %min3A_642 : vector<16xf32>
        %max3A_651 = arith.maximumf %max3A_643, %max3A_645 : vector<16xf32>
        %min3A_652 = arith.minimumf %max3A_643, %max3A_645 : vector<16xf32>
        %max3A_653 = arith.maximumf %min3A_644, %min3A_646 : vector<16xf32>
        %min3A_654 = arith.minimumf %min3A_644, %min3A_646 : vector<16xf32>
        scf.yield %max3A_647, %min3A_648, %max3A_649, %min3A_650, %max3A_651, %min3A_652, %max3A_653, %min3A_654 : vector<16xf32>, vector<16xf32>, vector<16xf32>, vector<16xf32>, vector<16xf32>, vector<16xf32>, vector<16xf32>, vector<16xf32>
      }
      %scan3A_505 = arith.constant 32 : i32
      %scan3A_506 = arith.constant 0 : i32
      %scan3A_507 = arith.constant 32 : i32
      %scan3A_508 = arith.addi %scan3A_506, %scan3A_507 : i32
      %scan3A_509 = arith.constant 1 : i32
      %scan3A_510:8 = scf.for %scan3A_536 = %scan3A_506 to %scan3A_508 step %scan3A_509 iter_args(%scan3A_537 = %scan3A_440#0, %scan3A_538 = %scan3A_440#1, %scan3A_539 = %scan3A_440#2, %scan3A_540 = %scan3A_440#3, %scan3A_541 = %scan3A_440#4, %scan3A_542 = %scan3A_440#5, %scan3A_543 = %scan3A_440#6, %scan3A_544 = %scan3A_440#7) -> (vector<16xf32>, vector<16xf32>, vector<16xf32>, vector<16xf32>, vector<16xf32>, vector<16xf32>, vector<16xf32>, vector<16xf32>)  : i32 {
        %mul3A_545 = arith.constant 8 : i32
        %mul3A_546 = arith.muli %scan3A_536, %mul3A_545 : i32
        %add3A_547 = arith.constant 0 : i32
        %add3A_548 = arith.addi %mul3A_546, %add3A_547 : i32
        %get3A = arith.index_cast %add3A_548 : i32 to index
        %get3A_549 = arith.constant 80 : index
        %get3A_550 = tpu.vector_load %arg5[%get3A, %get3A_549] {strides = array<i32>} : memref<256x128xf32, #tpu.memory_space<vmem>>, vector<16xf32>,
        %add3A_551 = arith.constant 1 : i32
        %add3A_552 = arith.addi %mul3A_546, %add3A_551 : i32
        %get3A_553 = arith.index_cast %add3A_552 : i32 to index
        %get3A_554 = arith.constant 80 : index
        %get3A_555 = tpu.vector_load %arg5[%get3A_553, %get3A_554] {strides = array<i32>} : memref<256x128xf32, #tpu.memory_space<vmem>>, vector<16xf32>,
        %add3A_556 = arith.constant 2 : i32
        %add3A_557 = arith.addi %mul3A_546, %add3A_556 : i32
        %get3A_558 = arith.index_cast %add3A_557 : i32 to index
        %get3A_559 = arith.constant 80 : index
        %get3A_560 = tpu.vector_load %arg5[%get3A_558, %get3A_559] {strides = array<i32>} : memref<256x128xf32, #tpu.memory_space<vmem>>, vector<16xf32>,
        %add3A_561 = arith.constant 3 : i32
        %add3A_562 = arith.addi %mul3A_546, %add3A_561 : i32
        %get3A_563 = arith.index_cast %add3A_562 : i32 to index
        %get3A_564 = arith.constant 80 : index
        %get3A_565 = tpu.vector_load %arg5[%get3A_563, %get3A_564] {strides = array<i32>} : memref<256x128xf32, #tpu.memory_space<vmem>>, vector<16xf32>,
        %add3A_566 = arith.constant 4 : i32
        %add3A_567 = arith.addi %mul3A_546, %add3A_566 : i32
        %get3A_568 = arith.index_cast %add3A_567 : i32 to index
        %get3A_569 = arith.constant 80 : index
        %get3A_570 = tpu.vector_load %arg5[%get3A_568, %get3A_569] {strides = array<i32>} : memref<256x128xf32, #tpu.memory_space<vmem>>, vector<16xf32>,
        %add3A_571 = arith.constant 5 : i32
        %add3A_572 = arith.addi %mul3A_546, %add3A_571 : i32
        %get3A_573 = arith.index_cast %add3A_572 : i32 to index
        %get3A_574 = arith.constant 80 : index
        %get3A_575 = tpu.vector_load %arg5[%get3A_573, %get3A_574] {strides = array<i32>} : memref<256x128xf32, #tpu.memory_space<vmem>>, vector<16xf32>,
        %add3A_576 = arith.constant 6 : i32
        %add3A_577 = arith.addi %mul3A_546, %add3A_576 : i32
        %get3A_578 = arith.index_cast %add3A_577 : i32 to index
        %get3A_579 = arith.constant 80 : index
        %get3A_580 = tpu.vector_load %arg5[%get3A_578, %get3A_579] {strides = array<i32>} : memref<256x128xf32, #tpu.memory_space<vmem>>, vector<16xf32>,
        %add3A_581 = arith.constant 7 : i32
        %add3A_582 = arith.addi %mul3A_546, %add3A_581 : i32
        %get3A_583 = arith.index_cast %add3A_582 : i32 to index
        %get3A_584 = arith.constant 80 : index
        %get3A_585 = tpu.vector_load %arg5[%get3A_583, %get3A_584] {strides = array<i32>} : memref<256x128xf32, #tpu.memory_space<vmem>>, vector<16xf32>,
        %max3A = arith.maximumf %get3A_550, %get3A_555 : vector<16xf32>
        %min3A_586 = arith.minimumf %get3A_550, %get3A_555 : vector<16xf32>
        %max3A_587 = arith.maximumf %get3A_560, %get3A_565 : vector<16xf32>
        %min3A_588 = arith.minimumf %get3A_560, %get3A_565 : vector<16xf32>
        %max3A_589 = arith.maximumf %get3A_570, %get3A_575 : vector<16xf32>
        %min3A_590 = arith.minimumf %get3A_570, %get3A_575 : vector<16xf32>
        %max3A_591 = arith.maximumf %get3A_580, %get3A_585 : vector<16xf32>
        %min3A_592 = arith.minimumf %get3A_580, %get3A_585 : vector<16xf32>
        %max3A_593 = arith.maximumf %max3A, %max3A_587 : vector<16xf32>
        %min3A_594 = arith.minimumf %max3A, %max3A_587 : vector<16xf32>
        %max3A_595 = arith.maximumf %min3A_586, %min3A_588 : vector<16xf32>
        %min3A_596 = arith.minimumf %min3A_586, %min3A_588 : vector<16xf32>
        %max3A_597 = arith.maximumf %max3A_589, %max3A_591 : vector<16xf32>
        %min3A_598 = arith.minimumf %max3A_589, %max3A_591 : vector<16xf32>
        %max3A_599 = arith.maximumf %min3A_590, %min3A_592 : vector<16xf32>
        %min3A_600 = arith.minimumf %min3A_590, %min3A_592 : vector<16xf32>
        %max3A_601 = arith.maximumf %max3A_595, %min3A_594 : vector<16xf32>
        %min3A_602 = arith.minimumf %max3A_595, %min3A_594 : vector<16xf32>
        %max3A_603 = arith.maximumf %max3A_599, %min3A_598 : vector<16xf32>
        %min3A_604 = arith.minimumf %max3A_599, %min3A_598 : vector<16xf32>
        %max3A_605 = arith.maximumf %max3A_593, %max3A_597 : vector<16xf32>
        %min3A_606 = arith.minimumf %max3A_593, %max3A_597 : vector<16xf32>
        %max3A_607 = arith.maximumf %max3A_601, %max3A_603 : vector<16xf32>
        %min3A_608 = arith.minimumf %max3A_601, %max3A_603 : vector<16xf32>
        %max3A_609 = arith.maximumf %min3A_602, %min3A_604 : vector<16xf32>
        %min3A_610 = arith.minimumf %min3A_602, %min3A_604 : vector<16xf32>
        %max3A_611 = arith.maximumf %min3A_596, %min3A_600 : vector<16xf32>
        %min3A_612 = arith.minimumf %min3A_596, %min3A_600 : vector<16xf32>
        %max3A_613 = arith.maximumf %max3A_609, %min3A_606 : vector<16xf32>
        %min3A_614 = arith.minimumf %max3A_609, %min3A_606 : vector<16xf32>
        %max3A_615 = arith.maximumf %max3A_611, %min3A_608 : vector<16xf32>
        %min3A_616 = arith.minimumf %max3A_611, %min3A_608 : vector<16xf32>
        %max3A_617 = arith.maximumf %max3A_607, %max3A_613 : vector<16xf32>
        %min3A_618 = arith.minimumf %max3A_607, %max3A_613 : vector<16xf32>
        %max3A_619 = arith.maximumf %max3A_615, %min3A_614 : vector<16xf32>
        %min3A_620 = arith.minimumf %max3A_615, %min3A_614 : vector<16xf32>
        %max3A_621 = arith.maximumf %min3A_616, %min3A_610 : vector<16xf32>
        %min3A_622 = arith.minimumf %min3A_616, %min3A_610 : vector<16xf32>
        %max3A_623 = arith.maximumf %scan3A_537, %min3A_612 : vector<16xf32>
        %max3A_624 = arith.maximumf %scan3A_538, %min3A_622 : vector<16xf32>
        %max3A_625 = arith.maximumf %scan3A_539, %max3A_621 : vector<16xf32>
        %max3A_626 = arith.maximumf %scan3A_540, %min3A_620 : vector<16xf32>
        %max3A_627 = arith.maximumf %scan3A_541, %max3A_619 : vector<16xf32>
        %max3A_628 = arith.maximumf %scan3A_542, %min3A_618 : vector<16xf32>
        %max3A_629 = arith.maximumf %scan3A_543, %max3A_617 : vector<16xf32>
        %max3A_630 = arith.maximumf %scan3A_544, %max3A_605 : vector<16xf32>
        %max3A_631 = arith.maximumf %max3A_623, %max3A_627 : vector<16xf32>
        %min3A_632 = arith.minimumf %max3A_623, %max3A_627 : vector<16xf32>
        %max3A_633 = arith.maximumf %max3A_624, %max3A_628 : vector<16xf32>
        %min3A_634 = arith.minimumf %max3A_624, %max3A_628 : vector<16xf32>
        %max3A_635 = arith.maximumf %max3A_625, %max3A_629 : vector<16xf32>
        %min3A_636 = arith.minimumf %max3A_625, %max3A_629 : vector<16xf32>
        %max3A_637 = arith.maximumf %max3A_626, %max3A_630 : vector<16xf32>
        %min3A_638 = arith.minimumf %max3A_626, %max3A_630 : vector<16xf32>
        %max3A_639 = arith.maximumf %max3A_631, %max3A_635 : vector<16xf32>
        %min3A_640 = arith.minimumf %max3A_631, %max3A_635 : vector<16xf32>
        %max3A_641 = arith.maximumf %max3A_633, %max3A_637 : vector<16xf32>
        %min3A_642 = arith.minimumf %max3A_633, %max3A_637 : vector<16xf32>
        %max3A_643 = arith.maximumf %min3A_632, %min3A_636 : vector<16xf32>
        %min3A_644 = arith.minimumf %min3A_632, %min3A_636 : vector<16xf32>
        %max3A_645 = arith.maximumf %min3A_634, %min3A_638 : vector<16xf32>
        %min3A_646 = arith.minimumf %min3A_634, %min3A_638 : vector<16xf32>
        %max3A_647 = arith.maximumf %max3A_639, %max3A_641 : vector<16xf32>
        %min3A_648 = arith.minimumf %max3A_639, %max3A_641 : vector<16xf32>
        %max3A_649 = arith.maximumf %min3A_640, %min3A_642 : vector<16xf32>
        %min3A_650 = arith.minimumf %min3A_640, %min3A_642 : vector<16xf32>
        %max3A_651 = arith.maximumf %max3A_643, %max3A_645 : vector<16xf32>
        %min3A_652 = arith.minimumf %max3A_643, %max3A_645 : vector<16xf32>
        %max3A_653 = arith.maximumf %min3A_644, %min3A_646 : vector<16xf32>
        %min3A_654 = arith.minimumf %min3A_644, %min3A_646 : vector<16xf32>
        scf.yield %max3A_647, %min3A_648, %max3A_649, %min3A_650, %max3A_651, %min3A_652, %max3A_653, %min3A_654 : vector<16xf32>, vector<16xf32>, vector<16xf32>, vector<16xf32>, vector<16xf32>, vector<16xf32>, vector<16xf32>, vector<16xf32>
      }
      %scan3A_511 = arith.constant 32 : i32
      %scan3A_512 = arith.constant 0 : i32
      %scan3A_513 = arith.constant 32 : i32
      %scan3A_514 = arith.addi %scan3A_512, %scan3A_513 : i32
      %scan3A_515 = arith.constant 1 : i32
      %scan3A_516:8 = scf.for %scan3A_536 = %scan3A_512 to %scan3A_514 step %scan3A_515 iter_args(%scan3A_537 = %scan3A_446#0, %scan3A_538 = %scan3A_446#1, %scan3A_539 = %scan3A_446#2, %scan3A_540 = %scan3A_446#3, %scan3A_541 = %scan3A_446#4, %scan3A_542 = %scan3A_446#5, %scan3A_543 = %scan3A_446#6, %scan3A_544 = %scan3A_446#7) -> (vector<16xf32>, vector<16xf32>, vector<16xf32>, vector<16xf32>, vector<16xf32>, vector<16xf32>, vector<16xf32>, vector<16xf32>)  : i32 {
        %mul3A_545 = arith.constant 8 : i32
        %mul3A_546 = arith.muli %scan3A_536, %mul3A_545 : i32
        %add3A_547 = arith.constant 0 : i32
        %add3A_548 = arith.addi %mul3A_546, %add3A_547 : i32
        %get3A = arith.index_cast %add3A_548 : i32 to index
        %get3A_549 = arith.constant 96 : index
        %get3A_550 = tpu.vector_load %arg5[%get3A, %get3A_549] {strides = array<i32>} : memref<256x128xf32, #tpu.memory_space<vmem>>, vector<16xf32>,
        %add3A_551 = arith.constant 1 : i32
        %add3A_552 = arith.addi %mul3A_546, %add3A_551 : i32
        %get3A_553 = arith.index_cast %add3A_552 : i32 to index
        %get3A_554 = arith.constant 96 : index
        %get3A_555 = tpu.vector_load %arg5[%get3A_553, %get3A_554] {strides = array<i32>} : memref<256x128xf32, #tpu.memory_space<vmem>>, vector<16xf32>,
        %add3A_556 = arith.constant 2 : i32
        %add3A_557 = arith.addi %mul3A_546, %add3A_556 : i32
        %get3A_558 = arith.index_cast %add3A_557 : i32 to index
        %get3A_559 = arith.constant 96 : index
        %get3A_560 = tpu.vector_load %arg5[%get3A_558, %get3A_559] {strides = array<i32>} : memref<256x128xf32, #tpu.memory_space<vmem>>, vector<16xf32>,
        %add3A_561 = arith.constant 3 : i32
        %add3A_562 = arith.addi %mul3A_546, %add3A_561 : i32
        %get3A_563 = arith.index_cast %add3A_562 : i32 to index
        %get3A_564 = arith.constant 96 : index
        %get3A_565 = tpu.vector_load %arg5[%get3A_563, %get3A_564] {strides = array<i32>} : memref<256x128xf32, #tpu.memory_space<vmem>>, vector<16xf32>,
        %add3A_566 = arith.constant 4 : i32
        %add3A_567 = arith.addi %mul3A_546, %add3A_566 : i32
        %get3A_568 = arith.index_cast %add3A_567 : i32 to index
        %get3A_569 = arith.constant 96 : index
        %get3A_570 = tpu.vector_load %arg5[%get3A_568, %get3A_569] {strides = array<i32>} : memref<256x128xf32, #tpu.memory_space<vmem>>, vector<16xf32>,
        %add3A_571 = arith.constant 5 : i32
        %add3A_572 = arith.addi %mul3A_546, %add3A_571 : i32
        %get3A_573 = arith.index_cast %add3A_572 : i32 to index
        %get3A_574 = arith.constant 96 : index
        %get3A_575 = tpu.vector_load %arg5[%get3A_573, %get3A_574] {strides = array<i32>} : memref<256x128xf32, #tpu.memory_space<vmem>>, vector<16xf32>,
        %add3A_576 = arith.constant 6 : i32
        %add3A_577 = arith.addi %mul3A_546, %add3A_576 : i32
        %get3A_578 = arith.index_cast %add3A_577 : i32 to index
        %get3A_579 = arith.constant 96 : index
        %get3A_580 = tpu.vector_load %arg5[%get3A_578, %get3A_579] {strides = array<i32>} : memref<256x128xf32, #tpu.memory_space<vmem>>, vector<16xf32>,
        %add3A_581 = arith.constant 7 : i32
        %add3A_582 = arith.addi %mul3A_546, %add3A_581 : i32
        %get3A_583 = arith.index_cast %add3A_582 : i32 to index
        %get3A_584 = arith.constant 96 : index
        %get3A_585 = tpu.vector_load %arg5[%get3A_583, %get3A_584] {strides = array<i32>} : memref<256x128xf32, #tpu.memory_space<vmem>>, vector<16xf32>,
        %max3A = arith.maximumf %get3A_550, %get3A_555 : vector<16xf32>
        %min3A_586 = arith.minimumf %get3A_550, %get3A_555 : vector<16xf32>
        %max3A_587 = arith.maximumf %get3A_560, %get3A_565 : vector<16xf32>
        %min3A_588 = arith.minimumf %get3A_560, %get3A_565 : vector<16xf32>
        %max3A_589 = arith.maximumf %get3A_570, %get3A_575 : vector<16xf32>
        %min3A_590 = arith.minimumf %get3A_570, %get3A_575 : vector<16xf32>
        %max3A_591 = arith.maximumf %get3A_580, %get3A_585 : vector<16xf32>
        %min3A_592 = arith.minimumf %get3A_580, %get3A_585 : vector<16xf32>
        %max3A_593 = arith.maximumf %max3A, %max3A_587 : vector<16xf32>
        %min3A_594 = arith.minimumf %max3A, %max3A_587 : vector<16xf32>
        %max3A_595 = arith.maximumf %min3A_586, %min3A_588 : vector<16xf32>
        %min3A_596 = arith.minimumf %min3A_586, %min3A_588 : vector<16xf32>
        %max3A_597 = arith.maximumf %max3A_589, %max3A_591 : vector<16xf32>
        %min3A_598 = arith.minimumf %max3A_589, %max3A_591 : vector<16xf32>
        %max3A_599 = arith.maximumf %min3A_590, %min3A_592 : vector<16xf32>
        %min3A_600 = arith.minimumf %min3A_590, %min3A_592 : vector<16xf32>
        %max3A_601 = arith.maximumf %max3A_595, %min3A_594 : vector<16xf32>
        %min3A_602 = arith.minimumf %max3A_595, %min3A_594 : vector<16xf32>
        %max3A_603 = arith.maximumf %max3A_599, %min3A_598 : vector<16xf32>
        %min3A_604 = arith.minimumf %max3A_599, %min3A_598 : vector<16xf32>
        %max3A_605 = arith.maximumf %max3A_593, %max3A_597 : vector<16xf32>
        %min3A_606 = arith.minimumf %max3A_593, %max3A_597 : vector<16xf32>
        %max3A_607 = arith.maximumf %max3A_601, %max3A_603 : vector<16xf32>
        %min3A_608 = arith.minimumf %max3A_601, %max3A_603 : vector<16xf32>
        %max3A_609 = arith.maximumf %min3A_602, %min3A_604 : vector<16xf32>
        %min3A_610 = arith.minimumf %min3A_602, %min3A_604 : vector<16xf32>
        %max3A_611 = arith.maximumf %min3A_596, %min3A_600 : vector<16xf32>
        %min3A_612 = arith.minimumf %min3A_596, %min3A_600 : vector<16xf32>
        %max3A_613 = arith.maximumf %max3A_609, %min3A_606 : vector<16xf32>
        %min3A_614 = arith.minimumf %max3A_609, %min3A_606 : vector<16xf32>
        %max3A_615 = arith.maximumf %max3A_611, %min3A_608 : vector<16xf32>
        %min3A_616 = arith.minimumf %max3A_611, %min3A_608 : vector<16xf32>
        %max3A_617 = arith.maximumf %max3A_607, %max3A_613 : vector<16xf32>
        %min3A_618 = arith.minimumf %max3A_607, %max3A_613 : vector<16xf32>
        %max3A_619 = arith.maximumf %max3A_615, %min3A_614 : vector<16xf32>
        %min3A_620 = arith.minimumf %max3A_615, %min3A_614 : vector<16xf32>
        %max3A_621 = arith.maximumf %min3A_616, %min3A_610 : vector<16xf32>
        %min3A_622 = arith.minimumf %min3A_616, %min3A_610 : vector<16xf32>
        %max3A_623 = arith.maximumf %scan3A_537, %min3A_612 : vector<16xf32>
        %max3A_624 = arith.maximumf %scan3A_538, %min3A_622 : vector<16xf32>
        %max3A_625 = arith.maximumf %scan3A_539, %max3A_621 : vector<16xf32>
        %max3A_626 = arith.maximumf %scan3A_540, %min3A_620 : vector<16xf32>
        %max3A_627 = arith.maximumf %scan3A_541, %max3A_619 : vector<16xf32>
        %max3A_628 = arith.maximumf %scan3A_542, %min3A_618 : vector<16xf32>
        %max3A_629 = arith.maximumf %scan3A_543, %max3A_617 : vector<16xf32>
        %max3A_630 = arith.maximumf %scan3A_544, %max3A_605 : vector<16xf32>
        %max3A_631 = arith.maximumf %max3A_623, %max3A_627 : vector<16xf32>
        %min3A_632 = arith.minimumf %max3A_623, %max3A_627 : vector<16xf32>
        %max3A_633 = arith.maximumf %max3A_624, %max3A_628 : vector<16xf32>
        %min3A_634 = arith.minimumf %max3A_624, %max3A_628 : vector<16xf32>
        %max3A_635 = arith.maximumf %max3A_625, %max3A_629 : vector<16xf32>
        %min3A_636 = arith.minimumf %max3A_625, %max3A_629 : vector<16xf32>
        %max3A_637 = arith.maximumf %max3A_626, %max3A_630 : vector<16xf32>
        %min3A_638 = arith.minimumf %max3A_626, %max3A_630 : vector<16xf32>
        %max3A_639 = arith.maximumf %max3A_631, %max3A_635 : vector<16xf32>
        %min3A_640 = arith.minimumf %max3A_631, %max3A_635 : vector<16xf32>
        %max3A_641 = arith.maximumf %max3A_633, %max3A_637 : vector<16xf32>
        %min3A_642 = arith.minimumf %max3A_633, %max3A_637 : vector<16xf32>
        %max3A_643 = arith.maximumf %min3A_632, %min3A_636 : vector<16xf32>
        %min3A_644 = arith.minimumf %min3A_632, %min3A_636 : vector<16xf32>
        %max3A_645 = arith.maximumf %min3A_634, %min3A_638 : vector<16xf32>
        %min3A_646 = arith.minimumf %min3A_634, %min3A_638 : vector<16xf32>
        %max3A_647 = arith.maximumf %max3A_639, %max3A_641 : vector<16xf32>
        %min3A_648 = arith.minimumf %max3A_639, %max3A_641 : vector<16xf32>
        %max3A_649 = arith.maximumf %min3A_640, %min3A_642 : vector<16xf32>
        %min3A_650 = arith.minimumf %min3A_640, %min3A_642 : vector<16xf32>
        %max3A_651 = arith.maximumf %max3A_643, %max3A_645 : vector<16xf32>
        %min3A_652 = arith.minimumf %max3A_643, %max3A_645 : vector<16xf32>
        %max3A_653 = arith.maximumf %min3A_644, %min3A_646 : vector<16xf32>
        %min3A_654 = arith.minimumf %min3A_644, %min3A_646 : vector<16xf32>
        scf.yield %max3A_647, %min3A_648, %max3A_649, %min3A_650, %max3A_651, %min3A_652, %max3A_653, %min3A_654 : vector<16xf32>, vector<16xf32>, vector<16xf32>, vector<16xf32>, vector<16xf32>, vector<16xf32>, vector<16xf32>, vector<16xf32>
      }
      %scan3A_517 = arith.constant 32 : i32
      %scan3A_518 = arith.constant 0 : i32
      %scan3A_519 = arith.constant 32 : i32
      %scan3A_520 = arith.addi %scan3A_518, %scan3A_519 : i32
      %scan3A_521 = arith.constant 1 : i32
      %scan3A_522:8 = scf.for %scan3A_536 = %scan3A_518 to %scan3A_520 step %scan3A_521 iter_args(%scan3A_537 = %scan3A_452#0, %scan3A_538 = %scan3A_452#1, %scan3A_539 = %scan3A_452#2, %scan3A_540 = %scan3A_452#3, %scan3A_541 = %scan3A_452#4, %scan3A_542 = %scan3A_452#5, %scan3A_543 = %scan3A_452#6, %scan3A_544 = %scan3A_452#7) -> (vector<16xf32>, vector<16xf32>, vector<16xf32>, vector<16xf32>, vector<16xf32>, vector<16xf32>, vector<16xf32>, vector<16xf32>)  : i32 {
        %mul3A_545 = arith.constant 8 : i32
        %mul3A_546 = arith.muli %scan3A_536, %mul3A_545 : i32
        %add3A_547 = arith.constant 0 : i32
        %add3A_548 = arith.addi %mul3A_546, %add3A_547 : i32
        %get3A = arith.index_cast %add3A_548 : i32 to index
        %get3A_549 = arith.constant 112 : index
        %get3A_550 = tpu.vector_load %arg5[%get3A, %get3A_549] {strides = array<i32>} : memref<256x128xf32, #tpu.memory_space<vmem>>, vector<16xf32>,
        %add3A_551 = arith.constant 1 : i32
        %add3A_552 = arith.addi %mul3A_546, %add3A_551 : i32
        %get3A_553 = arith.index_cast %add3A_552 : i32 to index
        %get3A_554 = arith.constant 112 : index
        %get3A_555 = tpu.vector_load %arg5[%get3A_553, %get3A_554] {strides = array<i32>} : memref<256x128xf32, #tpu.memory_space<vmem>>, vector<16xf32>,
        %add3A_556 = arith.constant 2 : i32
        %add3A_557 = arith.addi %mul3A_546, %add3A_556 : i32
        %get3A_558 = arith.index_cast %add3A_557 : i32 to index
        %get3A_559 = arith.constant 112 : index
        %get3A_560 = tpu.vector_load %arg5[%get3A_558, %get3A_559] {strides = array<i32>} : memref<256x128xf32, #tpu.memory_space<vmem>>, vector<16xf32>,
        %add3A_561 = arith.constant 3 : i32
        %add3A_562 = arith.addi %mul3A_546, %add3A_561 : i32
        %get3A_563 = arith.index_cast %add3A_562 : i32 to index
        %get3A_564 = arith.constant 112 : index
        %get3A_565 = tpu.vector_load %arg5[%get3A_563, %get3A_564] {strides = array<i32>} : memref<256x128xf32, #tpu.memory_space<vmem>>, vector<16xf32>,
        %add3A_566 = arith.constant 4 : i32
        %add3A_567 = arith.addi %mul3A_546, %add3A_566 : i32
        %get3A_568 = arith.index_cast %add3A_567 : i32 to index
        %get3A_569 = arith.constant 112 : index
        %get3A_570 = tpu.vector_load %arg5[%get3A_568, %get3A_569] {strides = array<i32>} : memref<256x128xf32, #tpu.memory_space<vmem>>, vector<16xf32>,
        %add3A_571 = arith.constant 5 : i32
        %add3A_572 = arith.addi %mul3A_546, %add3A_571 : i32
        %get3A_573 = arith.index_cast %add3A_572 : i32 to index
        %get3A_574 = arith.constant 112 : index
        %get3A_575 = tpu.vector_load %arg5[%get3A_573, %get3A_574] {strides = array<i32>} : memref<256x128xf32, #tpu.memory_space<vmem>>, vector<16xf32>,
        %add3A_576 = arith.constant 6 : i32
        %add3A_577 = arith.addi %mul3A_546, %add3A_576 : i32
        %get3A_578 = arith.index_cast %add3A_577 : i32 to index
        %get3A_579 = arith.constant 112 : index
        %get3A_580 = tpu.vector_load %arg5[%get3A_578, %get3A_579] {strides = array<i32>} : memref<256x128xf32, #tpu.memory_space<vmem>>, vector<16xf32>,
        %add3A_581 = arith.constant 7 : i32
        %add3A_582 = arith.addi %mul3A_546, %add3A_581 : i32
        %get3A_583 = arith.index_cast %add3A_582 : i32 to index
        %get3A_584 = arith.constant 112 : index
        %get3A_585 = tpu.vector_load %arg5[%get3A_583, %get3A_584] {strides = array<i32>} : memref<256x128xf32, #tpu.memory_space<vmem>>, vector<16xf32>,
        %max3A = arith.maximumf %get3A_550, %get3A_555 : vector<16xf32>
        %min3A_586 = arith.minimumf %get3A_550, %get3A_555 : vector<16xf32>
        %max3A_587 = arith.maximumf %get3A_560, %get3A_565 : vector<16xf32>
        %min3A_588 = arith.minimumf %get3A_560, %get3A_565 : vector<16xf32>
        %max3A_589 = arith.maximumf %get3A_570, %get3A_575 : vector<16xf32>
        %min3A_590 = arith.minimumf %get3A_570, %get3A_575 : vector<16xf32>
        %max3A_591 = arith.maximumf %get3A_580, %get3A_585 : vector<16xf32>
        %min3A_592 = arith.minimumf %get3A_580, %get3A_585 : vector<16xf32>
        %max3A_593 = arith.maximumf %max3A, %max3A_587 : vector<16xf32>
        %min3A_594 = arith.minimumf %max3A, %max3A_587 : vector<16xf32>
        %max3A_595 = arith.maximumf %min3A_586, %min3A_588 : vector<16xf32>
        %min3A_596 = arith.minimumf %min3A_586, %min3A_588 : vector<16xf32>
        %max3A_597 = arith.maximumf %max3A_589, %max3A_591 : vector<16xf32>
        %min3A_598 = arith.minimumf %max3A_589, %max3A_591 : vector<16xf32>
        %max3A_599 = arith.maximumf %min3A_590, %min3A_592 : vector<16xf32>
        %min3A_600 = arith.minimumf %min3A_590, %min3A_592 : vector<16xf32>
        %max3A_601 = arith.maximumf %max3A_595, %min3A_594 : vector<16xf32>
        %min3A_602 = arith.minimumf %max3A_595, %min3A_594 : vector<16xf32>
        %max3A_603 = arith.maximumf %max3A_599, %min3A_598 : vector<16xf32>
        %min3A_604 = arith.minimumf %max3A_599, %min3A_598 : vector<16xf32>
        %max3A_605 = arith.maximumf %max3A_593, %max3A_597 : vector<16xf32>
        %min3A_606 = arith.minimumf %max3A_593, %max3A_597 : vector<16xf32>
        %max3A_607 = arith.maximumf %max3A_601, %max3A_603 : vector<16xf32>
        %min3A_608 = arith.minimumf %max3A_601, %max3A_603 : vector<16xf32>
        %max3A_609 = arith.maximumf %min3A_602, %min3A_604 : vector<16xf32>
        %min3A_610 = arith.minimumf %min3A_602, %min3A_604 : vector<16xf32>
        %max3A_611 = arith.maximumf %min3A_596, %min3A_600 : vector<16xf32>
        %min3A_612 = arith.minimumf %min3A_596, %min3A_600 : vector<16xf32>
        %max3A_613 = arith.maximumf %max3A_609, %min3A_606 : vector<16xf32>
        %min3A_614 = arith.minimumf %max3A_609, %min3A_606 : vector<16xf32>
        %max3A_615 = arith.maximumf %max3A_611, %min3A_608 : vector<16xf32>
        %min3A_616 = arith.minimumf %max3A_611, %min3A_608 : vector<16xf32>
        %max3A_617 = arith.maximumf %max3A_607, %max3A_613 : vector<16xf32>
        %min3A_618 = arith.minimumf %max3A_607, %max3A_613 : vector<16xf32>
        %max3A_619 = arith.maximumf %max3A_615, %min3A_614 : vector<16xf32>
        %min3A_620 = arith.minimumf %max3A_615, %min3A_614 : vector<16xf32>
        %max3A_621 = arith.maximumf %min3A_616, %min3A_610 : vector<16xf32>
        %min3A_622 = arith.minimumf %min3A_616, %min3A_610 : vector<16xf32>
        %max3A_623 = arith.maximumf %scan3A_537, %min3A_612 : vector<16xf32>
        %max3A_624 = arith.maximumf %scan3A_538, %min3A_622 : vector<16xf32>
        %max3A_625 = arith.maximumf %scan3A_539, %max3A_621 : vector<16xf32>
        %max3A_626 = arith.maximumf %scan3A_540, %min3A_620 : vector<16xf32>
        %max3A_627 = arith.maximumf %scan3A_541, %max3A_619 : vector<16xf32>
        %max3A_628 = arith.maximumf %scan3A_542, %min3A_618 : vector<16xf32>
        %max3A_629 = arith.maximumf %scan3A_543, %max3A_617 : vector<16xf32>
        %max3A_630 = arith.maximumf %scan3A_544, %max3A_605 : vector<16xf32>
        %max3A_631 = arith.maximumf %max3A_623, %max3A_627 : vector<16xf32>
        %min3A_632 = arith.minimumf %max3A_623, %max3A_627 : vector<16xf32>
        %max3A_633 = arith.maximumf %max3A_624, %max3A_628 : vector<16xf32>
        %min3A_634 = arith.minimumf %max3A_624, %max3A_628 : vector<16xf32>
        %max3A_635 = arith.maximumf %max3A_625, %max3A_629 : vector<16xf32>
        %min3A_636 = arith.minimumf %max3A_625, %max3A_629 : vector<16xf32>
        %max3A_637 = arith.maximumf %max3A_626, %max3A_630 : vector<16xf32>
        %min3A_638 = arith.minimumf %max3A_626, %max3A_630 : vector<16xf32>
        %max3A_639 = arith.maximumf %max3A_631, %max3A_635 : vector<16xf32>
        %min3A_640 = arith.minimumf %max3A_631, %max3A_635 : vector<16xf32>
        %max3A_641 = arith.maximumf %max3A_633, %max3A_637 : vector<16xf32>
        %min3A_642 = arith.minimumf %max3A_633, %max3A_637 : vector<16xf32>
        %max3A_643 = arith.maximumf %min3A_632, %min3A_636 : vector<16xf32>
        %min3A_644 = arith.minimumf %min3A_632, %min3A_636 : vector<16xf32>
        %max3A_645 = arith.maximumf %min3A_634, %min3A_638 : vector<16xf32>
        %min3A_646 = arith.minimumf %min3A_634, %min3A_638 : vector<16xf32>
        %max3A_647 = arith.maximumf %max3A_639, %max3A_641 : vector<16xf32>
        %min3A_648 = arith.minimumf %max3A_639, %max3A_641 : vector<16xf32>
        %max3A_649 = arith.maximumf %min3A_640, %min3A_642 : vector<16xf32>
        %min3A_650 = arith.minimumf %min3A_640, %min3A_642 : vector<16xf32>
        %max3A_651 = arith.maximumf %max3A_643, %max3A_645 : vector<16xf32>
        %min3A_652 = arith.minimumf %max3A_643, %max3A_645 : vector<16xf32>
        %max3A_653 = arith.maximumf %min3A_644, %min3A_646 : vector<16xf32>
        %min3A_654 = arith.minimumf %min3A_644, %min3A_646 : vector<16xf32>
        scf.yield %max3A_647, %min3A_648, %max3A_649, %min3A_650, %max3A_651, %min3A_652, %max3A_653, %min3A_654 : vector<16xf32>, vector<16xf32>, vector<16xf32>, vector<16xf32>, vector<16xf32>, vector<16xf32>, vector<16xf32>, vector<16xf32>
      }
      %scan3A_523 = arith.constant 32 : i32
      %add3A_524 = arith.constant 1 : i32
      %add3A_525 = arith.addi %add3A_395, %add3A_524 : i32
      %add3A_526 = arith.constant 2 : i32
      %add3A_527 = arith.addi %add3A_525, %add3A_526 : i32
      %min3A_528 = arith.constant 31 : i32
      %min3A_529 = arith.minsi %add3A_527, %min3A_528 : i32
      %mul3A_530 = arith.constant 256 : i32
      %mul3A_531 = arith.muli %min3A_529, %mul3A_530 : i32
      %dma_start3A_532 = tpu.memref_slice %arg2[%select_n3A, %mul3A_531, %mul3A_32] : memref<4x8192x1024xf32, #tpu.memory_space<hbm>> -> memref<1x256x128xf32, #tpu.memory_space<hbm>>
      %dma_start3A_533 = tpu.memref_squeeze %dma_start3A_532 : memref<1x256x128xf32, #tpu.memory_space<hbm>> -> memref<256x128xf32, #tpu.memory_space<hbm>>
      %dma_start3A_534 = tpu.memref_slice %arg2[%select_n3A, %mul3A_531, %mul3A_32] : memref<4x8192x1024xf32, #tpu.memory_space<hbm>> -> memref<1x256x128xf32, #tpu.memory_space<hbm>>
      %dma_start3A_535 = tpu.memref_squeeze %dma_start3A_534 : memref<1x256x128xf32, #tpu.memory_space<hbm>> -> memref<256x128xf32, #tpu.memory_space<hbm>>
      tpu.enqueue_dma source(%dma_start3A_535 : memref<256x128xf32, #tpu.memory_space<hbm>>) target(%arg5 : memref<256x128xf32, #tpu.memory_space<vmem>>) target_semaphore(%arg8 : memref<!tpu.dma_semaphore, #tpu.memory_space<semaphore_mem>>)
      scf.yield %scan3A_480#0, %scan3A_480#1, %scan3A_480#2, %scan3A_480#3, %scan3A_480#4, %scan3A_480#5, %scan3A_480#6, %scan3A_480#7, %scan3A_486#0, %scan3A_486#1, %scan3A_486#2, %scan3A_486#3, %scan3A_486#4, %scan3A_486#5, %scan3A_486#6, %scan3A_486#7, %scan3A_492#0, %scan3A_492#1, %scan3A_492#2, %scan3A_492#3, %scan3A_492#4, %scan3A_492#5, %scan3A_492#6, %scan3A_492#7, %scan3A_498#0, %scan3A_498#1, %scan3A_498#2, %scan3A_498#3, %scan3A_498#4, %scan3A_498#5, %scan3A_498#6, %scan3A_498#7, %scan3A_504#0, %scan3A_504#1, %scan3A_504#2, %scan3A_504#3, %scan3A_504#4, %scan3A_504#5, %scan3A_504#6, %scan3A_504#7, %scan3A_510#0, %scan3A_510#1, %scan3A_510#2, %scan3A_510#3, %scan3A_510#4, %scan3A_510#5, %scan3A_510#6, %scan3A_510#7, %scan3A_516#0, %scan3A_516#1, %scan3A_516#2, %scan3A_516#3, %scan3A_516#4, %scan3A_516#5, %scan3A_516#6, %scan3A_516#7, %scan3A_522#0, %scan3A_522#1, %scan3A_522#2, %scan3A_522#3, %scan3A_522#4, %scan3A_522#5, %scan3A_522#6, %scan3A_522#7 : vector<16xf32>, vector<16xf32>, vector<16xf32>, vector<16xf32>, vector<16xf32>, vector<16xf32>, vector<16xf32>, vector<16xf32>, vector<16xf32>, vector<16xf32>, vector<16xf32>, vector<16xf32>, vector<16xf32>, vector<16xf32>, vector<16xf32>, vector<16xf32>, vector<16xf32>, vector<16xf32>, vector<16xf32>, vector<16xf32>, vector<16xf32>, vector<16xf32>, vector<16xf32>, vector<16xf32>, vector<16xf32>, vector<16xf32>, vector<16xf32>, vector<16xf32>, vector<16xf32>, vector<16xf32>, vector<16xf32>, vector<16xf32>, vector<16xf32>, vector<16xf32>, vector<16xf32>, vector<16xf32>, vector<16xf32>, vector<16xf32>, vector<16xf32>, vector<16xf32>, vector<16xf32>, vector<16xf32>, vector<16xf32>, vector<16xf32>, vector<16xf32>, vector<16xf32>, vector<16xf32>, vector<16xf32>, vector<16xf32>, vector<16xf32>, vector<16xf32>, vector<16xf32>, vector<16xf32>, vector<16xf32>, vector<16xf32>, vector<16xf32>, vector<16xf32>, vector<16xf32>, vector<16xf32>, vector<16xf32>, vector<16xf32>, vector<16xf32>, vector<16xf32>, vector<16xf32>
    }
    %scan3A_54 = arith.constant 16 : i32
    %min3A_55 = arith.constant 32 : i32
    %min3A_56 = arith.constant 31 : i32
    %min3A_57 = arith.minsi %min3A_55, %min3A_56 : i32
    %mul3A_58 = arith.constant 256 : i32
    %mul3A_59 = arith.muli %min3A_57, %mul3A_58 : i32
    %dma_wait3A = tpu.memref_slice %arg2[%select_n3A, %mul3A_59, %mul3A_32] : memref<4x8192x1024xf32, #tpu.memory_space<hbm>> -> memref<1x256x128xf32, #tpu.memory_space<hbm>>
    %dma_wait3A_60 = tpu.memref_squeeze %dma_wait3A : memref<1x256x128xf32, #tpu.memory_space<hbm>> -> memref<256x128xf32, #tpu.memory_space<hbm>>
    %dma_wait3A_61 = tpu.memref_slice %arg2[%select_n3A, %mul3A_59, %mul3A_32] : memref<4x8192x1024xf32, #tpu.memory_space<hbm>> -> memref<1x256x128xf32, #tpu.memory_space<hbm>>
    %dma_wait3A_62 = tpu.memref_squeeze %dma_wait3A_61 : memref<1x256x128xf32, #tpu.memory_space<hbm>> -> memref<256x128xf32, #tpu.memory_space<hbm>>
    tpu.wait_dma2 semaphore(%arg7 : memref<!tpu.dma_semaphore, #tpu.memory_space<semaphore_mem>>) src(%dma_wait3A_62 : memref<256x128xf32, #tpu.memory_space<hbm>>) dst(%arg4 : memref<256x128xf32, #tpu.memory_space<vmem>>)
    %min3A_63 = arith.constant 33 : i32
    %min3A_64 = arith.constant 31 : i32
    %min3A_65 = arith.minsi %min3A_63, %min3A_64 : i32
    %mul3A_66 = arith.constant 256 : i32
    %mul3A_67 = arith.muli %min3A_65, %mul3A_66 : i32
    %dma_wait3A_68 = tpu.memref_slice %arg2[%select_n3A, %mul3A_67, %mul3A_32] : memref<4x8192x1024xf32, #tpu.memory_space<hbm>> -> memref<1x256x128xf32, #tpu.memory_space<hbm>>
    %dma_wait3A_69 = tpu.memref_squeeze %dma_wait3A_68 : memref<1x256x128xf32, #tpu.memory_space<hbm>> -> memref<256x128xf32, #tpu.memory_space<hbm>>
    %dma_wait3A_70 = tpu.memref_slice %arg2[%select_n3A, %mul3A_67, %mul3A_32] : memref<4x8192x1024xf32, #tpu.memory_space<hbm>> -> memref<1x256x128xf32, #tpu.memory_space<hbm>>
    %dma_wait3A_71 = tpu.memref_squeeze %dma_wait3A_70 : memref<1x256x128xf32, #tpu.memory_space<hbm>> -> memref<256x128xf32, #tpu.memory_space<hbm>>
    tpu.wait_dma2 semaphore(%arg8 : memref<!tpu.dma_semaphore, #tpu.memory_space<semaphore_mem>>) src(%dma_wait3A_71 : memref<256x128xf32, #tpu.memory_space<hbm>>) dst(%arg5 : memref<256x128xf32, #tpu.memory_space<vmem>>)
    %swap3A = arith.constant 0 : i32
    %swap3A_72 = arith.index_cast %swap3A : i32 to index
    %swap3A_73 = arith.constant 0 : index
    %swap3A_74 = tpu.vector_load %arg6[%swap3A_72, %swap3A_73] {strides = array<i32>} : memref<8x128xf32, #tpu.memory_space<vmem>>, vector<16xf32>,
    tpu.vector_store %arg6[%swap3A_72, %swap3A_73], %scan3A_53#0 {strides = array<i32>} : memref<8x128xf32, #tpu.memory_space<vmem>>, vector<16xf32>,
    %swap3A_75 = arith.constant 1 : i32
    %swap3A_76 = arith.index_cast %swap3A_75 : i32 to index
    %swap3A_77 = arith.constant 0 : index
    %swap3A_78 = tpu.vector_load %arg6[%swap3A_76, %swap3A_77] {strides = array<i32>} : memref<8x128xf32, #tpu.memory_space<vmem>>, vector<16xf32>,
    tpu.vector_store %arg6[%swap3A_76, %swap3A_77], %scan3A_53#1 {strides = array<i32>} : memref<8x128xf32, #tpu.memory_space<vmem>>, vector<16xf32>,
    %swap3A_79 = arith.constant 2 : i32
    %swap3A_80 = arith.index_cast %swap3A_79 : i32 to index
    %swap3A_81 = arith.constant 0 : index
    %swap3A_82 = tpu.vector_load %arg6[%swap3A_80, %swap3A_81] {strides = array<i32>} : memref<8x128xf32, #tpu.memory_space<vmem>>, vector<16xf32>,
    tpu.vector_store %arg6[%swap3A_80, %swap3A_81], %scan3A_53#2 {strides = array<i32>} : memref<8x128xf32, #tpu.memory_space<vmem>>, vector<16xf32>,
    %swap3A_83 = arith.constant 3 : i32
    %swap3A_84 = arith.index_cast %swap3A_83 : i32 to index
    %swap3A_85 = arith.constant 0 : index
    %swap3A_86 = tpu.vector_load %arg6[%swap3A_84, %swap3A_85] {strides = array<i32>} : memref<8x128xf32, #tpu.memory_space<vmem>>, vector<16xf32>,
    tpu.vector_store %arg6[%swap3A_84, %swap3A_85], %scan3A_53#3 {strides = array<i32>} : memref<8x128xf32, #tpu.memory_space<vmem>>, vector<16xf32>,
    %swap3A_87 = arith.constant 4 : i32
    %swap3A_88 = arith.index_cast %swap3A_87 : i32 to index
    %swap3A_89 = arith.constant 0 : index
    %swap3A_90 = tpu.vector_load %arg6[%swap3A_88, %swap3A_89] {strides = array<i32>} : memref<8x128xf32, #tpu.memory_space<vmem>>, vector<16xf32>,
    tpu.vector_store %arg6[%swap3A_88, %swap3A_89], %scan3A_53#4 {strides = array<i32>} : memref<8x128xf32, #tpu.memory_space<vmem>>, vector<16xf32>,
    %swap3A_91 = arith.constant 5 : i32
    %swap3A_92 = arith.index_cast %swap3A_91 : i32 to index
    %swap3A_93 = arith.constant 0 : index
    %swap3A_94 = tpu.vector_load %arg6[%swap3A_92, %swap3A_93] {strides = array<i32>} : memref<8x128xf32, #tpu.memory_space<vmem>>, vector<16xf32>,
    tpu.vector_store %arg6[%swap3A_92, %swap3A_93], %scan3A_53#5 {strides = array<i32>} : memref<8x128xf32, #tpu.memory_space<vmem>>, vector<16xf32>,
    %swap3A_95 = arith.constant 6 : i32
    %swap3A_96 = arith.index_cast %swap3A_95 : i32 to index
    %swap3A_97 = arith.constant 0 : index
    %swap3A_98 = tpu.vector_load %arg6[%swap3A_96, %swap3A_97] {strides = array<i32>} : memref<8x128xf32, #tpu.memory_space<vmem>>, vector<16xf32>,
    tpu.vector_store %arg6[%swap3A_96, %swap3A_97], %scan3A_53#6 {strides = array<i32>} : memref<8x128xf32, #tpu.memory_space<vmem>>, vector<16xf32>,
    %swap3A_99 = arith.constant 7 : i32
    %swap3A_100 = arith.index_cast %swap3A_99 : i32 to index
    %swap3A_101 = arith.constant 0 : index
    %swap3A_102 = tpu.vector_load %arg6[%swap3A_100, %swap3A_101] {strides = array<i32>} : memref<8x128xf32, #tpu.memory_space<vmem>>, vector<16xf32>,
    tpu.vector_store %arg6[%swap3A_100, %swap3A_101], %scan3A_53#7 {strides = array<i32>} : memref<8x128xf32, #tpu.memory_space<vmem>>, vector<16xf32>,
    %swap3A_103 = arith.constant 0 : i32
    %swap3A_104 = arith.index_cast %swap3A_103 : i32 to index
    %swap3A_105 = arith.constant 16 : index
    %swap3A_106 = tpu.vector_load %arg6[%swap3A_104, %swap3A_105] {strides = array<i32>} : memref<8x128xf32, #tpu.memory_space<vmem>>, vector<16xf32>,
    tpu.vector_store %arg6[%swap3A_104, %swap3A_105], %scan3A_53#8 {strides = array<i32>} : memref<8x128xf32, #tpu.memory_space<vmem>>, vector<16xf32>,
    %swap3A_107 = arith.constant 1 : i32
    %swap3A_108 = arith.index_cast %swap3A_107 : i32 to index
    %swap3A_109 = arith.constant 16 : index
    %swap3A_110 = tpu.vector_load %arg6[%swap3A_108, %swap3A_109] {strides = array<i32>} : memref<8x128xf32, #tpu.memory_space<vmem>>, vector<16xf32>,
    tpu.vector_store %arg6[%swap3A_108, %swap3A_109], %scan3A_53#9 {strides = array<i32>} : memref<8x128xf32, #tpu.memory_space<vmem>>, vector<16xf32>,
    %swap3A_111 = arith.constant 2 : i32
    %swap3A_112 = arith.index_cast %swap3A_111 : i32 to index
    %swap3A_113 = arith.constant 16 : index
    %swap3A_114 = tpu.vector_load %arg6[%swap3A_112, %swap3A_113] {strides = array<i32>} : memref<8x128xf32, #tpu.memory_space<vmem>>, vector<16xf32>,
    tpu.vector_store %arg6[%swap3A_112, %swap3A_113], %scan3A_53#10 {strides = array<i32>} : memref<8x128xf32, #tpu.memory_space<vmem>>, vector<16xf32>,
    %swap3A_115 = arith.constant 3 : i32
    %swap3A_116 = arith.index_cast %swap3A_115 : i32 to index
    %swap3A_117 = arith.constant 16 : index
    %swap3A_118 = tpu.vector_load %arg6[%swap3A_116, %swap3A_117] {strides = array<i32>} : memref<8x128xf32, #tpu.memory_space<vmem>>, vector<16xf32>,
    tpu.vector_store %arg6[%swap3A_116, %swap3A_117], %scan3A_53#11 {strides = array<i32>} : memref<8x128xf32, #tpu.memory_space<vmem>>, vector<16xf32>,
    %swap3A_119 = arith.constant 4 : i32
    %swap3A_120 = arith.index_cast %swap3A_119 : i32 to index
    %swap3A_121 = arith.constant 16 : index
    %swap3A_122 = tpu.vector_load %arg6[%swap3A_120, %swap3A_121] {strides = array<i32>} : memref<8x128xf32, #tpu.memory_space<vmem>>, vector<16xf32>,
    tpu.vector_store %arg6[%swap3A_120, %swap3A_121], %scan3A_53#12 {strides = array<i32>} : memref<8x128xf32, #tpu.memory_space<vmem>>, vector<16xf32>,
    %swap3A_123 = arith.constant 5 : i32
    %swap3A_124 = arith.index_cast %swap3A_123 : i32 to index
    %swap3A_125 = arith.constant 16 : index
    %swap3A_126 = tpu.vector_load %arg6[%swap3A_124, %swap3A_125] {strides = array<i32>} : memref<8x128xf32, #tpu.memory_space<vmem>>, vector<16xf32>,
    tpu.vector_store %arg6[%swap3A_124, %swap3A_125], %scan3A_53#13 {strides = array<i32>} : memref<8x128xf32, #tpu.memory_space<vmem>>, vector<16xf32>,
    %swap3A_127 = arith.constant 6 : i32
    %swap3A_128 = arith.index_cast %swap3A_127 : i32 to index
    %swap3A_129 = arith.constant 16 : index
    %swap3A_130 = tpu.vector_load %arg6[%swap3A_128, %swap3A_129] {strides = array<i32>} : memref<8x128xf32, #tpu.memory_space<vmem>>, vector<16xf32>,
    tpu.vector_store %arg6[%swap3A_128, %swap3A_129], %scan3A_53#14 {strides = array<i32>} : memref<8x128xf32, #tpu.memory_space<vmem>>, vector<16xf32>,
    %swap3A_131 = arith.constant 7 : i32
    %swap3A_132 = arith.index_cast %swap3A_131 : i32 to index
    %swap3A_133 = arith.constant 16 : index
    %swap3A_134 = tpu.vector_load %arg6[%swap3A_132, %swap3A_133] {strides = array<i32>} : memref<8x128xf32, #tpu.memory_space<vmem>>, vector<16xf32>,
    tpu.vector_store %arg6[%swap3A_132, %swap3A_133], %scan3A_53#15 {strides = array<i32>} : memref<8x128xf32, #tpu.memory_space<vmem>>, vector<16xf32>,
    %swap3A_135 = arith.constant 0 : i32
    %swap3A_136 = arith.index_cast %swap3A_135 : i32 to index
    %swap3A_137 = arith.constant 32 : index
    %swap3A_138 = tpu.vector_load %arg6[%swap3A_136, %swap3A_137] {strides = array<i32>} : memref<8x128xf32, #tpu.memory_space<vmem>>, vector<16xf32>,
    tpu.vector_store %arg6[%swap3A_136, %swap3A_137], %scan3A_53#16 {strides = array<i32>} : memref<8x128xf32, #tpu.memory_space<vmem>>, vector<16xf32>,
    %swap3A_139 = arith.constant 1 : i32
    %swap3A_140 = arith.index_cast %swap3A_139 : i32 to index
    %swap3A_141 = arith.constant 32 : index
    %swap3A_142 = tpu.vector_load %arg6[%swap3A_140, %swap3A_141] {strides = array<i32>} : memref<8x128xf32, #tpu.memory_space<vmem>>, vector<16xf32>,
    tpu.vector_store %arg6[%swap3A_140, %swap3A_141], %scan3A_53#17 {strides = array<i32>} : memref<8x128xf32, #tpu.memory_space<vmem>>, vector<16xf32>,
    %swap3A_143 = arith.constant 2 : i32
    %swap3A_144 = arith.index_cast %swap3A_143 : i32 to index
    %swap3A_145 = arith.constant 32 : index
    %swap3A_146 = tpu.vector_load %arg6[%swap3A_144, %swap3A_145] {strides = array<i32>} : memref<8x128xf32, #tpu.memory_space<vmem>>, vector<16xf32>,
    tpu.vector_store %arg6[%swap3A_144, %swap3A_145], %scan3A_53#18 {strides = array<i32>} : memref<8x128xf32, #tpu.memory_space<vmem>>, vector<16xf32>,
    %swap3A_147 = arith.constant 3 : i32
    %swap3A_148 = arith.index_cast %swap3A_147 : i32 to index
    %swap3A_149 = arith.constant 32 : index
    %swap3A_150 = tpu.vector_load %arg6[%swap3A_148, %swap3A_149] {strides = array<i32>} : memref<8x128xf32, #tpu.memory_space<vmem>>, vector<16xf32>,
    tpu.vector_store %arg6[%swap3A_148, %swap3A_149], %scan3A_53#19 {strides = array<i32>} : memref<8x128xf32, #tpu.memory_space<vmem>>, vector<16xf32>,
    %swap3A_151 = arith.constant 4 : i32
    %swap3A_152 = arith.index_cast %swap3A_151 : i32 to index
    %swap3A_153 = arith.constant 32 : index
    %swap3A_154 = tpu.vector_load %arg6[%swap3A_152, %swap3A_153] {strides = array<i32>} : memref<8x128xf32, #tpu.memory_space<vmem>>, vector<16xf32>,
    tpu.vector_store %arg6[%swap3A_152, %swap3A_153], %scan3A_53#20 {strides = array<i32>} : memref<8x128xf32, #tpu.memory_space<vmem>>, vector<16xf32>,
    %swap3A_155 = arith.constant 5 : i32
    %swap3A_156 = arith.index_cast %swap3A_155 : i32 to index
    %swap3A_157 = arith.constant 32 : index
    %swap3A_158 = tpu.vector_load %arg6[%swap3A_156, %swap3A_157] {strides = array<i32>} : memref<8x128xf32, #tpu.memory_space<vmem>>, vector<16xf32>,
    tpu.vector_store %arg6[%swap3A_156, %swap3A_157], %scan3A_53#21 {strides = array<i32>} : memref<8x128xf32, #tpu.memory_space<vmem>>, vector<16xf32>,
    %swap3A_159 = arith.constant 6 : i32
    %swap3A_160 = arith.index_cast %swap3A_159 : i32 to index
    %swap3A_161 = arith.constant 32 : index
    %swap3A_162 = tpu.vector_load %arg6[%swap3A_160, %swap3A_161] {strides = array<i32>} : memref<8x128xf32, #tpu.memory_space<vmem>>, vector<16xf32>,
    tpu.vector_store %arg6[%swap3A_160, %swap3A_161], %scan3A_53#22 {strides = array<i32>} : memref<8x128xf32, #tpu.memory_space<vmem>>, vector<16xf32>,
    %swap3A_163 = arith.constant 7 : i32
    %swap3A_164 = arith.index_cast %swap3A_163 : i32 to index
    %swap3A_165 = arith.constant 32 : index
    %swap3A_166 = tpu.vector_load %arg6[%swap3A_164, %swap3A_165] {strides = array<i32>} : memref<8x128xf32, #tpu.memory_space<vmem>>, vector<16xf32>,
    tpu.vector_store %arg6[%swap3A_164, %swap3A_165], %scan3A_53#23 {strides = array<i32>} : memref<8x128xf32, #tpu.memory_space<vmem>>, vector<16xf32>,
    %swap3A_167 = arith.constant 0 : i32
    %swap3A_168 = arith.index_cast %swap3A_167 : i32 to index
    %swap3A_169 = arith.constant 48 : index
    %swap3A_170 = tpu.vector_load %arg6[%swap3A_168, %swap3A_169] {strides = array<i32>} : memref<8x128xf32, #tpu.memory_space<vmem>>, vector<16xf32>,
    tpu.vector_store %arg6[%swap3A_168, %swap3A_169], %scan3A_53#24 {strides = array<i32>} : memref<8x128xf32, #tpu.memory_space<vmem>>, vector<16xf32>,
    %swap3A_171 = arith.constant 1 : i32
    %swap3A_172 = arith.index_cast %swap3A_171 : i32 to index
    %swap3A_173 = arith.constant 48 : index
    %swap3A_174 = tpu.vector_load %arg6[%swap3A_172, %swap3A_173] {strides = array<i32>} : memref<8x128xf32, #tpu.memory_space<vmem>>, vector<16xf32>,
    tpu.vector_store %arg6[%swap3A_172, %swap3A_173], %scan3A_53#25 {strides = array<i32>} : memref<8x128xf32, #tpu.memory_space<vmem>>, vector<16xf32>,
    %swap3A_175 = arith.constant 2 : i32
    %swap3A_176 = arith.index_cast %swap3A_175 : i32 to index
    %swap3A_177 = arith.constant 48 : index
    %swap3A_178 = tpu.vector_load %arg6[%swap3A_176, %swap3A_177] {strides = array<i32>} : memref<8x128xf32, #tpu.memory_space<vmem>>, vector<16xf32>,
    tpu.vector_store %arg6[%swap3A_176, %swap3A_177], %scan3A_53#26 {strides = array<i32>} : memref<8x128xf32, #tpu.memory_space<vmem>>, vector<16xf32>,
    %swap3A_179 = arith.constant 3 : i32
    %swap3A_180 = arith.index_cast %swap3A_179 : i32 to index
    %swap3A_181 = arith.constant 48 : index
    %swap3A_182 = tpu.vector_load %arg6[%swap3A_180, %swap3A_181] {strides = array<i32>} : memref<8x128xf32, #tpu.memory_space<vmem>>, vector<16xf32>,
    tpu.vector_store %arg6[%swap3A_180, %swap3A_181], %scan3A_53#27 {strides = array<i32>} : memref<8x128xf32, #tpu.memory_space<vmem>>, vector<16xf32>,
    %swap3A_183 = arith.constant 4 : i32
    %swap3A_184 = arith.index_cast %swap3A_183 : i32 to index
    %swap3A_185 = arith.constant 48 : index
    %swap3A_186 = tpu.vector_load %arg6[%swap3A_184, %swap3A_185] {strides = array<i32>} : memref<8x128xf32, #tpu.memory_space<vmem>>, vector<16xf32>,
    tpu.vector_store %arg6[%swap3A_184, %swap3A_185], %scan3A_53#28 {strides = array<i32>} : memref<8x128xf32, #tpu.memory_space<vmem>>, vector<16xf32>,
    %swap3A_187 = arith.constant 5 : i32
    %swap3A_188 = arith.index_cast %swap3A_187 : i32 to index
    %swap3A_189 = arith.constant 48 : index
    %swap3A_190 = tpu.vector_load %arg6[%swap3A_188, %swap3A_189] {strides = array<i32>} : memref<8x128xf32, #tpu.memory_space<vmem>>, vector<16xf32>,
    tpu.vector_store %arg6[%swap3A_188, %swap3A_189], %scan3A_53#29 {strides = array<i32>} : memref<8x128xf32, #tpu.memory_space<vmem>>, vector<16xf32>,
    %swap3A_191 = arith.constant 6 : i32
    %swap3A_192 = arith.index_cast %swap3A_191 : i32 to index
    %swap3A_193 = arith.constant 48 : index
    %swap3A_194 = tpu.vector_load %arg6[%swap3A_192, %swap3A_193] {strides = array<i32>} : memref<8x128xf32, #tpu.memory_space<vmem>>, vector<16xf32>,
    tpu.vector_store %arg6[%swap3A_192, %swap3A_193], %scan3A_53#30 {strides = array<i32>} : memref<8x128xf32, #tpu.memory_space<vmem>>, vector<16xf32>,
    %swap3A_195 = arith.constant 7 : i32
    %swap3A_196 = arith.index_cast %swap3A_195 : i32 to index
    %swap3A_197 = arith.constant 48 : index
    %swap3A_198 = tpu.vector_load %arg6[%swap3A_196, %swap3A_197] {strides = array<i32>} : memref<8x128xf32, #tpu.memory_space<vmem>>, vector<16xf32>,
    tpu.vector_store %arg6[%swap3A_196, %swap3A_197], %scan3A_53#31 {strides = array<i32>} : memref<8x128xf32, #tpu.memory_space<vmem>>, vector<16xf32>,
    %swap3A_199 = arith.constant 0 : i32
    %swap3A_200 = arith.index_cast %swap3A_199 : i32 to index
    %swap3A_201 = arith.constant 64 : index
    %swap3A_202 = tpu.vector_load %arg6[%swap3A_200, %swap3A_201] {strides = array<i32>} : memref<8x128xf32, #tpu.memory_space<vmem>>, vector<16xf32>,
    tpu.vector_store %arg6[%swap3A_200, %swap3A_201], %scan3A_53#32 {strides = array<i32>} : memref<8x128xf32, #tpu.memory_space<vmem>>, vector<16xf32>,
    %swap3A_203 = arith.constant 1 : i32
    %swap3A_204 = arith.index_cast %swap3A_203 : i32 to index
    %swap3A_205 = arith.constant 64 : index
    %swap3A_206 = tpu.vector_load %arg6[%swap3A_204, %swap3A_205] {strides = array<i32>} : memref<8x128xf32, #tpu.memory_space<vmem>>, vector<16xf32>,
    tpu.vector_store %arg6[%swap3A_204, %swap3A_205], %scan3A_53#33 {strides = array<i32>} : memref<8x128xf32, #tpu.memory_space<vmem>>, vector<16xf32>,
    %swap3A_207 = arith.constant 2 : i32
    %swap3A_208 = arith.index_cast %swap3A_207 : i32 to index
    %swap3A_209 = arith.constant 64 : index
    %swap3A_210 = tpu.vector_load %arg6[%swap3A_208, %swap3A_209] {strides = array<i32>} : memref<8x128xf32, #tpu.memory_space<vmem>>, vector<16xf32>,
    tpu.vector_store %arg6[%swap3A_208, %swap3A_209], %scan3A_53#34 {strides = array<i32>} : memref<8x128xf32, #tpu.memory_space<vmem>>, vector<16xf32>,
    %swap3A_211 = arith.constant 3 : i32
    %swap3A_212 = arith.index_cast %swap3A_211 : i32 to index
    %swap3A_213 = arith.constant 64 : index
    %swap3A_214 = tpu.vector_load %arg6[%swap3A_212, %swap3A_213] {strides = array<i32>} : memref<8x128xf32, #tpu.memory_space<vmem>>, vector<16xf32>,
    tpu.vector_store %arg6[%swap3A_212, %swap3A_213], %scan3A_53#35 {strides = array<i32>} : memref<8x128xf32, #tpu.memory_space<vmem>>, vector<16xf32>,
    %swap3A_215 = arith.constant 4 : i32
    %swap3A_216 = arith.index_cast %swap3A_215 : i32 to index
    %swap3A_217 = arith.constant 64 : index
    %swap3A_218 = tpu.vector_load %arg6[%swap3A_216, %swap3A_217] {strides = array<i32>} : memref<8x128xf32, #tpu.memory_space<vmem>>, vector<16xf32>,
    tpu.vector_store %arg6[%swap3A_216, %swap3A_217], %scan3A_53#36 {strides = array<i32>} : memref<8x128xf32, #tpu.memory_space<vmem>>, vector<16xf32>,
    %swap3A_219 = arith.constant 5 : i32
    %swap3A_220 = arith.index_cast %swap3A_219 : i32 to index
    %swap3A_221 = arith.constant 64 : index
    %swap3A_222 = tpu.vector_load %arg6[%swap3A_220, %swap3A_221] {strides = array<i32>} : memref<8x128xf32, #tpu.memory_space<vmem>>, vector<16xf32>,
    tpu.vector_store %arg6[%swap3A_220, %swap3A_221], %scan3A_53#37 {strides = array<i32>} : memref<8x128xf32, #tpu.memory_space<vmem>>, vector<16xf32>,
    %swap3A_223 = arith.constant 6 : i32
    %swap3A_224 = arith.index_cast %swap3A_223 : i32 to index
    %swap3A_225 = arith.constant 64 : index
    %swap3A_226 = tpu.vector_load %arg6[%swap3A_224, %swap3A_225] {strides = array<i32>} : memref<8x128xf32, #tpu.memory_space<vmem>>, vector<16xf32>,
    tpu.vector_store %arg6[%swap3A_224, %swap3A_225], %scan3A_53#38 {strides = array<i32>} : memref<8x128xf32, #tpu.memory_space<vmem>>, vector<16xf32>,
    %swap3A_227 = arith.constant 7 : i32
    %swap3A_228 = arith.index_cast %swap3A_227 : i32 to index
    %swap3A_229 = arith.constant 64 : index
    %swap3A_230 = tpu.vector_load %arg6[%swap3A_228, %swap3A_229] {strides = array<i32>} : memref<8x128xf32, #tpu.memory_space<vmem>>, vector<16xf32>,
    tpu.vector_store %arg6[%swap3A_228, %swap3A_229], %scan3A_53#39 {strides = array<i32>} : memref<8x128xf32, #tpu.memory_space<vmem>>, vector<16xf32>,
    %swap3A_231 = arith.constant 0 : i32
    %swap3A_232 = arith.index_cast %swap3A_231 : i32 to index
    %swap3A_233 = arith.constant 80 : index
    %swap3A_234 = tpu.vector_load %arg6[%swap3A_232, %swap3A_233] {strides = array<i32>} : memref<8x128xf32, #tpu.memory_space<vmem>>, vector<16xf32>,
    tpu.vector_store %arg6[%swap3A_232, %swap3A_233], %scan3A_53#40 {strides = array<i32>} : memref<8x128xf32, #tpu.memory_space<vmem>>, vector<16xf32>,
    %swap3A_235 = arith.constant 1 : i32
    %swap3A_236 = arith.index_cast %swap3A_235 : i32 to index
    %swap3A_237 = arith.constant 80 : index
    %swap3A_238 = tpu.vector_load %arg6[%swap3A_236, %swap3A_237] {strides = array<i32>} : memref<8x128xf32, #tpu.memory_space<vmem>>, vector<16xf32>,
    tpu.vector_store %arg6[%swap3A_236, %swap3A_237], %scan3A_53#41 {strides = array<i32>} : memref<8x128xf32, #tpu.memory_space<vmem>>, vector<16xf32>,
    %swap3A_239 = arith.constant 2 : i32
    %swap3A_240 = arith.index_cast %swap3A_239 : i32 to index
    %swap3A_241 = arith.constant 80 : index
    %swap3A_242 = tpu.vector_load %arg6[%swap3A_240, %swap3A_241] {strides = array<i32>} : memref<8x128xf32, #tpu.memory_space<vmem>>, vector<16xf32>,
    tpu.vector_store %arg6[%swap3A_240, %swap3A_241], %scan3A_53#42 {strides = array<i32>} : memref<8x128xf32, #tpu.memory_space<vmem>>, vector<16xf32>,
    %swap3A_243 = arith.constant 3 : i32
    %swap3A_244 = arith.index_cast %swap3A_243 : i32 to index
    %swap3A_245 = arith.constant 80 : index
    %swap3A_246 = tpu.vector_load %arg6[%swap3A_244, %swap3A_245] {strides = array<i32>} : memref<8x128xf32, #tpu.memory_space<vmem>>, vector<16xf32>,
    tpu.vector_store %arg6[%swap3A_244, %swap3A_245], %scan3A_53#43 {strides = array<i32>} : memref<8x128xf32, #tpu.memory_space<vmem>>, vector<16xf32>,
    %swap3A_247 = arith.constant 4 : i32
    %swap3A_248 = arith.index_cast %swap3A_247 : i32 to index
    %swap3A_249 = arith.constant 80 : index
    %swap3A_250 = tpu.vector_load %arg6[%swap3A_248, %swap3A_249] {strides = array<i32>} : memref<8x128xf32, #tpu.memory_space<vmem>>, vector<16xf32>,
    tpu.vector_store %arg6[%swap3A_248, %swap3A_249], %scan3A_53#44 {strides = array<i32>} : memref<8x128xf32, #tpu.memory_space<vmem>>, vector<16xf32>,
    %swap3A_251 = arith.constant 5 : i32
    %swap3A_252 = arith.index_cast %swap3A_251 : i32 to index
    %swap3A_253 = arith.constant 80 : index
    %swap3A_254 = tpu.vector_load %arg6[%swap3A_252, %swap3A_253] {strides = array<i32>} : memref<8x128xf32, #tpu.memory_space<vmem>>, vector<16xf32>,
    tpu.vector_store %arg6[%swap3A_252, %swap3A_253], %scan3A_53#45 {strides = array<i32>} : memref<8x128xf32, #tpu.memory_space<vmem>>, vector<16xf32>,
    %swap3A_255 = arith.constant 6 : i32
    %swap3A_256 = arith.index_cast %swap3A_255 : i32 to index
    %swap3A_257 = arith.constant 80 : index
    %swap3A_258 = tpu.vector_load %arg6[%swap3A_256, %swap3A_257] {strides = array<i32>} : memref<8x128xf32, #tpu.memory_space<vmem>>, vector<16xf32>,
    tpu.vector_store %arg6[%swap3A_256, %swap3A_257], %scan3A_53#46 {strides = array<i32>} : memref<8x128xf32, #tpu.memory_space<vmem>>, vector<16xf32>,
    %swap3A_259 = arith.constant 7 : i32
    %swap3A_260 = arith.index_cast %swap3A_259 : i32 to index
    %swap3A_261 = arith.constant 80 : index
    %swap3A_262 = tpu.vector_load %arg6[%swap3A_260, %swap3A_261] {strides = array<i32>} : memref<8x128xf32, #tpu.memory_space<vmem>>, vector<16xf32>,
    tpu.vector_store %arg6[%swap3A_260, %swap3A_261], %scan3A_53#47 {strides = array<i32>} : memref<8x128xf32, #tpu.memory_space<vmem>>, vector<16xf32>,
    %swap3A_263 = arith.constant 0 : i32
    %swap3A_264 = arith.index_cast %swap3A_263 : i32 to index
    %swap3A_265 = arith.constant 96 : index
    %swap3A_266 = tpu.vector_load %arg6[%swap3A_264, %swap3A_265] {strides = array<i32>} : memref<8x128xf32, #tpu.memory_space<vmem>>, vector<16xf32>,
    tpu.vector_store %arg6[%swap3A_264, %swap3A_265], %scan3A_53#48 {strides = array<i32>} : memref<8x128xf32, #tpu.memory_space<vmem>>, vector<16xf32>,
    %swap3A_267 = arith.constant 1 : i32
    %swap3A_268 = arith.index_cast %swap3A_267 : i32 to index
    %swap3A_269 = arith.constant 96 : index
    %swap3A_270 = tpu.vector_load %arg6[%swap3A_268, %swap3A_269] {strides = array<i32>} : memref<8x128xf32, #tpu.memory_space<vmem>>, vector<16xf32>,
    tpu.vector_store %arg6[%swap3A_268, %swap3A_269], %scan3A_53#49 {strides = array<i32>} : memref<8x128xf32, #tpu.memory_space<vmem>>, vector<16xf32>,
    %swap3A_271 = arith.constant 2 : i32
    %swap3A_272 = arith.index_cast %swap3A_271 : i32 to index
    %swap3A_273 = arith.constant 96 : index
    %swap3A_274 = tpu.vector_load %arg6[%swap3A_272, %swap3A_273] {strides = array<i32>} : memref<8x128xf32, #tpu.memory_space<vmem>>, vector<16xf32>,
    tpu.vector_store %arg6[%swap3A_272, %swap3A_273], %scan3A_53#50 {strides = array<i32>} : memref<8x128xf32, #tpu.memory_space<vmem>>, vector<16xf32>,
    %swap3A_275 = arith.constant 3 : i32
    %swap3A_276 = arith.index_cast %swap3A_275 : i32 to index
    %swap3A_277 = arith.constant 96 : index
    %swap3A_278 = tpu.vector_load %arg6[%swap3A_276, %swap3A_277] {strides = array<i32>} : memref<8x128xf32, #tpu.memory_space<vmem>>, vector<16xf32>,
    tpu.vector_store %arg6[%swap3A_276, %swap3A_277], %scan3A_53#51 {strides = array<i32>} : memref<8x128xf32, #tpu.memory_space<vmem>>, vector<16xf32>,
    %swap3A_279 = arith.constant 4 : i32
    %swap3A_280 = arith.index_cast %swap3A_279 : i32 to index
    %swap3A_281 = arith.constant 96 : index
    %swap3A_282 = tpu.vector_load %arg6[%swap3A_280, %swap3A_281] {strides = array<i32>} : memref<8x128xf32, #tpu.memory_space<vmem>>, vector<16xf32>,
    tpu.vector_store %arg6[%swap3A_280, %swap3A_281], %scan3A_53#52 {strides = array<i32>} : memref<8x128xf32, #tpu.memory_space<vmem>>, vector<16xf32>,
    %swap3A_283 = arith.constant 5 : i32
    %swap3A_284 = arith.index_cast %swap3A_283 : i32 to index
    %swap3A_285 = arith.constant 96 : index
    %swap3A_286 = tpu.vector_load %arg6[%swap3A_284, %swap3A_285] {strides = array<i32>} : memref<8x128xf32, #tpu.memory_space<vmem>>, vector<16xf32>,
    tpu.vector_store %arg6[%swap3A_284, %swap3A_285], %scan3A_53#53 {strides = array<i32>} : memref<8x128xf32, #tpu.memory_space<vmem>>, vector<16xf32>,
    %swap3A_287 = arith.constant 6 : i32
    %swap3A_288 = arith.index_cast %swap3A_287 : i32 to index
    %swap3A_289 = arith.constant 96 : index
    %swap3A_290 = tpu.vector_load %arg6[%swap3A_288, %swap3A_289] {strides = array<i32>} : memref<8x128xf32, #tpu.memory_space<vmem>>, vector<16xf32>,
    tpu.vector_store %arg6[%swap3A_288, %swap3A_289], %scan3A_53#54 {strides = array<i32>} : memref<8x128xf32, #tpu.memory_space<vmem>>, vector<16xf32>,
    %swap3A_291 = arith.constant 7 : i32
    %swap3A_292 = arith.index_cast %swap3A_291 : i32 to index
    %swap3A_293 = arith.constant 96 : index
    %swap3A_294 = tpu.vector_load %arg6[%swap3A_292, %swap3A_293] {strides = array<i32>} : memref<8x128xf32, #tpu.memory_space<vmem>>, vector<16xf32>,
    tpu.vector_store %arg6[%swap3A_292, %swap3A_293], %scan3A_53#55 {strides = array<i32>} : memref<8x128xf32, #tpu.memory_space<vmem>>, vector<16xf32>,
    %swap3A_295 = arith.constant 0 : i32
    %swap3A_296 = arith.index_cast %swap3A_295 : i32 to index
    %swap3A_297 = arith.constant 112 : index
    %swap3A_298 = tpu.vector_load %arg6[%swap3A_296, %swap3A_297] {strides = array<i32>} : memref<8x128xf32, #tpu.memory_space<vmem>>, vector<16xf32>,
    tpu.vector_store %arg6[%swap3A_296, %swap3A_297], %scan3A_53#56 {strides = array<i32>} : memref<8x128xf32, #tpu.memory_space<vmem>>, vector<16xf32>,
    %swap3A_299 = arith.constant 1 : i32
    %swap3A_300 = arith.index_cast %swap3A_299 : i32 to index
    %swap3A_301 = arith.constant 112 : index
    %swap3A_302 = tpu.vector_load %arg6[%swap3A_300, %swap3A_301] {strides = array<i32>} : memref<8x128xf32, #tpu.memory_space<vmem>>, vector<16xf32>,
    tpu.vector_store %arg6[%swap3A_300, %swap3A_301], %scan3A_53#57 {strides = array<i32>} : memref<8x128xf32, #tpu.memory_space<vmem>>, vector<16xf32>,
    %swap3A_303 = arith.constant 2 : i32
    %swap3A_304 = arith.index_cast %swap3A_303 : i32 to index
    %swap3A_305 = arith.constant 112 : index
    %swap3A_306 = tpu.vector_load %arg6[%swap3A_304, %swap3A_305] {strides = array<i32>} : memref<8x128xf32, #tpu.memory_space<vmem>>, vector<16xf32>,
    tpu.vector_store %arg6[%swap3A_304, %swap3A_305], %scan3A_53#58 {strides = array<i32>} : memref<8x128xf32, #tpu.memory_space<vmem>>, vector<16xf32>,
    %swap3A_307 = arith.constant 3 : i32
    %swap3A_308 = arith.index_cast %swap3A_307 : i32 to index
    %swap3A_309 = arith.constant 112 : index
    %swap3A_310 = tpu.vector_load %arg6[%swap3A_308, %swap3A_309] {strides = array<i32>} : memref<8x128xf32, #tpu.memory_space<vmem>>, vector<16xf32>,
    tpu.vector_store %arg6[%swap3A_308, %swap3A_309], %scan3A_53#59 {strides = array<i32>} : memref<8x128xf32, #tpu.memory_space<vmem>>, vector<16xf32>,
    %swap3A_311 = arith.constant 4 : i32
    %swap3A_312 = arith.index_cast %swap3A_311 : i32 to index
    %swap3A_313 = arith.constant 112 : index
    %swap3A_314 = tpu.vector_load %arg6[%swap3A_312, %swap3A_313] {strides = array<i32>} : memref<8x128xf32, #tpu.memory_space<vmem>>, vector<16xf32>,
    tpu.vector_store %arg6[%swap3A_312, %swap3A_313], %scan3A_53#60 {strides = array<i32>} : memref<8x128xf32, #tpu.memory_space<vmem>>, vector<16xf32>,
    %swap3A_315 = arith.constant 5 : i32
    %swap3A_316 = arith.index_cast %swap3A_315 : i32 to index
    %swap3A_317 = arith.constant 112 : index
    %swap3A_318 = tpu.vector_load %arg6[%swap3A_316, %swap3A_317] {strides = array<i32>} : memref<8x128xf32, #tpu.memory_space<vmem>>, vector<16xf32>,
    tpu.vector_store %arg6[%swap3A_316, %swap3A_317], %scan3A_53#61 {strides = array<i32>} : memref<8x128xf32, #tpu.memory_space<vmem>>, vector<16xf32>,
    %swap3A_319 = arith.constant 6 : i32
    %swap3A_320 = arith.index_cast %swap3A_319 : i32 to index
    %swap3A_321 = arith.constant 112 : index
    %swap3A_322 = tpu.vector_load %arg6[%swap3A_320, %swap3A_321] {strides = array<i32>} : memref<8x128xf32, #tpu.memory_space<vmem>>, vector<16xf32>,
    tpu.vector_store %arg6[%swap3A_320, %swap3A_321], %scan3A_53#62 {strides = array<i32>} : memref<8x128xf32, #tpu.memory_space<vmem>>, vector<16xf32>,
    %swap3A_323 = arith.constant 7 : i32
    %swap3A_324 = arith.index_cast %swap3A_323 : i32 to index
    %swap3A_325 = arith.constant 112 : index
    %swap3A_326 = tpu.vector_load %arg6[%swap3A_324, %swap3A_325] {strides = array<i32>} : memref<8x128xf32, #tpu.memory_space<vmem>>, vector<16xf32>,
    tpu.vector_store %arg6[%swap3A_324, %swap3A_325], %scan3A_53#63 {strides = array<i32>} : memref<8x128xf32, #tpu.memory_space<vmem>>, vector<16xf32>,
    "tpu.region"() ({
      %run_scoped3A = tpu.sem_alloc : memref<!tpu.dma_semaphore, #tpu.memory_space<semaphore_mem>>
      %dma_start3A_327 = arith.constant 0 : i32
      %dma_start3A_328 = tpu.memref_slice %arg3[%select_n3A, %dma_start3A_327, %mul3A_32] : memref<4x8x1024xf32, #tpu.memory_space<hbm>> -> memref<1x8x128xf32, #tpu.memory_space<hbm>>
      %dma_start3A_329 = tpu.memref_squeeze %dma_start3A_328 : memref<1x8x128xf32, #tpu.memory_space<hbm>> -> memref<8x128xf32, #tpu.memory_space<hbm>>
      %dma_start3A_330 = arith.constant 0 : i32
      %dma_start3A_331 = tpu.memref_slice %arg3[%select_n3A, %dma_start3A_330, %mul3A_32] : memref<4x8x1024xf32, #tpu.memory_space<hbm>> -> memref<1x8x128xf32, #tpu.memory_space<hbm>>
      %dma_start3A_332 = tpu.memref_squeeze %dma_start3A_331 : memref<1x8x128xf32, #tpu.memory_space<hbm>> -> memref<8x128xf32, #tpu.memory_space<hbm>>
      tpu.enqueue_dma source(%arg6 : memref<8x128xf32, #tpu.memory_space<vmem>>) target(%dma_start3A_332 : memref<8x128xf32, #tpu.memory_space<hbm>>) target_semaphore(%run_scoped3A : memref<!tpu.dma_semaphore, #tpu.memory_space<semaphore_mem>>)
      %dma_wait3A_333 = arith.constant 0 : i32
      %dma_wait3A_334 = tpu.memref_slice %arg3[%select_n3A, %dma_wait3A_333, %mul3A_32] : memref<4x8x1024xf32, #tpu.memory_space<hbm>> -> memref<1x8x128xf32, #tpu.memory_space<hbm>>
      %dma_wait3A_335 = tpu.memref_squeeze %dma_wait3A_334 : memref<1x8x128xf32, #tpu.memory_space<hbm>> -> memref<8x128xf32, #tpu.memory_space<hbm>>
      %dma_wait3A_336 = arith.constant 0 : i32
      %dma_wait3A_337 = tpu.memref_slice %arg3[%select_n3A, %dma_wait3A_336, %mul3A_32] : memref<4x8x1024xf32, #tpu.memory_space<hbm>> -> memref<1x8x128xf32, #tpu.memory_space<hbm>>
      %dma_wait3A_338 = tpu.memref_squeeze %dma_wait3A_337 : memref<1x8x128xf32, #tpu.memory_space<hbm>> -> memref<8x128xf32, #tpu.memory_space<hbm>>
      tpu.wait_dma2 semaphore(%run_scoped3A : memref<!tpu.dma_semaphore, #tpu.memory_space<semaphore_mem>>) src(%arg6 : memref<8x128xf32, #tpu.memory_space<vmem>>) dst(%dma_wait3A_338 : memref<8x128xf32, #tpu.memory_space<hbm>>)
      tpu.yield
    }) : () -> ()
    return
  }
}

</mosaic_0001>

<sc_bundles>
// kernel: _kmax_sc.3.cloned.1.call-start
scs
__scs_entry_jumppad:
0x0: {  	(pc) =	sbr.rel $0x88, $3  }
0x1: {  	(tag) =	ssettag $0x0;
	lr =	simm.s32 $0x1  }
0x2: {  	[smem:$0x3FA0] =	sst lr;
	_ =	strace $0xD0000000  }
0x3: {  	_ = 	snop  }
0x4: {  	_ = 	snop  }
0x5: {  	_ = 	snop  }
0x6: {  	_ = 	snop  }
0x7: {  	_ = 	snop  }
__scs_overlays_trampoline_lowered:
0x8: {  	[smem:$0x3FAF] =	sst s0  }
0x9: {  	[smem:$0x3FB0] =	sst s1  }
0xa: {  	[smem:$0x3FB1] =	sst s2  }
0xb: {  	[smem:$0x3FB2] =	sst s3  }
0xc: {  	[smem:$0x3FB3] =	sst s4  }
0xd: {  	[smem:$0x3FB4] =	sst s5  }
0xe: {  	[smem:$0x3FB5] =	sst s6  }
0xf: {  	[smem:$0x3FB6] =	sst s7  }
0x10: {  	[smem:$0x3FB7] =	sst s8  }
0x11: {  	[smem:$0x3FB8] =	sst s9;
	s0 =	simm.s32 @!p0 $0x0  }
0x12: {  	s1 =	sld [smem:$0x3F9E];
	s0 =	simm.s32 @p0 $0x1  }
0x13: {  	[smem:$0x3FB9] =	sst s0;
	s0 =	simm.s32 @!p1 $0x0  }
0x14: {  	s2 =	sld [smem:$0x3F9D];
	s0 =	simm.s32 @p1 $0x1  }
0x15: {  	[smem:$0x3FBA] =	sst s0;
	s0 =	simm.s32 @!p2 $0x0  }
0x16: {  	s3 =	sld [smem:$0x3FDB];
	s0 =	simm.s32 @p2 $0x1  }
0x17: {  	s4 =	simm.s32 $0x1BF5;
	[smem:$0x3FBC] =	sst s0  }
0x18: {  	s0 =	sld [smem:$0x3F9F];
	_ =	swait.ge [sflag:s4], $0x0  }
0x19: {  	s7 =	sld [smem:$0x3FA0]  }
0x1a: {  	s8 =	sadd.s32 $0xFFFFE003, lr  }
0x1b: {  	s9 =	sadd.s32 $0xFFFFFEF7, lr;
	s5 =	simm.s32 $0xFFFFFFFF;
	p2 =	slt.u32 s8, $0xFFFFF086  }
0x1c: {  	p1 =	slt.u32 s9, $0xF7A;
	s5 =	simm.s32 @!p2 $0x0  }
0x1d: {  	s5 =	simm.s32 @p1 $0x1;
	p0 =	seq.s32 s7, s2  }
0x1e: {  	s7 =	smul.u32 @!p0 $0xF7A, s2;
	p2 =	seq.s32 @!p0 s5, $0x0  }
0x1f: {  	s9 =	smul.u32 $0xF7A, s1;
	s8 =	simm.s32 @!p0 $0x1BF5;
	p2 =	por !p2, p0  }
0x20: {  	[sflag:s8] =	ssyncset.s32 @!p0 $0xFFFFF086;
	s6 =	sadd.s32 @!p0 s3, s7;
	s7 =	simm.s32 @!p0 $0x108  }
0x21: {  	s3 =	sadd.s32 s3, s9;
	s6 =	sadd.s32 @!p0 $0x88, s6;
	s7 =	simm.s32 @p2 $0x1082  }
0x22: {  	[simem:s7], [sflag:s8] =	dma.local @!p0 [hbm:s6], $0xF7A  }
0x23: {  	s9 =	sor.u32 $0xD0000000, s2;
	s6 =	simm.s32 $0x108;
	_ =	swait.ge @!p0 [sflag:s8], $0x0  }
0x24: {  	s3 =	sadd.s32 $0x88, s3;
	s6 =	simm.s32 @!p1 $0x1082;
	[sflag:s4] =	ssyncset.s32 $0xFFFFF086  }
0x25: {  	[simem:s6], [sflag:s4] =	dma.local [hbm:s3], $0xF7A  }
0x26: {  	[smem:$0x3FA0] =	sst s1;
	(tag) =	ssettag s2;
	_ =	strace s9  }
0x27: {  	s1 =	sld [smem:$0x3FB0]  }
0x28: {  	s2 =	sld [smem:$0x3FB1]  }
0x29: {  	s4 =	sld [smem:$0x3FB3]  }
0x2a: {  	p0 =	seq.s32 s5, $0x0;
	s5 =	sld [smem:$0x3FB4]  }
0x2b: {  	s6 =	sld [smem:$0x3FB5]  }
0x2c: {  	s7 =	sld [smem:$0x3FB6]  }
0x2d: {  	s3 =	simm.s32 $0x108;
	s8 =	sld [smem:$0x3FB7]  }
0x2e: {  	s3 =	simm.s32 @!p0 $0x1082;
	s9 =	sld [smem:$0x3FB8]  }
0x2f: {  	lr =	sadd.s32 s0, s3;
	s0 =	sld [smem:$0x3FAF]  }
0x30: {  	s3 =	sld [smem:$0x3FB2]  }
0x31: {  	[smem:$0x3FBB] =	sst s10  }
0x32: {  	s10 =	sld [smem:$0x3FB9];
	_ =	sdelay $0x3  }
0x33: {  	p0 =	seq.s32 s10, $0x1;
	s10 =	sld [smem:$0x3FBB];
	_ =	sdelay $0x3  }
0x34: {  	[smem:$0x3FBB] =	sst s10  }
0x35: {  	s10 =	sld [smem:$0x3FBA];
	_ =	sdelay $0x3  }
0x36: {  	p1 =	seq.s32 s10, $0x1;
	s10 =	sld [smem:$0x3FBB];
	_ =	sdelay $0x3  }
0x37: {  	[smem:$0x3FBB] =	sst s10  }
0x38: {  	s10 =	sld [smem:$0x3FBC]  }
0x39: {  	_ = 	snop;
	(pc) =	sbr.ind lr, $3  }
0x3a: {  	_ = 	snop  }
0x3b: {  	_ = 	snop  }
0x3c: {  	p2 =	seq.s32 s10, $0x1;
	s10 =	sld [smem:$0x3FBB]  }
0x3d: {  	_ =	shalt  }
0x3e: {  	_ =	shalt  }
0x3f: {  	_ =	shalt  }
0x40: {  	_ =	shalt  }
0x41: {  	_ =	shalt  }
0x42: {  	_ =	shalt  }
0x43: {  	_ =	shalt  }
0x44: {  	_ =	shalt  }
0x45: {  	_ =	shalt  }
0x46: {  	_ =	shalt  }
0x47: {  	_ =	shalt  }
0x48: {  	_ =	shalt  }
0x49: {  	_ =	shalt  }
0x4a: {  	_ =	shalt  }
0x4b: {  	_ =	shalt  }
0x4c: {  	_ =	shalt  }
0x4d: {  	_ =	shalt  }
0x4e: {  	_ =	shalt  }
0x4f: {  	_ =	shalt  }
0x50: {  	_ =	shalt  }
0x51: {  	_ =	shalt  }
0x52: {  	_ =	shalt  }
0x53: {  	_ =	shalt  }
0x54: {  	_ =	shalt  }
0x55: {  	_ =	shalt  }
0x56: {  	_ =	shalt  }
0x57: {  	_ =	shalt  }
0x58: {  	_ =	shalt  }
0x59: {  	_ =	shalt  }
0x5a: {  	_ =	shalt  }
0x5b: {  	_ =	shalt  }
0x5c: {  	_ =	shalt  }
0x5d: {  	_ =	shalt  }
0x5e: {  	_ =	shalt  }
0x5f: {  	_ =	shalt  }
0x60: {  	_ =	shalt  }
0x61: {  	_ =	shalt  }
0x62: {  	_ =	shalt  }
0x63: {  	_ =	shalt  }
0x64: {  	_ =	shalt  }
0x65: {  	_ =	shalt  }
0x66: {  	_ =	shalt  }
0x67: {  	_ =	shalt  }
0x68: {  	_ =	shalt  }
0x69: {  	_ =	shalt  }
0x6a: {  	_ =	shalt  }
0x6b: {  	_ =	shalt  }
0x6c: {  	_ =	shalt  }
0x6d: {  	_ =	shalt  }
0x6e: {  	_ =	shalt  }
0x6f: {  	_ =	shalt  }
0x70: {  	_ =	shalt  }
0x71: {  	_ =	shalt  }
0x72: {  	_ =	shalt  }
0x73: {  	_ =	shalt  }
0x74: {  	_ =	shalt  }
0x75: {  	_ =	shalt  }
0x76: {  	_ =	shalt  }
0x77: {  	_ =	shalt  }
0x78: {  	_ =	shalt  }
0x79: {  	_ =	shalt  }
0x7a: {  	_ =	shalt  }
0x7b: {  	_ =	shalt  }
0x7c: {  	_ =	shalt  }
0x7d: {  	_ =	shalt  }
0x7e: {  	_ =	shalt  }
0x7f: {  	_ =	shalt  }
0x80: {  	_ =	shalt  }
0x81: {  	_ =	shalt  }
0x82: {  	_ =	shalt  }
0x83: {  	_ =	shalt  }
0x84: {  	_ =	shalt  }
0x85: {  	_ =	shalt  }
0x86: {  	_ =	shalt  }
0x87: {  	_ =	shalt  }
.Lfunc_end0:
.L_simem_size_0:
called_computation_lowered:
.L_overlay_start_0:
0x88: {  	s2 =	sld [smem:$0x3FD9]  }
0x89: {  	s3 =	sld [smem:$0x3FFE];
	_ =	sdelay $0x1  }
0x8a: {  	s1 =	srdreg.scid  }
0x8b: {  	s0 =	sand.u32 $0x1, s1  }
0x8c: {  	s18 =	sshll.u32 s0, $0xA;
	s2 =	sadd.s32 s3, s2  }
0x8d: {  	s2 =	sadd.s32 s2, s18  }
0x8e: {  	[smem:$0x3FC7] =	sst s2  }
0x8f: {  	_ = 	snop  }
0x90: {  	s2 =	sld [smem:$0x3FC9]  }
0x91: {  	s19 =	sld [smem:$0x3FD0];
	(tm) =	ssettm $0x1  }
0x92: {  	s4 =	sld [smem:$0x3FFB];
	_ =	sdelay $0x3  }
0x93: {  	_ =	strace s4  }
0x94: {  	s4 =	sld [smem:$0x3FFC];
	_ =	sdelay $0x3  }
0x95: {  	_ =	strace s4  }
0x96: {  	s4 =	sld [smem:$0x3FFD];
	_ =	sdelay $0x3  }
0x97: {  	_ =	strace s4  }
0x98: {  	_ =	strace $0x8FFFFFFF  }
0x99: {  	s20 =	sld [smem:$0x3FDB];
	_ =	sdelay $0x1  }
0x9a: {  	s5 =	simm.s32 $_scs_section_size  }
0x9b: {  	s6 =	simm.s32 $_size__tile_overlayer_lowered;
	s7 =	simm.s32 $_tile_overlayer_lowered  }
0x9c: {  	s23 =	simm.s32 $0x1BFF;
	s22 =	sshll.u32 s7, $0x1;
	s4 =	sadd.s32 s5, s20  }
0x9d: {  	s8 =	simm.s32 $0x0;
	s21 =	sshll.u32 s6, $0x1;
	s6 =	sadd.s32 s22, s4  }
0x9e: {  	[timem:s8], [sflag:s23] =	dma.local [hbm:s6], s21  }
0x9f: {  	_ =	swait.ge [sflag:s23], s21  }
0xa0: {  	s5 =	ssub.s32 $0x0, s21;
	[sflag:s23] =	ssyncset.done $0x0  }
0xa1: {  	[sflag:s23] =	ssyncadd.s32 s5;
	_ =	sdelay $0x1  }
0xa2: {  	s24 =	simm.s32 $0x1B8B  }
0xa3: {  	_ =	swait.ge [sflag:s24], $0x1  }
0xa4: {  	[sflag:s24] =	ssyncset.done $0x0  }
0xa5: {  	s25 =	simm.s32 $0x1B8E;
	[sflag:s24] =	ssyncadd.s32 $0xFFFFFFFF  }
0xa6: {  	s26 =	simm.s32 $execute0_lowered;
	[smem:$0x3FD2] =	sst s25  }
0xa7: {  	s5 =	sshll.u32 s26, $0x1;
	_ =	strace $0x80000046;
	[dreg:$0x1] =	wrdreg $0xFFFFFFFF  }
0xa8: {  	s28 =	simm.s32 $_size_execute0_lowered;
	s4 =	sadd.s32 s4, s5;
	[dreg:$0x0] =	wrdreg $0x0  }
0xa9: {  	s5 =	sshll.u32 s28, $0x1;
	[dreg:$0x2] =	wrdreg s4  }
0xaa: {  	[dreg:$0x3] =	wrdreg s5  }
0xab: {  	[dreg:$0x4] =	wrdreg $0xC0  }
0xac: {  	_ =	task [dreg:s8], $0x5FFFF  }
0xad: {  	[dreg:$0x1] =	wrdreg $0xFFFFFFFF  }
0xae: {  	[dreg:$0x0] =	wrdreg $0x60  }
0xaf: {  	[dreg:$0x2] =	wrdreg s2  }
0xb0: {  	[dreg:$0x3] =	wrdreg s19  }
0xb1: {  	[dreg:$0x4] =	wrdreg $0x9  }
0xb2: {  	_ =	task.clear_ibuf [dreg:s8], $0x5FFFF;
	_ =	strace $0x90000046  }
0xb3: {  	s29 =	simm.s32 $0x9;
	_ =	strace $0x80000048  }
0xb4: {  	_ =	swait.ge [sflag:s29], $0x1  }
0xb5: {  	[sflag:s29] =	ssyncadd.s32 $0xFFFFFFFF  }
0xb6: {  	_ =	strace $0x90000048  }
0xb7: {  	_ =	sfence  }
0xb8: {  	s30 =	sld [smem:$0x0];
	_ =	sdelay $0x2  }
0xb9: {  	s31 =	sshll.u32 s1, $0xD;
	s1 =	sshrl.u32 s1, $0x2  }
0xba: {  	s3 =	sand.u32 $0x4000, s31;
	s1 =	sadd.s32 s1, s30  }
0xbb: {  	s0 =	sor.u32 s3, s0;
	s1 =	sshll.u32 s1, $0x11  }
0xbc: {  	s0 =	sor.u32 s1, s0  }
0xbd: {  	s0 =	sadd.s32 $0x8F2B, s0  }
0xbe: {  	[sflag:s0] =	ssyncadd.remote.s32 $0x1  }
0xbf: {  	_ =	sfence.sel $0xFFFF  }
0xc0: {  	[dreg:$0x0] =	wrdreg $0xFFFFFFFF;
	(pc) =	sbr.abs _section_cstart, $3  }
0xc1: {  	[dreg:$0x1] =	wrdreg $0xFFFFFFFF  }
0xc2: {  	_ =	task.clear_ibuf [dreg:s8], $0x2FFFF;
	_ =	strace $0x9FFFFFFF  }
0xc3: {  	(tm) =	ssettm $0x7FFFFFFF  }
tec
execute0_lowered:
.L_overlay_start_1:
0x0: {  	(tag) =	ssettag $0x1  }
0x1: {  	s2 =	rddreg [dreg:$0x0];
	s0 =	stileid.u32  }
0x2: {  	s8 =	rddreg [dreg:$0x1];
	s3 =	srdreg.scid  }
0x3: {  	s1 =	rddreg [dreg:$0x2];
	s11 =	simm.s32 $0x2000;
	s12 =	simm.s32 $0x8000  }
0x4: {  	s13 =	simm.s32 $0x1;
	s14 =	simm.s32 $0x2;
	s15 =	simm.s32 $0x10000  }
0x5: {  	s16 =	simm.s32 $0x3;
	s17 =	simm.s32 $0x0;
	s4 =	sshll.u32 s0, $0x1  }
0x6: {  	s5 =	sand.u32 $0x1, s3;
	s3 =	simm.s32 $0x0;
	s6 =	sshrl.u32 s0, $0x2  }
0x7: {  	s4 =	sand.u32 $0x6, s4;
	[smem:$0x7FF] =	sst s3;
	s7 =	sshll.u32 s6, $0x17  }
0x8: {  	s6 =	sshll.u32 s6, $0xD;
	s4 =	sor.u32 s5, s4;
	s5 =	ssub.s32 $0x2, s5  }
0x9: {  	_ =	strace $0x80000047;
	s9 =	sshll.u32 s4, $0xA;
	s10 =	sshrl.u32 s5, $0x1  }
0xa: {  	s7 =	sor.u32 s7, s9;
	s6 =	sor.u32 s6, s9;
	s30 =	ssub.s32 s5, s10  }
0xb: {  	s10 =	simm.s32 $0x400;
	s29 =	sshrl.u32 s7, $0x3;
	s31 =	sshrl.u32 s6, $0x3  }
0xc: {  	s6 =	sor.u32 $0x80000, s7;
	s7 =	sor.u32 $0xC0000, s7;
	s4 =	sadd.s32 s2, s29  }
0xd: {  	s9 =	smax.u32 s30, $0x1;
	s8 =	sadd.s32 s8, s31;
	s5 =	sadd.s32 $0x8000, s4  }
.LBB2_1:
0xe: {  	v21 =	vimm.f32 $-Inf  }
0xf: {  	v0 =	vimm.f32 $-Inf;
	v2 =	vimm.f32 $-Inf;
	v4 =	vimm.f32 $-Inf  }
0x10: {  	v7 =	vimm.f32 $-Inf;
	v1 =	vimm.f32 $-Inf;
	v19 =	vimm.f32 $-Inf  }
0x11: {  	v8 =	vimm.f32 $-Inf;
	v11 =	vimm.f32 $-Inf;
	v12 =	vimm.f32 $-Inf  }
0x12: {  	v14 =	vimm.f32 $-Inf;
	v15 =	vimm.f32 $-Inf;
	v17 =	vimm.f32 $-Inf  }
0x13: {  	v18 =	vimm.f32 $-Inf;
	v20 =	vimm.f32 $-Inf;
	v22 =	vimm.f32 $-Inf  }
0x14: {  	v23 =	vimm.f32 $-Inf;
	v25 =	vimm.f32 $-Inf;
	v27 =	vimm.f32 $-Inf  }
0x15: {  	v28 =	vimm.f32 $-Inf;
	v30 =	vimm.f32 $-Inf;
	v31 =	vimm.f32 $-Inf;
	[tilespmem:s3], [sflag:$0x1] =	stream.strided.gather [hbm4b:s4+s10], $0x8000, s11, s10, $0x38;
	[tilespmem:$0x10400] =	vst v63  }
0x16: {  	v33 =	vimm.f32 $-Inf;
	v34 =	vimm.f32 $-Inf;
	[tilespmem:$0x1FF30] =	vst v1;
	v1 =	vimm.f32 $-Inf  }
0x17: {  	v32 =	vimm.f32 $-Inf;
	v35 =	vimm.f32 $-Inf;
	v36 =	vimm.f32 $-Inf;
	[tilespmem:$0x1FF40] =	vst v1  }
0x18: {  	v38 =	vimm.f32 $-Inf;
	v39 =	vimm.f32 $-Inf;
	v1 =	vimm.f32 $-Inf;
	[tilespmem:s12], [sflag:$0x2] =	stream.strided.gather [hbm4b:s5+s10], $0x8000, s11, s10, $0x38;
	[tilespmem:$0x10400] =	vst v63  }
0x19: {  	v41 =	vimm.f32 $-Inf;
	v43 =	vimm.f32 $-Inf;
	[tilespmem:$0x1FF50] =	vst v1;
	v1 =	vimm.f32 $-Inf  }
0x1a: {  	v40 =	vimm.f32 $-Inf;
	v42 =	vimm.f32 $-Inf;
	[tilespmem:$0x1FF60] =	vst v1;
	v1 =	vimm.f32 $-Inf  }
0x1b: {  	v44 =	vimm.f32 $-Inf;
	v45 =	vimm.f32 $-Inf;
	[tilespmem:$0x1FF70] =	vst v1;
	v1 =	vimm.f32 $-Inf  }
0x1c: {  	v47 =	vimm.f32 $-Inf;
	v48 =	vimm.f32 $-Inf;
	[tilespmem:$0x1FF80] =	vst v1;
	v1 =	vimm.f32 $-Inf  }
0x1d: {  	v50 =	vimm.f32 $-Inf;
	v49 =	vimm.f32 $-Inf;
	[tilespmem:$0x1FF90] =	vst v1;
	v1 =	vimm.f32 $-Inf  }
0x1e: {  	v51 =	vimm.f32 $-Inf;
	v52 =	vimm.f32 $-Inf;
	[tilespmem:$0x1FFA0] =	vst v1;
	v1 =	vimm.f32 $-Inf  }
0x1f: {  	v53 =	vimm.f32 $-Inf;
	v54 =	vimm.f32 $-Inf;
	[tilespmem:$0x1FFB0] =	vst v1;
	v1 =	vimm.f32 $-Inf  }
0x20: {  	v55 =	vimm.f32 $-Inf;
	v58 =	vimm.f32 $-Inf;
	[tilespmem:$0x1FFC0] =	vst v1;
	v1 =	vimm.f32 $-Inf  }
0x21: {  	v57 =	vimm.f32 $-Inf;
	v56 =	vimm.f32 $-Inf;
	[tilespmem:$0x1FFD0] =	vst v1;
	v1 =	vimm.f32 $-Inf  }
0x22: {  	v59 =	vimm.f32 $-Inf;
	v60 =	vimm.f32 $-Inf;
	[tilespmem:$0x1FFE0] =	vst v1;
	v1 =	vimm.f32 $-Inf  }
0x23: {  	v61 =	vimm.f32 $-Inf;
	v62 =	vimm.f32 $-Inf;
	v63 =	vimm.f32 $-Inf;
	s18 =	simm.s32 $0x0;
	[tilespmem:$0x1FFF0] =	vst v1  }
.LBB2_2:
0x24: {  	[tilespmem:$0x1FED0] =	vst v21  }
0x25: {  	[tilespmem:$0x1FEE0] =	vst v8  }
0x26: {  	[tilespmem:$0x1FEF0] =	vst v7  }
0x27: {  	[tilespmem:$0x1FF00] =	vst v4  }
0x28: {  	[tilespmem:$0x1FF10] =	vst v2  }
0x29: {  	[tilespmem:$0x1FF20] =	vst v0  }
0x2a: {  	_ =	swait.ge [sflag:s13], $0x8000  }
0x2b: {  	[sflag:s13] =	ssyncset.done $0x0  }
0x2c: {  	s19 =	simm.s32 $0x0;
	[sflag:s13] =	ssyncadd.s32 $0xFFFF8000  }
0x2d: {  	v0 =	vld [tilespmem:s19+$0x0]  }
0x2e: {  	v1 =	vld [tilespmem:s19+$0x80]  }
0x2f: {  	v3 =	vld [tilespmem:s19+$0x100]  }
0x30: {  	v4 =	vld [tilespmem:s19+$0x180]  }
0x31: {  	v9 =	vld [tilespmem:s19+$0x200]  }
0x32: {  	v10 =	vld [tilespmem:s19+$0x280]  }
0x33: {  	v13 =	vld [tilespmem:s19+$0x300]  }
0x34: {  	v16 =	vld [tilespmem:s19+$0x380];
	_ =	sdelay $0x2  }
0x35: {  	v2 =	vmax.f32 v0, v1;
	v1 =	vmin.f32 v0, v1  }
0x36: {  	v21 =	vmax.f32 v3, v4;
	v29 =	vmin.f32 v3, v4;
	v3 =	vmax.f32 v9, v10  }
0x37: {  	v9 =	vmin.f32 v9, v10;
	v37 =	vmax.f32 v13, v16;
	v4 =	vmin.f32 v13, v16  }
0x38: {  	s20 =	simm.s32 $0x1000;
	v8 =	vld [tilespmem:$0x1FFF0];
	v13 =	vmax.f32 v2, v21;
	v0 =	vmin.f32 v1, v29;
	v46 =	vmax.f32 v3, v37  }
.LBB2_3:
0x39: {  	p0 =	sne.s32 s20, $0x1F000;
	v2 =	vmin.f32 v2, v21;
	v1 =	vmax.f32 v1, v29;
	v10 =	vmin.f32 v9, v4  }
0x3a: {  	v3 =	vmin.f32 v3, v37;
	v4 =	vmax.f32 v9, v4;
	v9 =	vmax.f32 v13, v46  }
0x3b: {  	v13 =	vmin.f32 v13, v46;
	v16 =	vmax.f32 v1, v2;
	v21 =	vmin.f32 v0, v10  }
0x3c: {  	v1 =	vmin.f32 v1, v2;
	v2 =	vmax.f32 v4, v3;
	v3 =	vmin.f32 v4, v3  }
0x3d: {  	v0 =	vmax.f32 v0, v10;
	v4 =	vmax.f32 v16, v2;
	v24 =	vmax.f32 v1, v3  }
0x3e: {  	v2 =	vmin.f32 v16, v2;
	v1 =	vmin.f32 v1, v3;
	v3 =	vmax.f32 v24, v13  }
0x3f: {  	v10 =	vmin.f32 v24, v13;
	v13 =	vmax.f32 v0, v2;
	v0 =	vmin.f32 v0, v2  }
0x40: {  	v2 =	vmax.f32 v4, v3;
	v3 =	vmin.f32 v4, v3;
	v4 =	vmax.f32 v13, v10  }
0x41: {  	v10 =	vmin.f32 v13, v10;
	v13 =	vmax.f32 v0, v1;
	v0 =	vmin.f32 v0, v1  }
0x42: {  	s21 =	sshra.s32 s20, $0x2;
	v9 =	vmax.f32 v57, v9;
	v1 =	vmax.f32 v63, v21;
	v0 =	vmax.f32 v62, v0  }
0x43: {  	v13 =	vmax.f32 v61, v13;
	v10 =	vmax.f32 v60, v10;
	v4 =	vmax.f32 v59, v4;
	v16 =	vld [tilespmem:s21+$0x0]  }
0x44: {  	v3 =	vmax.f32 v8, v3;
	v2 =	vmax.f32 v56, v2;
	v24 =	vmin.f32 v1, v4;
	v21 =	vld [tilespmem:s21+$0x80]  }
0x45: {  	v37 =	vmin.f32 v0, v3;
	v46 =	vmin.f32 v13, v2;
	v56 =	vmin.f32 v10, v9;
	v29 =	vld [tilespmem:s21+$0x100]  }
0x46: {  	v1 =	vmax.f32 v1, v4;
	v4 =	vmin.f32 v24, v46;
	v6 =	vmin.f32 v37, v56;
	v5 =	vld [tilespmem:s21+$0x180]  }
0x47: {  	v0 =	vmax.f32 v0, v3;
	v2 =	vmax.f32 v13, v2;
	v57 =	vmin.f32 v4, v6;
	v7 =	vld [tilespmem:s21+$0x200]  }
0x48: {  	v3 =	vmax.f32 v10, v9;
	v9 =	vmax.f32 v1, v2;
	v1 =	vmin.f32 v1, v2;
	v13 =	vld [tilespmem:s21+$0x280]  }
0x49: {  	v2 =	vmax.f32 v0, v3;
	v0 =	vmin.f32 v0, v3;
	v3 =	vmax.f32 v24, v46;
	v10 =	vld [tilespmem:s21+$0x300]  }
0x4a: {  	v37 =	vmax.f32 v37, v56;
	v63 =	vmax.f32 v9, v2;
	v62 =	vmin.f32 v9, v2;
	v24 =	vld [tilespmem:s21+$0x380]  }
0x4b: {  	v61 =	vmax.f32 v1, v0;
	v60 =	vmin.f32 v1, v0;
	v59 =	vmax.f32 v3, v37  }
.Ltmp0:
0x4c: {  	v8 =	vmin.f32 v3, v37;
	v56 =	vmax.f32 v4, v6;
	(pc) =	sbr.rel @p0 .LBB2_3-.Ltmp0, $4  }
0x4d: {  	v2 =	vmax.f32 v16, v21;
	v1 =	vmin.f32 v16, v21  }
0x4e: {  	v21 =	vmax.f32 v29, v5;
	v29 =	vmin.f32 v29, v5;
	v3 =	vmax.f32 v7, v13  }
0x4f: {  	v9 =	vmin.f32 v7, v13;
	v37 =	vmax.f32 v10, v24;
	v4 =	vmin.f32 v10, v24  }
0x50: {  	s20 =	sadd.s32 $0x1000, s20;
	v0 =	vmin.f32 v1, v29;
	v13 =	vmax.f32 v2, v21;
	v46 =	vmax.f32 v3, v37  }
0x51: {  	v2 =	vmin.f32 v2, v21  }
0x52: {  	v1 =	vmax.f32 v1, v29;
	v5 =	vmin.f32 v9, v4;
	v3 =	vmin.f32 v3, v37  }
0x53: {  	v4 =	vmax.f32 v9, v4;
	v6 =	vmax.f32 v13, v46;
	v9 =	vmin.f32 v13, v46  }
0x54: {  	v7 =	vmax.f32 v1, v2;
	v10 =	vmin.f32 v0, v5;
	v13 =	vmax.f32 v4, v3  }
0x55: {  	v1 =	vmin.f32 v1, v2;
	v2 =	vmin.f32 v4, v3;
	v0 =	vmax.f32 v0, v5  }
0x56: {  	v6 =	vmax.f32 v57, v6;
	v3 =	vmax.f32 v7, v13;
	v4 =	vmax.f32 v1, v2  }
0x57: {  	v5 =	vmin.f32 v7, v13;
	v1 =	vmin.f32 v1, v2;
	v2 =	vmax.f32 v4, v9  }
0x58: {  	v4 =	vmin.f32 v4, v9;
	v7 =	vmax.f32 v0, v5;
	v0 =	vmin.f32 v0, v5  }
0x59: {  	v5 =	vmax.f32 v3, v2;
	v2 =	vmin.f32 v3, v2;
	v3 =	vmax.f32 v7, v4  }
0x5a: {  	v4 =	vmin.f32 v7, v4;
	v7 =	vmax.f32 v0, v1;
	v0 =	vmin.f32 v0, v1  }
0x5b: {  	v1 =	vmax.f32 v63, v10;
	v0 =	vmax.f32 v62, v0;
	v7 =	vmax.f32 v61, v7  }
0x5c: {  	v26 =	vld [tilespmem:s19+$0x10];
	v4 =	vmax.f32 v60, v4;
	v3 =	vmax.f32 v59, v3;
	v2 =	vmax.f32 v8, v2  }
0x5d: {  	v24 =	vld [tilespmem:s19+$0x110];
	v5 =	vmax.f32 v56, v5;
	v13 =	vmin.f32 v1, v3;
	v16 =	vmin.f32 v0, v2  }
0x5e: {  	v9 =	vld [tilespmem:s19+$0x210];
	v21 =	vmin.f32 v7, v5;
	v29 =	vmin.f32 v4, v6;
	v1 =	vmax.f32 v1, v3  }
0x5f: {  	v10 =	vld [tilespmem:s19+$0x90];
	v0 =	vmax.f32 v0, v2;
	v2 =	vmax.f32 v7, v5;
	v4 =	vmax.f32 v4, v6  }
0x60: {  	v3 =	vld [tilespmem:s19+$0x190];
	v37 =	vmin.f32 v13, v21;
	v46 =	vmin.f32 v16, v29;
	v6 =	vmax.f32 v1, v2  }
0x61: {  	v7 =	vld [tilespmem:s19+$0x310];
	v1 =	vmin.f32 v1, v2;
	v2 =	vmax.f32 v0, v4;
	v0 =	vmin.f32 v0, v4  }
0x62: {  	v4 =	vmax.f32 v13, v21;
	v13 =	vmax.f32 v16, v29;
	v16 =	vld [tilespmem:s19+$0x390];
	v5 =	vmin.f32 v37, v46  }
0x63: {  	[tilespmem:$0x1FEB0] =	vst v5;
	v5 =	vld [tilespmem:s19+$0x290]  }
0x64: {  	v62 =	vmax.f32 v6, v2;
	v63 =	vmin.f32 v6, v2;
	v61 =	vmax.f32 v1, v0  }
0x65: {  	v59 =	vmin.f32 v1, v0;
	v60 =	vmax.f32 v4, v13;
	v57 =	vmin.f32 v4, v13  }
0x66: {  	v0 =	vmax.f32 v37, v46;
	v1 =	vmax.f32 v26, v10;
	v2 =	vmin.f32 v26, v10  }
0x67: {  	v21 =	vmax.f32 v24, v3;
	v29 =	vmin.f32 v24, v3;
	v37 =	vmax.f32 v7, v16  }
0x68: {  	v4 =	vmin.f32 v7, v16;
	v13 =	vmax.f32 v1, v21;
	v3 =	vmax.f32 v9, v5  }
0x69: {  	v56 =	vld [tilespmem:$0x1FFE0];
	[tilespmem:$0x1FEC0] =	vst v0;
	s19 =	simm.s32 $0x1000;
	v0 =	vmin.f32 v2, v29;
	v9 =	vmin.f32 v9, v5;
	v46 =	vmax.f32 v3, v37  }
.LBB2_5:
0x6a: {  	p0 =	sne.s32 s19, $0x1F000;
	v1 =	vmin.f32 v1, v21;
	v2 =	vmax.f32 v2, v29;
	v5 =	vmin.f32 v9, v4  }
0x6b: {  	v3 =	vmin.f32 v3, v37;
	v4 =	vmax.f32 v9, v4;
	v6 =	vmax.f32 v13, v46  }
0x6c: {  	v9 =	vmin.f32 v13, v46;
	v7 =	vmax.f32 v2, v1;
	v10 =	vmin.f32 v0, v5  }
0x6d: {  	v1 =	vmin.f32 v2, v1;
	v2 =	vmax.f32 v4, v3;
	v3 =	vmin.f32 v4, v3  }
0x6e: {  	v0 =	vmax.f32 v0, v5;
	v4 =	vmax.f32 v7, v2;
	v13 =	vmax.f32 v1, v3  }
0x6f: {  	v2 =	vmin.f32 v7, v2;
	v1 =	vmin.f32 v1, v3;
	v3 =	vmax.f32 v13, v9  }
0x70: {  	v5 =	vmin.f32 v13, v9;
	v7 =	vmax.f32 v0, v2;
	v0 =	vmin.f32 v0, v2  }
0x71: {  	v2 =	vmax.f32 v4, v3;
	v3 =	vmin.f32 v4, v3;
	v4 =	vmax.f32 v7, v5  }
0x72: {  	v5 =	vmin.f32 v7, v5;
	v7 =	vmax.f32 v0, v1;
	v0 =	vmin.f32 v0, v1  }
0x73: {  	s20 =	sshra.s32 s19, $0x2;
	v6 =	vmax.f32 v56, v6;
	v1 =	vmax.f32 v58, v10;
	v0 =	vmax.f32 v55, v0  }
0x74: {  	v7 =	vmax.f32 v54, v7;
	v5 =	vmax.f32 v53, v5;
	v4 =	vmax.f32 v52, v4;
	v9 =	vld [tilespmem:s20+$0x10]  }
0x75: {  	v3 =	vmax.f32 v51, v3;
	v2 =	vmax.f32 v49, v2;
	v13 =	vmin.f32 v1, v4;
	v10 =	vld [tilespmem:s20+$0x90]  }
0x76: {  	v21 =	vmin.f32 v0, v3;
	v24 =	vmin.f32 v7, v2;
	v29 =	vmin.f32 v5, v6;
	v16 =	vld [tilespmem:s20+$0x110]  }
0x77: {  	v1 =	vmax.f32 v1, v4;
	v4 =	vmin.f32 v13, v24;
	v46 =	vmin.f32 v21, v29;
	v37 =	vld [tilespmem:s20+$0x190]  }
0x78: {  	v0 =	vmax.f32 v0, v3;
	v2 =	vmax.f32 v7, v2;
	v56 =	vmin.f32 v4, v46;
	v8 =	vld [tilespmem:s20+$0x210]  }
0x79: {  	v3 =	vmax.f32 v5, v6;
	v5 =	vmax.f32 v1, v2;
	v1 =	vmin.f32 v1, v2;
	v7 =	vld [tilespmem:s20+$0x290]  }
0x7a: {  	v2 =	vmax.f32 v0, v3;
	v0 =	vmin.f32 v0, v3;
	v3 =	vmax.f32 v13, v24;
	v6 =	vld [tilespmem:s20+$0x310]  }
0x7b: {  	v21 =	vmax.f32 v21, v29;
	v58 =	vmax.f32 v5, v2;
	v55 =	vmin.f32 v5, v2;
	v13 =	vld [tilespmem:s20+$0x390]  }
0x7c: {  	v54 =	vmax.f32 v1, v0;
	v53 =	vmin.f32 v1, v0;
	v52 =	vmax.f32 v3, v21  }
.Ltmp1:
0x7d: {  	v51 =	vmin.f32 v3, v21;
	v49 =	vmax.f32 v4, v46;
	(pc) =	sbr.rel @p0 .LBB2_5-.Ltmp1, $4  }
0x7e: {  	v1 =	vmax.f32 v9, v10;
	v2 =	vmin.f32 v9, v10  }
0x7f: {  	v21 =	vmax.f32 v16, v37;
	v29 =	vmin.f32 v16, v37;
	v3 =	vmax.f32 v8, v7  }
0x80: {  	v9 =	vmin.f32 v8, v7;
	v37 =	vmax.f32 v6, v13;
	v4 =	vmin.f32 v6, v13  }
0x81: {  	s19 =	sadd.s32 $0x1000, s19;
	v0 =	vmin.f32 v2, v29;
	v13 =	vmax.f32 v1, v21;
	v46 =	vmax.f32 v3, v37  }
0x82: {  	v1 =	vmin.f32 v1, v21  }
0x83: {  	v2 =	vmax.f32 v2, v29;
	v5 =	vmin.f32 v9, v4;
	v3 =	vmin.f32 v3, v37  }
0x84: {  	v4 =	vmax.f32 v9, v4;
	v6 =	vmax.f32 v13, v46;
	v8 =	vmin.f32 v13, v46  }
0x85: {  	v7 =	vmax.f32 v2, v1;
	v9 =	vmin.f32 v0, v5;
	v10 =	vmax.f32 v4, v3  }
0x86: {  	v1 =	vmin.f32 v2, v1;
	v2 =	vmin.f32 v4, v3;
	v0 =	vmax.f32 v0, v5  }
0x87: {  	v6 =	vmax.f32 v56, v6;
	v3 =	vmax.f32 v7, v10;
	v4 =	vmax.f32 v1, v2  }
0x88: {  	v5 =	vmin.f32 v7, v10;
	v1 =	vmin.f32 v1, v2;
	v2 =	vmax.f32 v4, v8  }
0x89: {  	v4 =	vmin.f32 v4, v8;
	v7 =	vmax.f32 v0, v5;
	v0 =	vmin.f32 v0, v5  }
0x8a: {  	v5 =	vmax.f32 v3, v2;
	v2 =	vmin.f32 v3, v2;
	v3 =	vmax.f32 v7, v4  }
0x8b: {  	v4 =	vmin.f32 v7, v4;
	v7 =	vmax.f32 v0, v1;
	v0 =	vmin.f32 v0, v1  }
0x8c: {  	s19 =	simm.s32 $0x0;
	v1 =	vmax.f32 v58, v9;
	v0 =	vmax.f32 v55, v0;
	v7 =	vmax.f32 v54, v7  }
0x8d: {  	v16 =	vld [tilespmem:s19+$0x120];
	v4 =	vmax.f32 v53, v4;
	v3 =	vmax.f32 v52, v3;
	v2 =	vmax.f32 v51, v2  }
0x8e: {  	v46 =	vld [tilespmem:s19+$0x220];
	v5 =	vmax.f32 v49, v5;
	v10 =	vmin.f32 v1, v3;
	v13 =	vmin.f32 v0, v2  }
0x8f: {  	v8 =	vld [tilespmem:s19+$0x20];
	v21 =	vmin.f32 v7, v5;
	v24 =	vmin.f32 v4, v6;
	v1 =	vmax.f32 v1, v3  }
0x90: {  	v9 =	vld [tilespmem:s19+$0xA0];
	v0 =	vmax.f32 v0, v2;
	v2 =	vmax.f32 v7, v5;
	v4 =	vmax.f32 v4, v6  }
0x91: {  	v3 =	vld [tilespmem:s19+$0x1A0];
	v29 =	vmin.f32 v10, v21;
	v37 =	vmin.f32 v13, v24;
	v6 =	vmax.f32 v1, v2  }
0x92: {  	v7 =	vld [tilespmem:s19+$0x320];
	v1 =	vmin.f32 v1, v2;
	v2 =	vmax.f32 v0, v4;
	v0 =	vmin.f32 v0, v4  }
0x93: {  	v4 =	vmax.f32 v10, v21;
	v10 =	vmax.f32 v13, v24;
	v13 =	vld [tilespmem:s19+$0x3A0];
	v5 =	vmin.f32 v29, v37  }
0x94: {  	[tilespmem:$0x1FE90] =	vst v5;
	v5 =	vld [tilespmem:s19+$0x2A0]  }
0x95: {  	v58 =	vmax.f32 v6, v2;
	v55 =	vmin.f32 v6, v2;
	v54 =	vmax.f32 v1, v0  }
0x96: {  	v52 =	vmin.f32 v1, v0;
	v53 =	vmax.f32 v4, v10;
	v51 =	vmin.f32 v4, v10  }
0x97: {  	v0 =	vmax.f32 v29, v37;
	v1 =	vmax.f32 v8, v9;
	v2 =	vmin.f32 v8, v9  }
0x98: {  	v21 =	vmax.f32 v16, v3;
	v29 =	vmin.f32 v16, v3;
	v37 =	vmax.f32 v7, v13  }
0x99: {  	v4 =	vmin.f32 v7, v13;
	v13 =	vmax.f32 v1, v21;
	v3 =	vmax.f32 v46, v5  }
0x9a: {  	s20 =	simm.s32 $0x1000;
	v49 =	vld [tilespmem:$0x1FFD0];
	[tilespmem:$0x1FEA0] =	vst v0;
	v0 =	vmin.f32 v2, v29;
	v9 =	vmin.f32 v46, v5;
	v46 =	vmax.f32 v3, v37  }
.LBB2_7:
0x9b: {  	p0 =	sne.s32 s20, $0x1F000;
	v1 =	vmin.f32 v1, v21;
	v2 =	vmax.f32 v2, v29;
	v5 =	vmin.f32 v9, v4  }
0x9c: {  	v3 =	vmin.f32 v3, v37;
	v4 =	vmax.f32 v9, v4;
	v6 =	vmax.f32 v13, v46  }
0x9d: {  	v8 =	vmin.f32 v13, v46;
	v7 =	vmax.f32 v2, v1;
	v9 =	vmin.f32 v0, v5  }
0x9e: {  	v1 =	vmin.f32 v2, v1;
	v2 =	vmax.f32 v4, v3;
	v3 =	vmin.f32 v4, v3  }
0x9f: {  	v0 =	vmax.f32 v0, v5;
	v4 =	vmax.f32 v7, v2;
	v10 =	vmax.f32 v1, v3  }
0xa0: {  	v2 =	vmin.f32 v7, v2;
	v1 =	vmin.f32 v1, v3;
	v3 =	vmax.f32 v10, v8  }
0xa1: {  	v5 =	vmin.f32 v10, v8;
	v7 =	vmax.f32 v0, v2;
	v0 =	vmin.f32 v0, v2  }
0xa2: {  	v2 =	vmax.f32 v4, v3;
	v3 =	vmin.f32 v4, v3;
	v4 =	vmax.f32 v7, v5  }
0xa3: {  	v5 =	vmin.f32 v7, v5;
	v7 =	vmax.f32 v0, v1;
	v0 =	vmin.f32 v0, v1  }
0xa4: {  	s21 =	sshra.s32 s20, $0x2;
	v6 =	vmax.f32 v49, v6;
	v1 =	vmax.f32 v50, v9;
	v0 =	vmax.f32 v48, v0  }
0xa5: {  	v7 =	vmax.f32 v47, v7;
	v5 =	vmax.f32 v45, v5;
	v4 =	vmax.f32 v44, v4;
	v8 =	vld [tilespmem:s21+$0x20]  }
0xa6: {  	v3 =	vmax.f32 v42, v3;
	v2 =	vmax.f32 v40, v2;
	v10 =	vmin.f32 v1, v4;
	v9 =	vld [tilespmem:s21+$0xA0]  }
0xa7: {  	v16 =	vmin.f32 v0, v3;
	v21 =	vmin.f32 v7, v2;
	v24 =	vmin.f32 v5, v6;
	v13 =	vld [tilespmem:s21+$0x120]  }
0xa8: {  	v1 =	vmax.f32 v1, v4;
	v4 =	vmin.f32 v10, v21;
	v37 =	vmin.f32 v16, v24;
	v29 =	vld [tilespmem:s21+$0x1A0]  }
0xa9: {  	v0 =	vmax.f32 v0, v3;
	v2 =	vmax.f32 v7, v2;
	v49 =	vmin.f32 v4, v37;
	v46 =	vld [tilespmem:s21+$0x220]  }
0xaa: {  	v3 =	vmax.f32 v5, v6;
	v5 =	vmax.f32 v1, v2;
	v1 =	vmin.f32 v1, v2;
	v7 =	vld [tilespmem:s21+$0x2A0]  }
0xab: {  	v2 =	vmax.f32 v0, v3;
	v0 =	vmin.f32 v0, v3;
	v3 =	vmax.f32 v10, v21;
	v6 =	vld [tilespmem:s21+$0x320]  }
0xac: {  	v16 =	vmax.f32 v16, v24;
	v50 =	vmax.f32 v5, v2;
	v48 =	vmin.f32 v5, v2;
	v10 =	vld [tilespmem:s21+$0x3A0]  }
0xad: {  	v47 =	vmax.f32 v1, v0;
	v45 =	vmin.f32 v1, v0;
	v44 =	vmax.f32 v3, v16  }
.Ltmp2:
0xae: {  	v42 =	vmin.f32 v3, v16;
	v40 =	vmax.f32 v4, v37;
	(pc) =	sbr.rel @p0 .LBB2_7-.Ltmp2, $4  }
0xaf: {  	v1 =	vmax.f32 v8, v9;
	v2 =	vmin.f32 v8, v9  }
0xb0: {  	v21 =	vmax.f32 v13, v29;
	v29 =	vmin.f32 v13, v29;
	v3 =	vmax.f32 v46, v7  }
0xb1: {  	v9 =	vmin.f32 v46, v7;
	v37 =	vmax.f32 v6, v10;
	v4 =	vmin.f32 v6, v10  }
0xb2: {  	s20 =	sadd.s32 $0x1000, s20;
	v13 =	vmax.f32 v1, v21;
	v0 =	vmin.f32 v2, v29;
	v46 =	vmax.f32 v3, v37  }
0xb3: {  	v1 =	vmin.f32 v1, v21  }
0xb4: {  	v2 =	vmax.f32 v2, v29;
	v5 =	vmin.f32 v9, v4;
	v3 =	vmin.f32 v3, v37  }
0xb5: {  	v4 =	vmax.f32 v9, v4;
	v6 =	vmax.f32 v13, v46;
	v8 =	vmin.f32 v13, v46  }
0xb6: {  	v7 =	vmax.f32 v2, v1;
	v9 =	vmin.f32 v0, v5;
	v10 =	vmax.f32 v4, v3  }
0xb7: {  	v1 =	vmin.f32 v2, v1;
	v2 =	vmin.f32 v4, v3;
	v0 =	vmax.f32 v0, v5  }
0xb8: {  	v6 =	vmax.f32 v49, v6;
	v3 =	vmax.f32 v7, v10;
	v4 =	vmax.f32 v1, v2  }
0xb9: {  	v5 =	vmin.f32 v7, v10;
	v1 =	vmin.f32 v1, v2;
	v2 =	vmax.f32 v4, v8  }
0xba: {  	v4 =	vmin.f32 v4, v8;
	v7 =	vmax.f32 v0, v5;
	v0 =	vmin.f32 v0, v5  }
0xbb: {  	v5 =	vmax.f32 v3, v2;
	v2 =	vmin.f32 v3, v2;
	v3 =	vmax.f32 v7, v4  }
0xbc: {  	v4 =	vmin.f32 v7, v4;
	v7 =	vmax.f32 v0, v1;
	v0 =	vmin.f32 v0, v1  }
0xbd: {  	v1 =	vmax.f32 v50, v9;
	v0 =	vmax.f32 v48, v0;
	v7 =	vmax.f32 v47, v7  }
0xbe: {  	v16 =	vld [tilespmem:s19+$0x130];
	v4 =	vmax.f32 v45, v4;
	v3 =	vmax.f32 v44, v3;
	v2 =	vmax.f32 v42, v2  }
0xbf: {  	v56 =	vld [tilespmem:s19+$0x230];
	v5 =	vmax.f32 v40, v5;
	v10 =	vmin.f32 v1, v3;
	v13 =	vmin.f32 v0, v2  }
0xc0: {  	v8 =	vld [tilespmem:s19+$0x30];
	v21 =	vmin.f32 v7, v5;
	v24 =	vmin.f32 v4, v6;
	v1 =	vmax.f32 v1, v3  }
0xc1: {  	v9 =	vld [tilespmem:s19+$0xB0];
	v0 =	vmax.f32 v0, v2;
	v2 =	vmax.f32 v7, v5;
	v4 =	vmax.f32 v4, v6  }
0xc2: {  	v3 =	vld [tilespmem:s19+$0x1B0];
	v29 =	vmin.f32 v10, v21;
	v37 =	vmin.f32 v13, v24;
	v6 =	vmax.f32 v1, v2  }
0xc3: {  	v7 =	vld [tilespmem:s19+$0x330];
	v1 =	vmin.f32 v1, v2;
	v2 =	vmax.f32 v0, v4;
	v0 =	vmin.f32 v0, v4  }
0xc4: {  	v4 =	vmax.f32 v10, v21;
	v10 =	vmax.f32 v13, v24;
	v13 =	vld [tilespmem:s19+$0x3B0];
	v5 =	vmin.f32 v29, v37  }
0xc5: {  	[tilespmem:$0x1FE70] =	vst v5;
	v5 =	vld [tilespmem:s19+$0x2B0]  }
0xc6: {  	v48 =	vmax.f32 v6, v2;
	v50 =	vmin.f32 v6, v2;
	v47 =	vmax.f32 v1, v0  }
0xc7: {  	v44 =	vmin.f32 v1, v0;
	v45 =	vmax.f32 v4, v10;
	v42 =	vmin.f32 v4, v10  }
0xc8: {  	v0 =	vmax.f32 v29, v37;
	v1 =	vmax.f32 v8, v9;
	v2 =	vmin.f32 v8, v9  }
0xc9: {  	v21 =	vmax.f32 v16, v3;
	v29 =	vmin.f32 v16, v3;
	v37 =	vmax.f32 v7, v13  }
0xca: {  	v49 =	vmovc v19;
	v19 =	vld [tilespmem:$0x1FFC0];
	v4 =	vmin.f32 v7, v13;
	v13 =	vmax.f32 v1, v21;
	v3 =	vmax.f32 v56, v5  }
0xcb: {  	[tilespmem:$0x1FE80] =	vst v0;
	s19 =	simm.s32 $0x1000;
	v0 =	vmin.f32 v2, v29;
	v9 =	vmin.f32 v56, v5;
	v56 =	vld [tilespmem:$0x1FF60];
	v46 =	vmax.f32 v3, v37  }
.LBB2_9:
0xcc: {  	p0 =	sne.s32 s19, $0x1F000;
	v1 =	vmin.f32 v1, v21;
	v2 =	vmax.f32 v2, v29;
	v5 =	vmin.f32 v9, v4  }
0xcd: {  	v3 =	vmin.f32 v3, v37;
	v4 =	vmax.f32 v9, v4;
	v6 =	vmax.f32 v13, v46  }
0xce: {  	v8 =	vmin.f32 v13, v46;
	v7 =	vmax.f32 v2, v1;
	v9 =	vmin.f32 v0, v5  }
0xcf: {  	v1 =	vmin.f32 v2, v1;
	v2 =	vmax.f32 v4, v3;
	v3 =	vmin.f32 v4, v3  }
0xd0: {  	v0 =	vmax.f32 v0, v5;
	v4 =	vmax.f32 v7, v2;
	v10 =	vmax.f32 v1, v3  }
0xd1: {  	v2 =	vmin.f32 v7, v2;
	v1 =	vmin.f32 v1, v3;
	v3 =	vmax.f32 v10, v8  }
0xd2: {  	v5 =	vmin.f32 v10, v8;
	v7 =	vmax.f32 v0, v2;
	v0 =	vmin.f32 v0, v2  }
0xd3: {  	v2 =	vmax.f32 v4, v3;
	v3 =	vmin.f32 v4, v3;
	v4 =	vmax.f32 v7, v5  }
0xd4: {  	v5 =	vmin.f32 v7, v5;
	v7 =	vmax.f32 v0, v1;
	v0 =	vmin.f32 v0, v1  }
0xd5: {  	s20 =	sshra.s32 s19, $0x2;
	v6 =	vmax.f32 v19, v6;
	v1 =	vmax.f32 v43, v9;
	v0 =	vmax.f32 v41, v0  }
0xd6: {  	v7 =	vmax.f32 v39, v7;
	v5 =	vmax.f32 v38, v5;
	v4 =	vmax.f32 v36, v4;
	v8 =	vld [tilespmem:s20+$0x30]  }
0xd7: {  	v3 =	vmax.f32 v35, v3;
	v2 =	vmax.f32 v32, v2;
	v10 =	vmin.f32 v1, v4;
	v9 =	vld [tilespmem:s20+$0xB0]  }
0xd8: {  	v16 =	vmin.f32 v0, v3;
	v21 =	vmin.f32 v7, v2;
	v24 =	vmin.f32 v5, v6;
	v13 =	vld [tilespmem:s20+$0x130]  }
0xd9: {  	v1 =	vmax.f32 v1, v4;
	v4 =	vmin.f32 v10, v21;
	v32 =	vmin.f32 v16, v24;
	v29 =	vld [tilespmem:s20+$0x1B0]  }
0xda: {  	v0 =	vmax.f32 v0, v3;
	v2 =	vmax.f32 v7, v2;
	v19 =	vmin.f32 v4, v32;
	v37 =	vld [tilespmem:s20+$0x230]  }
0xdb: {  	v3 =	vmax.f32 v5, v6;
	v5 =	vmax.f32 v1, v2;
	v1 =	vmin.f32 v1, v2;
	v7 =	vld [tilespmem:s20+$0x2B0]  }
0xdc: {  	v2 =	vmax.f32 v0, v3;
	v0 =	vmin.f32 v0, v3;
	v3 =	vmax.f32 v10, v21;
	v6 =	vld [tilespmem:s20+$0x330]  }
0xdd: {  	v16 =	vmax.f32 v16, v24;
	v43 =	vmax.f32 v5, v2;
	v41 =	vmin.f32 v5, v2;
	v10 =	vld [tilespmem:s20+$0x3B0]  }
0xde: {  	v39 =	vmax.f32 v1, v0;
	v38 =	vmin.f32 v1, v0;
	v36 =	vmax.f32 v3, v16  }
.Ltmp3:
0xdf: {  	v35 =	vmin.f32 v3, v16;
	v32 =	vmax.f32 v4, v32;
	(pc) =	sbr.rel @p0 .LBB2_9-.Ltmp3, $4  }
0xe0: {  	v1 =	vmax.f32 v8, v9;
	v2 =	vmin.f32 v8, v9  }
0xe1: {  	v21 =	vmax.f32 v13, v29;
	v29 =	vmin.f32 v13, v29;
	v3 =	vmax.f32 v37, v7  }
0xe2: {  	v9 =	vmin.f32 v37, v7;
	v37 =	vmax.f32 v6, v10;
	v4 =	vmin.f32 v6, v10  }
0xe3: {  	s19 =	sadd.s32 $0x1000, s19;
	v13 =	vmax.f32 v1, v21;
	v0 =	vmin.f32 v2, v29;
	v46 =	vmax.f32 v3, v37  }
0xe4: {  	v1 =	vmin.f32 v1, v21  }
0xe5: {  	v2 =	vmax.f32 v2, v29;
	v5 =	vmin.f32 v9, v4;
	v3 =	vmin.f32 v3, v37  }
0xe6: {  	v4 =	vmax.f32 v9, v4;
	v6 =	vmax.f32 v13, v46;
	v8 =	vmin.f32 v13, v46  }
0xe7: {  	v7 =	vmax.f32 v2, v1;
	v9 =	vmin.f32 v0, v5;
	v10 =	vmax.f32 v4, v3  }
0xe8: {  	v1 =	vmin.f32 v2, v1;
	v2 =	vmin.f32 v4, v3;
	v0 =	vmax.f32 v0, v5  }
0xe9: {  	v6 =	vmax.f32 v19, v6;
	v3 =	vmax.f32 v7, v10;
	v4 =	vmax.f32 v1, v2  }
0xea: {  	v5 =	vmin.f32 v7, v10;
	v1 =	vmin.f32 v1, v2;
	v2 =	vmax.f32 v4, v8  }
0xeb: {  	v4 =	vmin.f32 v4, v8;
	v7 =	vmax.f32 v0, v5;
	v0 =	vmin.f32 v0, v5  }
0xec: {  	v5 =	vmax.f32 v3, v2;
	v2 =	vmin.f32 v3, v2;
	v3 =	vmax.f32 v7, v4  }
0xed: {  	v4 =	vmin.f32 v7, v4;
	v7 =	vmax.f32 v0, v1;
	v0 =	vmin.f32 v0, v1  }
0xee: {  	s19 =	simm.s32 $0x0;
	v1 =	vmax.f32 v43, v9;
	v0 =	vmax.f32 v41, v0;
	v7 =	vmax.f32 v39, v7  }
0xef: {  	v16 =	vld [tilespmem:s19+$0x140];
	v4 =	vmax.f32 v38, v4;
	v3 =	vmax.f32 v36, v3;
	v2 =	vmax.f32 v35, v2  }
0xf0: {  	v46 =	vld [tilespmem:s19+$0x240];
	v5 =	vmax.f32 v32, v5;
	v10 =	vmin.f32 v1, v3;
	v13 =	vmin.f32 v0, v2  }
0xf1: {  	v8 =	vld [tilespmem:s19+$0x40];
	v21 =	vmin.f32 v7, v5;
	v24 =	vmin.f32 v4, v6;
	v1 =	vmax.f32 v1, v3  }
0xf2: {  	v9 =	vld [tilespmem:s19+$0xC0];
	v0 =	vmax.f32 v0, v2;
	v2 =	vmax.f32 v7, v5;
	v4 =	vmax.f32 v4, v6  }
0xf3: {  	v3 =	vld [tilespmem:s19+$0x1C0];
	v29 =	vmin.f32 v10, v21;
	v32 =	vmin.f32 v13, v24;
	v6 =	vmax.f32 v1, v2  }
0xf4: {  	v7 =	vld [tilespmem:s19+$0x340];
	v1 =	vmin.f32 v1, v2;
	v2 =	vmax.f32 v0, v4;
	v0 =	vmin.f32 v0, v4  }
0xf5: {  	v4 =	vmax.f32 v10, v21;
	v10 =	vmax.f32 v13, v24;
	v13 =	vld [tilespmem:s19+$0x3C0];
	v5 =	vmin.f32 v29, v32  }
0xf6: {  	[tilespmem:$0x1FE50] =	vst v5;
	v5 =	vld [tilespmem:s19+$0x2C0]  }
0xf7: {  	v43 =	vmax.f32 v6, v2;
	v41 =	vmin.f32 v6, v2;
	v39 =	vmax.f32 v1, v0  }
0xf8: {  	v36 =	vmin.f32 v1, v0;
	v38 =	vmax.f32 v4, v10;
	v35 =	vmin.f32 v4, v10  }
0xf9: {  	v40 =	vld [tilespmem:$0x1FF30];
	v0 =	vmax.f32 v29, v32;
	v1 =	vmax.f32 v8, v9;
	v2 =	vmin.f32 v8, v9  }
0xfa: {  	v19 =	vld [tilespmem:$0x1FF90];
	v21 =	vmax.f32 v16, v3;
	v29 =	vmin.f32 v16, v3;
	v37 =	vmax.f32 v7, v13  }
0xfb: {  	v24 =	vld [tilespmem:$0x1FFB0];
	v4 =	vmin.f32 v7, v13;
	v13 =	vmax.f32 v1, v21;
	v3 =	vmax.f32 v46, v5  }
0xfc: {  	s20 =	simm.s32 $0x1000;
	[tilespmem:$0x1FE60] =	vst v0;
	v16 =	vld [tilespmem:$0x1FFA0];
	v0 =	vmin.f32 v2, v29;
	v9 =	vmin.f32 v46, v5;
	v46 =	vmax.f32 v3, v37  }
.LBB2_11:
0xfd: {  	p0 =	sne.s32 s20, $0x1F000;
	v1 =	vmin.f32 v1, v21;
	v2 =	vmax.f32 v2, v29;
	v5 =	vmin.f32 v9, v4  }
0xfe: {  	v3 =	vmin.f32 v3, v37;
	v4 =	vmax.f32 v9, v4;
	v6 =	vmax.f32 v13, v46  }
0xff: {  	v8 =	vmin.f32 v13, v46;
	v7 =	vmax.f32 v2, v1;
	v9 =	vmin.f32 v0, v5  }
0x100: {  	v1 =	vmin.f32 v2, v1;
	v2 =	vmax.f32 v4, v3;
	v3 =	vmin.f32 v4, v3  }
0x101: {  	v0 =	vmax.f32 v0, v5;
	v4 =	vmax.f32 v7, v2;
	v10 =	vmax.f32 v1, v3  }
0x102: {  	v2 =	vmin.f32 v7, v2;
	v1 =	vmin.f32 v1, v3;
	v3 =	vmax.f32 v10, v8  }
0x103: {  	v5 =	vmin.f32 v10, v8;
	v7 =	vmax.f32 v0, v2;
	v0 =	vmin.f32 v0, v2  }
0x104: {  	v2 =	vmax.f32 v4, v3;
	v3 =	vmin.f32 v4, v3;
	v4 =	vmax.f32 v7, v5  }
0x105: {  	v5 =	vmin.f32 v7, v5;
	v7 =	vmax.f32 v0, v1;
	v0 =	vmin.f32 v0, v1  }
0x106: {  	s21 =	sshra.s32 s20, $0x2;
	v6 =	vmax.f32 v19, v6;
	v1 =	vmax.f32 v34, v9;
	v0 =	vmax.f32 v33, v0  }
0x107: {  	v7 =	vmax.f32 v31, v7;
	v5 =	vmax.f32 v30, v5;
	v4 =	vmax.f32 v28, v4;
	v8 =	vld [tilespmem:s21+$0x40]  }
0x108: {  	v3 =	vmax.f32 v24, v3;
	v2 =	vmax.f32 v16, v2;
	v10 =	vmin.f32 v1, v4;
	v9 =	vld [tilespmem:s21+$0xC0]  }
0x109: {  	v16 =	vmin.f32 v0, v3;
	v21 =	vmin.f32 v7, v2;
	v24 =	vmin.f32 v5, v6;
	v13 =	vld [tilespmem:s21+$0x140]  }
0x10a: {  	v1 =	vmax.f32 v1, v4;
	v4 =	vmin.f32 v10, v21;
	v37 =	vmin.f32 v16, v24;
	v29 =	vld [tilespmem:s21+$0x1C0]  }
0x10b: {  	v0 =	vmax.f32 v0, v3;
	v2 =	vmax.f32 v7, v2;
	v19 =	vmin.f32 v4, v37;
	v46 =	vld [tilespmem:s21+$0x240]  }
0x10c: {  	v3 =	vmax.f32 v5, v6;
	v5 =	vmax.f32 v1, v2;
	v1 =	vmin.f32 v1, v2;
	v7 =	vld [tilespmem:s21+$0x2C0]  }
0x10d: {  	v2 =	vmax.f32 v0, v3;
	v0 =	vmin.f32 v0, v3;
	v3 =	vmax.f32 v10, v21;
	v6 =	vld [tilespmem:s21+$0x340]  }
0x10e: {  	v16 =	vmax.f32 v16, v24;
	v34 =	vmax.f32 v5, v2;
	v33 =	vmin.f32 v5, v2;
	v10 =	vld [tilespmem:s21+$0x3C0]  }
0x10f: {  	v31 =	vmax.f32 v1, v0;
	v30 =	vmin.f32 v1, v0;
	v28 =	vmax.f32 v3, v16  }
.Ltmp4:
0x110: {  	v24 =	vmin.f32 v3, v16;
	v16 =	vmax.f32 v4, v37;
	(pc) =	sbr.rel @p0 .LBB2_11-.Ltmp4, $4  }
0x111: {  	v1 =	vmax.f32 v8, v9;
	v2 =	vmin.f32 v8, v9  }
0x112: {  	v21 =	vmax.f32 v13, v29;
	v29 =	vmin.f32 v13, v29;
	v3 =	vmax.f32 v46, v7  }
0x113: {  	v9 =	vmin.f32 v46, v7;
	v37 =	vmax.f32 v6, v10;
	v4 =	vmin.f32 v6, v10  }
0x114: {  	s20 =	sadd.s32 $0x1000, s20;
	v13 =	vmax.f32 v1, v21;
	v0 =	vmin.f32 v2, v29;
	v46 =	vmax.f32 v3, v37  }
0x115: {  	v1 =	vmin.f32 v1, v21  }
0x116: {  	v2 =	vmax.f32 v2, v29;
	v5 =	vmin.f32 v9, v4;
	v3 =	vmin.f32 v3, v37  }
0x117: {  	v4 =	vmax.f32 v9, v4;
	v6 =	vmax.f32 v13, v46;
	v8 =	vmin.f32 v13, v46  }
0x118: {  	v7 =	vmax.f32 v2, v1;
	v9 =	vmin.f32 v0, v5;
	v10 =	vmax.f32 v4, v3  }
0x119: {  	v1 =	vmin.f32 v2, v1;
	v2 =	vmin.f32 v4, v3;
	v0 =	vmax.f32 v0, v5  }
0x11a: {  	v6 =	vmax.f32 v19, v6;
	v3 =	vmax.f32 v7, v10;
	v4 =	vmax.f32 v1, v2  }
0x11b: {  	v5 =	vmin.f32 v7, v10;
	v1 =	vmin.f32 v1, v2;
	v2 =	vmax.f32 v4, v8  }
0x11c: {  	v4 =	vmin.f32 v4, v8;
	v7 =	vmax.f32 v0, v5;
	v0 =	vmin.f32 v0, v5  }
0x11d: {  	v5 =	vmax.f32 v3, v2;
	v2 =	vmin.f32 v3, v2;
	v3 =	vmax.f32 v7, v4  }
0x11e: {  	v4 =	vmin.f32 v7, v4;
	v7 =	vmax.f32 v0, v1;
	v0 =	vmin.f32 v0, v1  }
0x11f: {  	v46 =	vld [tilespmem:s19+$0x250];
	v1 =	vmax.f32 v34, v9;
	v0 =	vmax.f32 v33, v0;
	v7 =	vmax.f32 v31, v7  }
0x120: {  	v8 =	vld [tilespmem:s19+$0x50];
	v4 =	vmax.f32 v30, v4;
	v3 =	vmax.f32 v28, v3;
	v2 =	vmax.f32 v24, v2  }
0x121: {  	v9 =	vld [tilespmem:s19+$0xD0];
	v5 =	vmax.f32 v16, v5;
	v10 =	vmin.f32 v1, v3;
	v13 =	vmin.f32 v0, v2  }
0x122: {  	v16 =	vld [tilespmem:s19+$0x150];
	v21 =	vmin.f32 v7, v5;
	v24 =	vmin.f32 v4, v6;
	v1 =	vmax.f32 v1, v3  }
0x123: {  	v3 =	vld [tilespmem:s19+$0x1D0];
	v0 =	vmax.f32 v0, v2;
	v2 =	vmax.f32 v7, v5;
	v4 =	vmax.f32 v4, v6  }
0x124: {  	v5 =	vld [tilespmem:s19+$0x2D0];
	v29 =	vmin.f32 v10, v21;
	v37 =	vmin.f32 v13, v24;
	v6 =	vmax.f32 v1, v2  }
0x125: {  	v7 =	vld [tilespmem:s19+$0x350];
	v1 =	vmin.f32 v1, v2;
	v2 =	vmax.f32 v0, v4;
	v0 =	vmin.f32 v0, v4  }
0x126: {  	v4 =	vmax.f32 v10, v21;
	v10 =	vmax.f32 v13, v24;
	v13 =	vld [tilespmem:s19+$0x3D0];
	v26 =	vmin.f32 v29, v37  }
0x127: {  	v33 =	vmax.f32 v6, v2;
	v34 =	vmin.f32 v6, v2;
	v31 =	vmax.f32 v1, v0  }
0x128: {  	v28 =	vmin.f32 v1, v0;
	v30 =	vmax.f32 v4, v10;
	v0 =	vmin.f32 v4, v10  }
0x129: {  	[tilespmem:$0x1FE30] =	vst v0;
	v0 =	vmax.f32 v29, v37;
	v1 =	vmax.f32 v8, v9;
	v2 =	vmin.f32 v8, v9  }
0x12a: {  	v32 =	vld [tilespmem:$0x1FED0];
	v21 =	vmax.f32 v16, v3;
	v29 =	vmin.f32 v16, v3;
	v3 =	vmax.f32 v46, v5  }
0x12b: {  	v19 =	vld [tilespmem:$0x1FF80];
	v9 =	vmin.f32 v46, v5;
	v37 =	vmax.f32 v7, v13;
	v4 =	vmin.f32 v7, v13  }
0x12c: {  	s19 =	simm.s32 $0x1000;
	[tilespmem:$0x1FE40] =	vst v0;
	v16 =	vld [tilespmem:$0x1FF70];
	v13 =	vmax.f32 v1, v21;
	v0 =	vmin.f32 v2, v29;
	v46 =	vmax.f32 v3, v37  }
.LBB2_13:
0x12d: {  	p0 =	sne.s32 s19, $0x1F000;
	v1 =	vmin.f32 v1, v21;
	v2 =	vmax.f32 v2, v29;
	v5 =	vmin.f32 v9, v4  }
0x12e: {  	v3 =	vmin.f32 v3, v37;
	v4 =	vmax.f32 v9, v4;
	v6 =	vmax.f32 v13, v46  }
0x12f: {  	v8 =	vmin.f32 v13, v46;
	v7 =	vmax.f32 v2, v1;
	v9 =	vmin.f32 v0, v5  }
0x130: {  	v1 =	vmin.f32 v2, v1;
	v2 =	vmax.f32 v4, v3;
	v3 =	vmin.f32 v4, v3  }
0x131: {  	v0 =	vmax.f32 v0, v5;
	v4 =	vmax.f32 v7, v2;
	v10 =	vmax.f32 v1, v3  }
0x132: {  	v2 =	vmin.f32 v7, v2;
	v1 =	vmin.f32 v1, v3;
	v3 =	vmax.f32 v10, v8  }
0x133: {  	v5 =	vmin.f32 v10, v8;
	v7 =	vmax.f32 v0, v2;
	v0 =	vmin.f32 v0, v2  }
0x134: {  	v2 =	vmax.f32 v4, v3;
	v3 =	vmin.f32 v4, v3;
	v4 =	vmax.f32 v7, v5  }
0x135: {  	v5 =	vmin.f32 v7, v5;
	v7 =	vmax.f32 v0, v1;
	v0 =	vmin.f32 v0, v1  }
0x136: {  	s20 =	sshra.s32 s19, $0x2;
	v6 =	vmax.f32 v56, v6;
	v1 =	vmax.f32 v27, v9;
	v0 =	vmax.f32 v25, v0  }
0x137: {  	v7 =	vmax.f32 v23, v7;
	v5 =	vmax.f32 v22, v5;
	v4 =	vmax.f32 v20, v4;
	v8 =	vld [tilespmem:s20+$0x50]  }
0x138: {  	v3 =	vmax.f32 v19, v3;
	v2 =	vmax.f32 v16, v2;
	v10 =	vmin.f32 v1, v4;
	v9 =	vld [tilespmem:s20+$0xD0]  }
0x139: {  	v16 =	vmin.f32 v0, v3;
	v19 =	vmin.f32 v7, v2;
	v20 =	vmin.f32 v5, v6;
	v13 =	vld [tilespmem:s20+$0x150]  }
0x13a: {  	v1 =	vmax.f32 v1, v4;
	v4 =	vmin.f32 v10, v19;
	v21 =	vmin.f32 v16, v20;
	v24 =	vld [tilespmem:s20+$0x1D0]  }
0x13b: {  	v0 =	vmax.f32 v0, v3;
	v2 =	vmax.f32 v7, v2;
	v56 =	vmin.f32 v4, v21;
	v37 =	vld [tilespmem:s20+$0x250]  }
0x13c: {  	v3 =	vmax.f32 v5, v6;
	v5 =	vmax.f32 v1, v2;
	v1 =	vmin.f32 v1, v2;
	v7 =	vld [tilespmem:s20+$0x2D0]  }
0x13d: {  	v2 =	vmax.f32 v0, v3;
	v0 =	vmin.f32 v0, v3;
	v3 =	vmax.f32 v10, v19;
	v6 =	vld [tilespmem:s20+$0x350]  }
0x13e: {  	v16 =	vmax.f32 v16, v20;
	v27 =	vmax.f32 v5, v2;
	v25 =	vmin.f32 v5, v2;
	v10 =	vld [tilespmem:s20+$0x3D0]  }
0x13f: {  	v23 =	vmax.f32 v1, v0;
	v22 =	vmin.f32 v1, v0;
	v20 =	vmax.f32 v3, v16  }
.Ltmp5:
0x140: {  	v19 =	vmin.f32 v3, v16;
	v16 =	vmax.f32 v4, v21;
	(pc) =	sbr.rel @p0 .LBB2_13-.Ltmp5, $4  }
0x141: {  	v1 =	vmax.f32 v8, v9;
	v2 =	vmin.f32 v8, v9  }
0x142: {  	v21 =	vmax.f32 v13, v24;
	v29 =	vmin.f32 v13, v24;
	v3 =	vmax.f32 v37, v7  }
0x143: {  	v9 =	vmin.f32 v37, v7;
	v37 =	vmax.f32 v6, v10;
	v4 =	vmin.f32 v6, v10  }
0x144: {  	s19 =	sadd.s32 $0x1000, s19;
	v13 =	vmax.f32 v1, v21;
	v0 =	vmin.f32 v2, v29;
	v46 =	vmax.f32 v3, v37  }
0x145: {  	v1 =	vmin.f32 v1, v21  }
0x146: {  	v2 =	vmax.f32 v2, v29;
	v5 =	vmin.f32 v9, v4;
	v3 =	vmin.f32 v3, v37  }
0x147: {  	v4 =	vmax.f32 v9, v4;
	v6 =	vmax.f32 v13, v46;
	v8 =	vmin.f32 v13, v46  }
0x148: {  	v7 =	vmax.f32 v2, v1;
	v9 =	vmin.f32 v0, v5;
	v10 =	vmax.f32 v4, v3  }
0x149: {  	v1 =	vmin.f32 v2, v1;
	v2 =	vmin.f32 v4, v3;
	v0 =	vmax.f32 v0, v5  }
0x14a: {  	v6 =	vmax.f32 v56, v6;
	v3 =	vmax.f32 v7, v10;
	v4 =	vmax.f32 v1, v2  }
0x14b: {  	v5 =	vmin.f32 v7, v10;
	v1 =	vmin.f32 v1, v2;
	v2 =	vmax.f32 v4, v8  }
0x14c: {  	v4 =	vmin.f32 v4, v8;
	v7 =	vmax.f32 v0, v5;
	v0 =	vmin.f32 v0, v5  }
0x14d: {  	v5 =	vmax.f32 v3, v2;
	v2 =	vmin.f32 v3, v2;
	v3 =	vmax.f32 v7, v4  }
0x14e: {  	v4 =	vmin.f32 v7, v4;
	v7 =	vmax.f32 v0, v1;
	v0 =	vmin.f32 v0, v1  }
0x14f: {  	s19 =	simm.s32 $0x0;
	v1 =	vmax.f32 v27, v9;
	v0 =	vmax.f32 v25, v0;
	v7 =	vmax.f32 v23, v7  }
0x150: {  	v56 =	vld [tilespmem:s19+$0x260];
	v4 =	vmax.f32 v22, v4;
	v3 =	vmax.f32 v20, v3;
	v2 =	vmax.f32 v19, v2  }
0x151: {  	v8 =	vld [tilespmem:s19+$0x60];
	v5 =	vmax.f32 v16, v5;
	v10 =	vmin.f32 v1, v3;
	v13 =	vmin.f32 v0, v2  }
0x152: {  	v9 =	vld [tilespmem:s19+$0xE0];
	v19 =	vmin.f32 v7, v5;
	v20 =	vmin.f32 v4, v6;
	v1 =	vmax.f32 v1, v3  }
0x153: {  	v16 =	vld [tilespmem:s19+$0x160];
	v0 =	vmax.f32 v0, v2;
	v2 =	vmax.f32 v7, v5;
	v4 =	vmax.f32 v4, v6  }
0x154: {  	v3 =	vld [tilespmem:s19+$0x1E0];
	v21 =	vmin.f32 v10, v19;
	v24 =	vmin.f32 v13, v20;
	v6 =	vmax.f32 v1, v2  }
0x155: {  	v7 =	vld [tilespmem:s19+$0x360];
	v1 =	vmin.f32 v1, v2;
	v2 =	vmax.f32 v0, v4;
	v0 =	vmin.f32 v0, v4  }
0x156: {  	v4 =	vmax.f32 v10, v19;
	v10 =	vmax.f32 v13, v20;
	v13 =	vld [tilespmem:s19+$0x3E0];
	v5 =	vmin.f32 v21, v24  }
0x157: {  	[tilespmem:$0x1FE00] =	vst v5;
	v5 =	vld [tilespmem:s19+$0x2E0]  }
0x158: {  	v27 =	vmax.f32 v6, v2;
	v25 =	vmin.f32 v6, v2;
	v23 =	vmax.f32 v1, v0  }
0x159: {  	v20 =	vmin.f32 v1, v0;
	v22 =	vmax.f32 v4, v10;
	v0 =	vmin.f32 v4, v10  }
0x15a: {  	[tilespmem:$0x1FE10] =	vst v0;
	v0 =	vmax.f32 v21, v24;
	v1 =	vmax.f32 v8, v9;
	v2 =	vmin.f32 v8, v9  }
0x15b: {  	v21 =	vmax.f32 v16, v3;
	v29 =	vmin.f32 v16, v3;
	v37 =	vmax.f32 v7, v13  }
0x15c: {  	v19 =	vld [tilespmem:$0x1FF40];
	v4 =	vmin.f32 v7, v13;
	v13 =	vmax.f32 v1, v21;
	v3 =	vmax.f32 v56, v5  }
0x15d: {  	s20 =	simm.s32 $0x1000;
	[tilespmem:$0x1FE20] =	vst v0;
	v0 =	vmin.f32 v2, v29;
	v9 =	vmin.f32 v56, v5;
	v56 =	vld [tilespmem:$0x1FF50];
	v46 =	vmax.f32 v3, v37  }
.LBB2_15:
0x15e: {  	p0 =	sne.s32 s20, $0x1F000;
	v1 =	vmin.f32 v1, v21;
	v2 =	vmax.f32 v2, v29;
	v5 =	vmin.f32 v9, v4  }
0x15f: {  	v3 =	vmin.f32 v3, v37;
	v4 =	vmax.f32 v9, v4;
	v6 =	vmax.f32 v13, v46  }
0x160: {  	v8 =	vmin.f32 v13, v46;
	v7 =	vmax.f32 v2, v1;
	v9 =	vmin.f32 v0, v5  }
0x161: {  	v1 =	vmin.f32 v2, v1;
	v2 =	vmax.f32 v4, v3;
	v3 =	vmin.f32 v4, v3  }
0x162: {  	v0 =	vmax.f32 v0, v5;
	v4 =	vmax.f32 v7, v2;
	v10 =	vmax.f32 v1, v3  }
0x163: {  	v2 =	vmin.f32 v7, v2;
	v1 =	vmin.f32 v1, v3;
	v3 =	vmax.f32 v10, v8  }
0x164: {  	v5 =	vmin.f32 v10, v8;
	v7 =	vmax.f32 v0, v2;
	v0 =	vmin.f32 v0, v2  }
0x165: {  	v2 =	vmax.f32 v4, v3;
	v3 =	vmin.f32 v4, v3;
	v4 =	vmax.f32 v7, v5  }
0x166: {  	v5 =	vmin.f32 v7, v5;
	v7 =	vmax.f32 v0, v1;
	v0 =	vmin.f32 v0, v1  }
0x167: {  	s21 =	sshra.s32 s20, $0x2;
	v6 =	vmax.f32 v19, v6;
	v1 =	vmax.f32 v18, v9;
	v0 =	vmax.f32 v17, v0  }
0x168: {  	v7 =	vmax.f32 v15, v7;
	v5 =	vmax.f32 v14, v5;
	v4 =	vmax.f32 v12, v4;
	v8 =	vld [tilespmem:s21+$0x60]  }
0x169: {  	v3 =	vmax.f32 v11, v3;
	v2 =	vmax.f32 v56, v2;
	v10 =	vmin.f32 v1, v4;
	v9 =	vld [tilespmem:s21+$0xE0]  }
0x16a: {  	v11 =	vmin.f32 v0, v3;
	v12 =	vmin.f32 v7, v2;
	v14 =	vmin.f32 v5, v6;
	v13 =	vld [tilespmem:s21+$0x160]  }
0x16b: {  	v1 =	vmax.f32 v1, v4;
	v4 =	vmin.f32 v10, v12;
	v21 =	vmin.f32 v11, v14;
	v16 =	vld [tilespmem:s21+$0x1E0]  }
0x16c: {  	v0 =	vmax.f32 v0, v3;
	v2 =	vmax.f32 v7, v2;
	v19 =	vmin.f32 v4, v21;
	v24 =	vld [tilespmem:s21+$0x260]  }
0x16d: {  	v3 =	vmax.f32 v5, v6;
	v5 =	vmax.f32 v1, v2;
	v1 =	vmin.f32 v1, v2;
	v7 =	vld [tilespmem:s21+$0x2E0]  }
0x16e: {  	v2 =	vmax.f32 v0, v3;
	v0 =	vmin.f32 v0, v3;
	v3 =	vmax.f32 v10, v12;
	v6 =	vld [tilespmem:s21+$0x360]  }
0x16f: {  	v11 =	vmax.f32 v11, v14;
	v18 =	vmax.f32 v5, v2;
	v17 =	vmin.f32 v5, v2;
	v10 =	vld [tilespmem:s21+$0x3E0]  }
0x170: {  	v15 =	vmax.f32 v1, v0;
	v14 =	vmin.f32 v1, v0;
	v12 =	vmax.f32 v3, v11  }
.Ltmp6:
0x171: {  	v11 =	vmin.f32 v3, v11;
	v56 =	vmax.f32 v4, v21;
	(pc) =	sbr.rel @p0 .LBB2_15-.Ltmp6, $4  }
0x172: {  	v1 =	vmax.f32 v8, v9;
	v2 =	vmin.f32 v8, v9  }
0x173: {  	v21 =	vmax.f32 v13, v16;
	v29 =	vmin.f32 v13, v16;
	v3 =	vmax.f32 v24, v7  }
0x174: {  	v9 =	vmin.f32 v24, v7;
	v37 =	vmax.f32 v6, v10;
	v4 =	vmin.f32 v6, v10  }
0x175: {  	s20 =	sadd.s32 $0x1000, s20;
	v13 =	vmax.f32 v1, v21;
	v0 =	vmin.f32 v2, v29;
	v46 =	vmax.f32 v3, v37  }
0x176: {  	v1 =	vmin.f32 v1, v21  }
0x177: {  	v2 =	vmax.f32 v2, v29;
	v5 =	vmin.f32 v9, v4;
	v3 =	vmin.f32 v3, v37  }
0x178: {  	v4 =	vmax.f32 v9, v4;
	v6 =	vmax.f32 v13, v46;
	v8 =	vmin.f32 v13, v46  }
0x179: {  	v7 =	vmax.f32 v2, v1;
	v9 =	vmin.f32 v0, v5;
	v10 =	vmax.f32 v4, v3  }
0x17a: {  	v1 =	vmin.f32 v2, v1;
	v2 =	vmin.f32 v4, v3;
	v0 =	vmax.f32 v0, v5  }
0x17b: {  	v6 =	vmax.f32 v19, v6;
	v3 =	vmax.f32 v7, v10;
	v4 =	vmax.f32 v1, v2  }
0x17c: {  	v5 =	vmin.f32 v7, v10;
	v1 =	vmin.f32 v1, v2;
	v2 =	vmax.f32 v4, v8  }
0x17d: {  	v4 =	vmin.f32 v4, v8;
	v7 =	vmax.f32 v0, v5;
	v0 =	vmin.f32 v0, v5  }
0x17e: {  	v5 =	vmax.f32 v3, v2;
	v2 =	vmin.f32 v3, v2;
	v3 =	vmax.f32 v7, v4  }
0x17f: {  	v4 =	vmin.f32 v7, v4;
	v7 =	vmax.f32 v0, v1;
	v0 =	vmin.f32 v0, v1  }
0x180: {  	v13 =	vld [tilespmem:s19+$0x170];
	v1 =	vmax.f32 v18, v9;
	v0 =	vmax.f32 v17, v0;
	v7 =	vmax.f32 v15, v7  }
0x181: {  	v24 =	vld [tilespmem:s19+$0x270];
	v4 =	vmax.f32 v14, v4;
	v3 =	vmax.f32 v12, v3;
	v2 =	vmax.f32 v11, v2  }
0x182: {  	v29 =	vld [tilespmem:s19+$0x3F0];
	v5 =	vmax.f32 v56, v5;
	v10 =	vmin.f32 v1, v3;
	v11 =	vmin.f32 v0, v2  }
0x183: {  	v8 =	vld [tilespmem:s19+$0x70];
	v12 =	vmin.f32 v7, v5;
	v14 =	vmin.f32 v4, v6;
	v1 =	vmax.f32 v1, v3  }
0x184: {  	v9 =	vld [tilespmem:s19+$0xF0];
	v0 =	vmax.f32 v0, v2;
	v2 =	vmax.f32 v7, v5;
	v4 =	vmax.f32 v4, v6  }
0x185: {  	v3 =	vld [tilespmem:s19+$0x1F0];
	v16 =	vmin.f32 v10, v12;
	v21 =	vmin.f32 v11, v14;
	v6 =	vmax.f32 v1, v2  }
0x186: {  	v7 =	vld [tilespmem:s19+$0x370];
	v1 =	vmin.f32 v1, v2;
	v2 =	vmax.f32 v0, v4;
	v5 =	vmin.f32 v16, v21  }
0x187: {  	v0 =	vmin.f32 v0, v4;
	v4 =	vmax.f32 v10, v12;
	v10 =	vmax.f32 v11, v14;
	[tilespmem:$0x1FDD0] =	vst v5;
	v5 =	vld [tilespmem:s19+$0x2F0]  }
0x188: {  	v17 =	vmax.f32 v6, v2;
	v18 =	vmin.f32 v6, v2;
	v15 =	vmax.f32 v1, v0  }
0x189: {  	v19 =	vld [tilespmem:$0x1FF00];
	v12 =	vmin.f32 v1, v0;
	v14 =	vmax.f32 v4, v10;
	v0 =	vmin.f32 v4, v10  }
0x18a: {  	v56 =	vld [tilespmem:$0x1FEE0];
	[tilespmem:$0x1FDE0] =	vst v0;
	v0 =	vmax.f32 v16, v21;
	v1 =	vmax.f32 v8, v9;
	v2 =	vmin.f32 v8, v9  }
0x18b: {  	v11 =	vld [tilespmem:$0x1FF20];
	v37 =	vmax.f32 v13, v3;
	v21 =	vmin.f32 v13, v3;
	v46 =	vmax.f32 v7, v29  }
0x18c: {  	[tilespmem:$0x1FDC0] =	vst v26;
	v16 =	vld [tilespmem:$0x1FF10];
	v4 =	vmin.f32 v7, v29;
	v3 =	vmax.f32 v1, v37;
	v13 =	vmax.f32 v24, v5  }
0x18d: {  	s19 =	simm.s32 $0x1000;
	[tilespmem:$0x1FDF0] =	vst v0;
	v0 =	vmin.f32 v2, v21;
	v9 =	vmin.f32 v24, v5;
	v24 =	vld [tilespmem:$0x1FEF0];
	v29 =	vmax.f32 v13, v46  }
.LBB2_17:
0x18e: {  	p0 =	sne.s32 s19, $0x1F000;
	v1 =	vmin.f32 v1, v37;
	v2 =	vmax.f32 v2, v21;
	v5 =	vmin.f32 v9, v4  }
0x18f: {  	v6 =	vmin.f32 v13, v46;
	v4 =	vmax.f32 v9, v4;
	v7 =	vmax.f32 v3, v29  }
0x190: {  	v3 =	vmin.f32 v3, v29;
	v8 =	vmax.f32 v2, v1;
	v9 =	vmin.f32 v0, v5  }
0x191: {  	v1 =	vmin.f32 v2, v1;
	v2 =	vmax.f32 v4, v6;
	v4 =	vmin.f32 v4, v6  }
0x192: {  	v0 =	vmax.f32 v0, v5;
	v6 =	vmax.f32 v8, v2;
	v10 =	vmax.f32 v1, v4  }
0x193: {  	v2 =	vmin.f32 v8, v2;
	v1 =	vmin.f32 v1, v4;
	v4 =	vmax.f32 v10, v3  }
0x194: {  	v3 =	vmin.f32 v10, v3;
	v5 =	vmax.f32 v0, v2;
	v0 =	vmin.f32 v0, v2  }
0x195: {  	v2 =	vmax.f32 v6, v4;
	v4 =	vmin.f32 v6, v4;
	v6 =	vmax.f32 v5, v3  }
0x196: {  	v3 =	vmin.f32 v5, v3;
	v5 =	vmax.f32 v0, v1;
	v0 =	vmin.f32 v0, v1  }
0x197: {  	s20 =	sshra.s32 s19, $0x2;
	v7 =	vmax.f32 v32, v7;
	v1 =	vmax.f32 v56, v9;
	v0 =	vmax.f32 v49, v0  }
0x198: {  	v5 =	vmax.f32 v40, v5;
	v3 =	vmax.f32 v24, v3;
	v6 =	vmax.f32 v19, v6;
	v8 =	vld [tilespmem:s20+$0x70]  }
0x199: {  	v4 =	vmax.f32 v16, v4;
	v2 =	vmax.f32 v11, v2;
	v10 =	vmin.f32 v1, v6;
	v9 =	vld [tilespmem:s20+$0xF0]  }
0x19a: {  	v16 =	vmin.f32 v0, v4;
	v21 =	vmin.f32 v5, v2;
	v24 =	vmin.f32 v3, v7;
	v13 =	vld [tilespmem:s20+$0x170]  }
0x19b: {  	v1 =	vmax.f32 v1, v6;
	v6 =	vmin.f32 v10, v21;
	v37 =	vmin.f32 v16, v24;
	v29 =	vld [tilespmem:s20+$0x1F0]  }
0x19c: {  	v0 =	vmax.f32 v0, v4;
	v2 =	vmax.f32 v5, v2;
	v32 =	vmin.f32 v6, v37;
	v46 =	vld [tilespmem:s20+$0x270]  }
0x19d: {  	v3 =	vmax.f32 v3, v7;
	v5 =	vmax.f32 v1, v2;
	v1 =	vmin.f32 v1, v2;
	v4 =	vld [tilespmem:s20+$0x2F0]  }
0x19e: {  	v2 =	vmax.f32 v0, v3;
	v0 =	vmin.f32 v0, v3;
	v3 =	vmax.f32 v10, v21;
	v7 =	vld [tilespmem:s20+$0x370]  }
0x19f: {  	v16 =	vmax.f32 v16, v24;
	v56 =	vmax.f32 v5, v2;
	v49 =	vmin.f32 v5, v2;
	v10 =	vld [tilespmem:s20+$0x3F0]  }
0x1a0: {  	v40 =	vmax.f32 v1, v0;
	v24 =	vmin.f32 v1, v0;
	v19 =	vmax.f32 v3, v16  }
.Ltmp7:
0x1a1: {  	v16 =	vmin.f32 v3, v16;
	v11 =	vmax.f32 v6, v37;
	(pc) =	sbr.rel @p0 .LBB2_17-.Ltmp7, $4  }
0x1a2: {  	v1 =	vmax.f32 v8, v9;
	v2 =	vmin.f32 v8, v9  }
0x1a3: {  	v37 =	vmax.f32 v13, v29;
	v21 =	vmin.f32 v13, v29;
	v13 =	vmax.f32 v46, v4  }
0x1a4: {  	v9 =	vmin.f32 v46, v4;
	v46 =	vmax.f32 v7, v10;
	v4 =	vmin.f32 v7, v10  }
0x1a5: {  	s19 =	sadd.s32 $0x1000, s19;
	v3 =	vmax.f32 v1, v37;
	v0 =	vmin.f32 v2, v21;
	v29 =	vmax.f32 v13, v46  }
0x1a6: {  	v1 =	vmin.f32 v1, v37;
	s19 =	sshll.u32 s18, $0x1  }
0x1a7: {  	v2 =	vmax.f32 v2, v21;
	v5 =	vmin.f32 v9, v4;
	v6 =	vmin.f32 v13, v46;
	s20 =	smin.u32 s19, $0x1D  }
0x1a8: {  	v4 =	vmax.f32 v9, v4;
	v7 =	vmax.f32 v3, v29;
	v3 =	vmin.f32 v3, v29;
	s20 =	sshll.u32 s20, $0x12  }
0x1a9: {  	v8 =	vmax.f32 v2, v1;
	v9 =	vmin.f32 v0, v5;
	v10 =	vmax.f32 v4, v6;
	s20 =	sadd.s32 s20, s6  }
0x1aa: {  	v1 =	vmin.f32 v2, v1;
	v2 =	vmin.f32 v4, v6;
	v0 =	vmax.f32 v0, v5;
	s20 =	sshrl.u32 s20, $0x3  }
0x1ab: {  	s21 =	simm.s32 $0x0;
	v7 =	vmax.f32 v32, v7;
	v4 =	vmax.f32 v8, v10;
	v6 =	vmax.f32 v1, v2;
	s20 =	sadd.s32 s2, s20  }
0x1ac: {  	v5 =	vmin.f32 v8, v10;
	v1 =	vmin.f32 v1, v2;
	v2 =	vmax.f32 v6, v3;
	[tilespmem:s21], [sflag:$0x1] =	stream.strided.gather [hbm4b:s20+s10], $0x8000, s11, s10, $0x38;
	[tilespmem:$0x10400] =	vst v63  }
0x1ad: {  	v3 =	vmin.f32 v6, v3;
	v6 =	vmax.f32 v0, v5;
	v0 =	vmin.f32 v0, v5;
	_ =	swait.ge [sflag:s14], $0x8000  }
0x1ae: {  	v5 =	vmax.f32 v4, v2;
	v2 =	vmin.f32 v4, v2;
	v4 =	vmax.f32 v6, v3;
	[sflag:s14] =	ssyncset.done $0x0  }
0x1af: {  	v3 =	vmin.f32 v6, v3;
	v6 =	vmax.f32 v0, v1;
	v0 =	vmin.f32 v0, v1;
	s20 =	simm.s32 $0x0;
	[sflag:s14] =	ssyncadd.s32 $0xFFFF8000  }
0x1b0: {  	v1 =	vmax.f32 v56, v9;
	v0 =	vmax.f32 v49, v0;
	v6 =	vmax.f32 v40, v6;
	v26 =	vld [tilespmem:s20+$0x8000]  }
0x1b1: {  	v3 =	vmax.f32 v24, v3;
	v4 =	vmax.f32 v19, v4;
	v2 =	vmax.f32 v16, v2;
	v13 =	vld [tilespmem:s20+$0x8080]  }
0x1b2: {  	v5 =	vmax.f32 v11, v5;
	v8 =	vmin.f32 v1, v4;
	v9 =	vmin.f32 v0, v2;
	v11 =	vld [tilespmem:s20+$0x8100]  }
0x1b3: {  	v21 =	vmin.f32 v6, v5;
	v24 =	vmin.f32 v3, v7;
	v1 =	vmax.f32 v1, v4;
	v29 =	vld [tilespmem:s20+$0x8180]  }
0x1b4: {  	v0 =	vmax.f32 v0, v2;
	v49 =	vmin.f32 v8, v21;
	v56 =	vmin.f32 v9, v24;
	v16 =	vld [tilespmem:s20+$0x8200]  }
0x1b5: {  	v4 =	vmax.f32 v6, v5;
	v3 =	vmax.f32 v3, v7;
	v2 =	vmin.f32 v49, v56;
	v10 =	vld [tilespmem:s20+$0x8280]  }
0x1b6: {  	v5 =	vmax.f32 v1, v4;
	v1 =	vmin.f32 v1, v4;
	v4 =	vmax.f32 v0, v3;
	[tilespmem:$0x1FDB0] =	vst v2;
	v2 =	vld [tilespmem:s20+$0x8300]  }
0x1b7: {  	v0 =	vmin.f32 v0, v3;
	v3 =	vmax.f32 v8, v21;
	v9 =	vmax.f32 v9, v24;
	v24 =	vld [tilespmem:s20+$0x8380]  }
0x1b8: {  	v7 =	vmax.f32 v5, v4;
	v8 =	vmin.f32 v5, v4;
	v4 =	vmax.f32 v1, v0  }
0x1b9: {  	v5 =	vmin.f32 v1, v0;
	v6 =	vmax.f32 v3, v9;
	v1 =	vmin.f32 v3, v9  }
0x1ba: {  	v3 =	vmax.f32 v49, v56;
	v9 =	vmax.f32 v26, v13;
	v13 =	vmin.f32 v26, v13  }
0x1bb: {  	v46 =	vmax.f32 v11, v29;
	v0 =	vmin.f32 v11, v29;
	v21 =	vmax.f32 v16, v10  }
0x1bc: {  	v49 =	vld [tilespmem:$0x1FEC0];
	v29 =	vmin.f32 v16, v10;
	v16 =	vmax.f32 v2, v24;
	v10 =	vmin.f32 v2, v24  }
0x1bd: {  	s21 =	simm.s32 $0x1000;
	v26 =	vld [tilespmem:$0x1FEB0];
	v37 =	vmax.f32 v9, v46;
	v2 =	vmin.f32 v13, v0;
	v24 =	vmax.f32 v21, v16  }
.LBB2_19:
0x1be: {  	p0 =	sne.s32 s21, $0x1F000;
	v9 =	vmin.f32 v9, v46;
	v0 =	vmax.f32 v13, v0;
	v13 =	vmin.f32 v29, v10  }
0x1bf: {  	v16 =	vmin.f32 v21, v16;
	v10 =	vmax.f32 v29, v10;
	v21 =	vmax.f32 v37, v24  }
0x1c0: {  	v24 =	vmin.f32 v37, v24;
	v29 =	vmax.f32 v0, v9;
	v37 =	vmin.f32 v2, v13  }
0x1c1: {  	v0 =	vmin.f32 v0, v9;
	v9 =	vmax.f32 v10, v16;
	v10 =	vmin.f32 v10, v16  }
0x1c2: {  	v2 =	vmax.f32 v2, v13;
	v16 =	vmax.f32 v29, v9;
	v46 =	vmax.f32 v0, v10  }
0x1c3: {  	v9 =	vmin.f32 v29, v9;
	v0 =	vmin.f32 v0, v10;
	v10 =	vmax.f32 v46, v24  }
0x1c4: {  	v13 =	vmin.f32 v46, v24;
	v24 =	vmax.f32 v2, v9;
	v2 =	vmin.f32 v2, v9  }
0x1c5: {  	v9 =	vmax.f32 v16, v10;
	v10 =	vmin.f32 v16, v10;
	v16 =	vmax.f32 v24, v13  }
0x1c6: {  	v13 =	vmin.f32 v24, v13;
	v24 =	vmax.f32 v2, v0;
	v0 =	vmin.f32 v2, v0  }
0x1c7: {  	s22 =	sshra.s32 s21, $0x2;
	v21 =	vmax.f32 v26, v21;
	v2 =	vmax.f32 v62, v37;
	v0 =	vmax.f32 v63, v0  }
0x1c8: {  	v24 =	vmax.f32 v61, v24;
	v13 =	vmax.f32 v59, v13;
	v16 =	vmax.f32 v60, v16;
	v29 =	vld [tilespmem:s22+$0x8000]  }
0x1c9: {  	v10 =	vmax.f32 v57, v10;
	v9 =	vmax.f32 v49, v9;
	v46 =	vmin.f32 v2, v16;
	v37 =	vld [tilespmem:s22+$0x8080]  }
0x1ca: {  	v56 =	vmin.f32 v0, v10;
	v57 =	vmin.f32 v24, v9;
	v59 =	vmin.f32 v13, v21;
	v32 =	vld [tilespmem:s22+$0x8100]  }
0x1cb: {  	v2 =	vmax.f32 v2, v16;
	v16 =	vmin.f32 v46, v57;
	v49 =	vmin.f32 v56, v59;
	v40 =	vld [tilespmem:s22+$0x8180]  }
0x1cc: {  	v0 =	vmax.f32 v0, v10;
	v9 =	vmax.f32 v24, v9;
	v26 =	vmin.f32 v16, v49;
	v11 =	vld [tilespmem:s22+$0x8200]  }
0x1cd: {  	v13 =	vmax.f32 v13, v21;
	v21 =	vmax.f32 v2, v9;
	v2 =	vmin.f32 v2, v9;
	v10 =	vld [tilespmem:s22+$0x8280]  }
0x1ce: {  	v9 =	vmax.f32 v0, v13;
	v0 =	vmin.f32 v0, v13;
	v13 =	vmax.f32 v46, v57;
	v24 =	vld [tilespmem:s22+$0x8300]  }
0x1cf: {  	v46 =	vmax.f32 v56, v59;
	v62 =	vmax.f32 v21, v9;
	v63 =	vmin.f32 v21, v9;
	v19 =	vld [tilespmem:s22+$0x8380]  }
0x1d0: {  	v61 =	vmax.f32 v2, v0;
	v59 =	vmin.f32 v2, v0;
	v60 =	vmax.f32 v13, v46  }
.Ltmp8:
0x1d1: {  	v57 =	vmin.f32 v13, v46;
	v49 =	vmax.f32 v16, v49;
	(pc) =	sbr.rel @p0 .LBB2_19-.Ltmp8, $4  }
0x1d2: {  	v9 =	vmax.f32 v29, v37;
	v13 =	vmin.f32 v29, v37  }
0x1d3: {  	v46 =	vmax.f32 v32, v40;
	v0 =	vmin.f32 v32, v40;
	v21 =	vmax.f32 v11, v10  }
0x1d4: {  	v29 =	vmin.f32 v11, v10;
	v16 =	vmax.f32 v24, v19;
	v10 =	vmin.f32 v24, v19  }
0x1d5: {  	s21 =	sadd.s32 $0x1000, s21;
	v37 =	vmax.f32 v9, v46;
	v2 =	vmin.f32 v13, v0;
	v24 =	vmax.f32 v21, v16  }
0x1d6: {  	v9 =	vmin.f32 v9, v46  }
0x1d7: {  	v0 =	vmax.f32 v13, v0;
	v11 =	vmin.f32 v29, v10;
	v13 =	vmin.f32 v21, v16  }
0x1d8: {  	v10 =	vmax.f32 v29, v10;
	v16 =	vmax.f32 v37, v24;
	v21 =	vmin.f32 v37, v24  }
0x1d9: {  	v19 =	vmax.f32 v0, v9;
	v24 =	vmin.f32 v2, v11;
	v29 =	vmax.f32 v10, v13  }
0x1da: {  	v0 =	vmin.f32 v0, v9;
	v9 =	vmin.f32 v10, v13;
	v2 =	vmax.f32 v2, v11  }
0x1db: {  	v16 =	vmax.f32 v26, v16;
	v10 =	vmax.f32 v19, v29;
	v13 =	vmax.f32 v0, v9  }
0x1dc: {  	v11 =	vmin.f32 v19, v29;
	v0 =	vmin.f32 v0, v9;
	v9 =	vmax.f32 v13, v21  }
0x1dd: {  	v13 =	vmin.f32 v13, v21;
	v19 =	vmax.f32 v2, v11;
	v2 =	vmin.f32 v2, v11  }
0x1de: {  	v11 =	vmax.f32 v10, v9;
	v9 =	vmin.f32 v10, v9;
	v10 =	vmax.f32 v19, v13  }
0x1df: {  	v37 =	vld [tilespmem:s20+$0x8110];
	v13 =	vmin.f32 v19, v13;
	v19 =	vmax.f32 v2, v0;
	v0 =	vmin.f32 v2, v0  }
0x1e0: {  	v21 =	vld [tilespmem:s20+$0x8190];
	v2 =	vmax.f32 v62, v24;
	v0 =	vmax.f32 v63, v0;
	v19 =	vmax.f32 v61, v19  }
0x1e1: {  	v13 =	vmax.f32 v59, v13;
	v10 =	vmax.f32 v60, v10;
	v9 =	vmax.f32 v57, v9  }
0x1e2: {  	v26 =	vld [tilespmem:s20+$0x8010];
	v11 =	vmax.f32 v49, v11;
	v29 =	vmin.f32 v2, v10;
	v32 =	vmin.f32 v0, v9  }
0x1e3: {  	v24 =	vld [tilespmem:s20+$0x8090];
	v40 =	vmin.f32 v19, v11;
	v63 =	vmin.f32 v13, v16;
	v2 =	vmax.f32 v2, v10  }
0x1e4: {  	v0 =	vmax.f32 v0, v9;
	v10 =	vld [tilespmem:s20+$0x8210];
	v49 =	vmin.f32 v29, v40;
	v56 =	vmin.f32 v32, v63  }
0x1e5: {  	v9 =	vmax.f32 v19, v11;
	v19 =	vld [tilespmem:s20+$0x8310];
	v11 =	vmin.f32 v49, v56;
	v46 =	vmin.f32 v37, v21  }
0x1e6: {  	[tilespmem:$0x1FD90] =	vst v11;
	v11 =	vmax.f32 v13, v16;
	v16 =	vld [tilespmem:s20+$0x8290];
	v13 =	vmax.f32 v2, v9;
	v2 =	vmin.f32 v2, v9  }
0x1e7: {  	v9 =	vmax.f32 v0, v11;
	v0 =	vmin.f32 v0, v11;
	v11 =	vmax.f32 v29, v40;
	v40 =	vld [tilespmem:s20+$0x8390]  }
0x1e8: {  	v29 =	vmax.f32 v32, v63;
	v63 =	vmax.f32 v13, v9;
	v62 =	vmin.f32 v13, v9  }
0x1e9: {  	v61 =	vmax.f32 v2, v0;
	v60 =	vmin.f32 v2, v0;
	v0 =	vmin.f32 v11, v29  }
0x1ea: {  	v59 =	vmax.f32 v11, v29;
	v13 =	vmin.f32 v26, v24;
	[tilespmem:$0x1FFF0] =	vst v0;
	v0 =	vmax.f32 v49, v56  }
0x1eb: {  	v9 =	vmax.f32 v26, v24;
	v2 =	vmin.f32 v13, v46;
	[tilespmem:$0x1FDA0] =	vst v0;
	v0 =	vmax.f32 v37, v21  }
0x1ec: {  	v26 =	vld [tilespmem:$0x1FE90];
	v21 =	vmax.f32 v10, v16;
	v29 =	vmin.f32 v10, v16;
	v16 =	vmax.f32 v19, v40  }
0x1ed: {  	s20 =	simm.s32 $0x1000;
	v56 =	vld [tilespmem:$0x1FEA0];
	v37 =	vmax.f32 v9, v0;
	v10 =	vmin.f32 v19, v40;
	v24 =	vmax.f32 v21, v16  }
.LBB2_21:
0x1ee: {  	p0 =	sne.s32 s20, $0x1F000;
	v0 =	vmin.f32 v9, v0;
	v9 =	vmax.f32 v13, v46;
	v11 =	vmin.f32 v29, v10  }
0x1ef: {  	v13 =	vmin.f32 v21, v16;
	v10 =	vmax.f32 v29, v10;
	v16 =	vmax.f32 v37, v24  }
0x1f0: {  	v21 =	vmin.f32 v37, v24;
	v19 =	vmax.f32 v9, v0;
	v24 =	vmin.f32 v2, v11  }
0x1f1: {  	v0 =	vmin.f32 v9, v0;
	v9 =	vmax.f32 v10, v13;
	v10 =	vmin.f32 v10, v13  }
0x1f2: {  	v2 =	vmax.f32 v2, v11;
	v13 =	vmax.f32 v19, v9;
	v29 =	vmax.f32 v0, v10  }
0x1f3: {  	v9 =	vmin.f32 v19, v9;
	v0 =	vmin.f32 v0, v10;
	v10 =	vmax.f32 v29, v21  }
0x1f4: {  	v11 =	vmin.f32 v29, v21;
	v19 =	vmax.f32 v2, v9;
	v2 =	vmin.f32 v2, v9  }
0x1f5: {  	v9 =	vmax.f32 v13, v10;
	v10 =	vmin.f32 v13, v10;
	v13 =	vmax.f32 v19, v11  }
0x1f6: {  	v11 =	vmin.f32 v19, v11;
	v19 =	vmax.f32 v2, v0;
	v0 =	vmin.f32 v2, v0  }
0x1f7: {  	s21 =	sshra.s32 s20, $0x2;
	v16 =	vmax.f32 v26, v16;
	v2 =	vmax.f32 v58, v24;
	v0 =	vmax.f32 v55, v0  }
0x1f8: {  	v19 =	vmax.f32 v54, v19;
	v11 =	vmax.f32 v52, v11;
	v13 =	vmax.f32 v53, v13;
	v21 =	vld [tilespmem:s21+$0x8010]  }
0x1f9: {  	v10 =	vmax.f32 v51, v10;
	v9 =	vmax.f32 v56, v9;
	v29 =	vmin.f32 v2, v13;
	v24 =	vld [tilespmem:s21+$0x8090]  }
0x1fa: {  	v37 =	vmin.f32 v0, v10;
	v40 =	vmin.f32 v19, v9;
	v46 =	vmin.f32 v11, v16;
	v32 =	vld [tilespmem:s21+$0x8110]  }
0x1fb: {  	v2 =	vmax.f32 v2, v13;
	v13 =	vmin.f32 v29, v40;
	v56 =	vmin.f32 v37, v46;
	v49 =	vld [tilespmem:s21+$0x8190]  }
0x1fc: {  	v0 =	vmax.f32 v0, v10;
	v9 =	vmax.f32 v19, v9;
	v26 =	vmin.f32 v13, v56;
	v57 =	vld [tilespmem:s21+$0x8210]  }
0x1fd: {  	v11 =	vmax.f32 v11, v16;
	v16 =	vmax.f32 v2, v9;
	v2 =	vmin.f32 v2, v9;
	v10 =	vld [tilespmem:s21+$0x8290]  }
0x1fe: {  	v9 =	vmax.f32 v0, v11;
	v0 =	vmin.f32 v0, v11;
	v11 =	vmax.f32 v29, v40;
	v19 =	vld [tilespmem:s21+$0x8310]  }
0x1ff: {  	v29 =	vmax.f32 v37, v46;
	v58 =	vmax.f32 v16, v9;
	v55 =	vmin.f32 v16, v9;
	v40 =	vld [tilespmem:s21+$0x8390]  }
0x200: {  	v54 =	vmax.f32 v2, v0;
	v52 =	vmin.f32 v2, v0;
	v53 =	vmax.f32 v11, v29  }
.Ltmp9:
0x201: {  	v51 =	vmin.f32 v11, v29;
	v56 =	vmax.f32 v13, v56;
	(pc) =	sbr.rel @p0 .LBB2_21-.Ltmp9, $4  }
0x202: {  	v9 =	vmax.f32 v21, v24;
	v13 =	vmin.f32 v21, v24  }
0x203: {  	v0 =	vmax.f32 v32, v49;
	v46 =	vmin.f32 v32, v49;
	v21 =	vmax.f32 v57, v10  }
0x204: {  	v29 =	vmin.f32 v57, v10;
	v16 =	vmax.f32 v19, v40;
	v10 =	vmin.f32 v19, v40  }
0x205: {  	s20 =	sadd.s32 $0x1000, s20;
	v37 =	vmax.f32 v9, v0;
	v2 =	vmin.f32 v13, v46;
	v24 =	vmax.f32 v21, v16  }
0x206: {  	v0 =	vmin.f32 v9, v0  }
0x207: {  	v9 =	vmax.f32 v13, v46;
	v11 =	vmin.f32 v29, v10;
	v13 =	vmin.f32 v21, v16  }
0x208: {  	v10 =	vmax.f32 v29, v10;
	v16 =	vmax.f32 v37, v24;
	v21 =	vmin.f32 v37, v24  }
0x209: {  	v19 =	vmax.f32 v9, v0;
	v24 =	vmin.f32 v2, v11;
	v29 =	vmax.f32 v10, v13  }
0x20a: {  	v0 =	vmin.f32 v9, v0;
	v9 =	vmin.f32 v10, v13;
	v2 =	vmax.f32 v2, v11  }
0x20b: {  	v16 =	vmax.f32 v26, v16;
	v10 =	vmax.f32 v19, v29;
	v13 =	vmax.f32 v0, v9  }
0x20c: {  	v11 =	vmin.f32 v19, v29;
	v0 =	vmin.f32 v0, v9;
	v9 =	vmax.f32 v13, v21  }
0x20d: {  	v13 =	vmin.f32 v13, v21;
	v19 =	vmax.f32 v2, v11;
	v2 =	vmin.f32 v2, v11  }
0x20e: {  	v11 =	vmax.f32 v10, v9;
	v9 =	vmin.f32 v10, v9;
	v10 =	vmax.f32 v19, v13  }
0x20f: {  	s20 =	simm.s32 $0x0;
	v13 =	vmin.f32 v19, v13;
	v19 =	vmax.f32 v2, v0;
	v0 =	vmin.f32 v2, v0  }
0x210: {  	v37 =	vld [tilespmem:s20+$0x8120];
	v2 =	vmax.f32 v58, v24;
	v0 =	vmax.f32 v55, v0;
	v19 =	vmax.f32 v54, v19  }
0x211: {  	v57 =	vld [tilespmem:s20+$0x8220];
	v13 =	vmax.f32 v52, v13;
	v10 =	vmax.f32 v53, v10;
	v9 =	vmax.f32 v51, v9  }
0x212: {  	v21 =	vld [tilespmem:s20+$0x8020];
	v11 =	vmax.f32 v56, v11;
	v29 =	vmin.f32 v2, v10;
	v32 =	vmin.f32 v0, v9  }
0x213: {  	v24 =	vld [tilespmem:s20+$0x80A0];
	v40 =	vmin.f32 v19, v11;
	v53 =	vmin.f32 v13, v16;
	v2 =	vmax.f32 v2, v10  }
0x214: {  	v10 =	vld [tilespmem:s20+$0x81A0];
	v0 =	vmax.f32 v0, v9;
	v49 =	vmin.f32 v29, v40;
	v56 =	vmin.f32 v32, v53  }
0x215: {  	v9 =	vmax.f32 v19, v11;
	v19 =	vld [tilespmem:s20+$0x8320];
	v11 =	vmin.f32 v49, v56;
	v49 =	vmax.f32 v49, v56  }
0x216: {  	[tilespmem:$0x1FFE0] =	vst v11;
	v11 =	vmax.f32 v13, v16;
	v16 =	vld [tilespmem:s20+$0x82A0];
	v13 =	vmax.f32 v2, v9;
	v2 =	vmin.f32 v2, v9  }
0x217: {  	v9 =	vmax.f32 v0, v11;
	v0 =	vmin.f32 v0, v11;
	v11 =	vmax.f32 v29, v40;
	v40 =	vld [tilespmem:s20+$0x83A0]  }
0x218: {  	v29 =	vmax.f32 v32, v53;
	v58 =	vmax.f32 v13, v9;
	v55 =	vmin.f32 v13, v9  }
0x219: {  	v54 =	vmax.f32 v2, v0;
	v53 =	vmin.f32 v2, v0;
	v52 =	vmax.f32 v11, v29  }
0x21a: {  	v51 =	vmin.f32 v11, v29;
	v9 =	vmax.f32 v21, v24;
	v0 =	vmax.f32 v37, v10  }
0x21b: {  	v13 =	vmin.f32 v21, v24;
	v46 =	vmin.f32 v37, v10;
	v37 =	vmax.f32 v9, v0  }
0x21c: {  	v26 =	vld [tilespmem:$0x1FE70];
	v21 =	vmax.f32 v57, v16;
	v29 =	vmin.f32 v57, v16;
	v16 =	vmax.f32 v19, v40  }
0x21d: {  	s21 =	simm.s32 $0x1000;
	v56 =	vld [tilespmem:$0x1FE80];
	v2 =	vmin.f32 v13, v46;
	v10 =	vmin.f32 v19, v40;
	v24 =	vmax.f32 v21, v16  }
.LBB2_23:
0x21e: {  	p0 =	sne.s32 s21, $0x1F000;
	v0 =	vmin.f32 v9, v0;
	v9 =	vmax.f32 v13, v46;
	v11 =	vmin.f32 v29, v10  }
0x21f: {  	v13 =	vmin.f32 v21, v16;
	v10 =	vmax.f32 v29, v10;
	v16 =	vmax.f32 v37, v24  }
0x220: {  	v21 =	vmin.f32 v37, v24;
	v19 =	vmax.f32 v9, v0;
	v24 =	vmin.f32 v2, v11  }
0x221: {  	v0 =	vmin.f32 v9, v0;
	v9 =	vmax.f32 v10, v13;
	v10 =	vmin.f32 v10, v13  }
0x222: {  	v2 =	vmax.f32 v2, v11;
	v13 =	vmax.f32 v19, v9;
	v29 =	vmax.f32 v0, v10  }
0x223: {  	v9 =	vmin.f32 v19, v9;
	v0 =	vmin.f32 v0, v10;
	v10 =	vmax.f32 v29, v21  }
0x224: {  	v11 =	vmin.f32 v29, v21;
	v19 =	vmax.f32 v2, v9;
	v2 =	vmin.f32 v2, v9  }
0x225: {  	v9 =	vmax.f32 v13, v10;
	v10 =	vmin.f32 v13, v10;
	v13 =	vmax.f32 v19, v11  }
0x226: {  	v11 =	vmin.f32 v19, v11;
	v19 =	vmax.f32 v2, v0;
	v0 =	vmin.f32 v2, v0  }
0x227: {  	s22 =	sshra.s32 s21, $0x2;
	v16 =	vmax.f32 v26, v16;
	v2 =	vmax.f32 v48, v24;
	v0 =	vmax.f32 v50, v0  }
0x228: {  	v19 =	vmax.f32 v47, v19;
	v11 =	vmax.f32 v44, v11;
	v13 =	vmax.f32 v45, v13;
	v21 =	vld [tilespmem:s22+$0x8020]  }
0x229: {  	v10 =	vmax.f32 v42, v10;
	v9 =	vmax.f32 v56, v9;
	v29 =	vmin.f32 v2, v13;
	v24 =	vld [tilespmem:s22+$0x80A0]  }
0x22a: {  	v37 =	vmin.f32 v0, v10;
	v40 =	vmin.f32 v19, v9;
	v42 =	vmin.f32 v11, v16;
	v32 =	vld [tilespmem:s22+$0x8120]  }
0x22b: {  	v2 =	vmax.f32 v2, v13;
	v13 =	vmin.f32 v29, v40;
	v56 =	vmin.f32 v37, v42;
	v46 =	vld [tilespmem:s22+$0x81A0]  }
0x22c: {  	v0 =	vmax.f32 v0, v10;
	v9 =	vmax.f32 v19, v9;
	v26 =	vmin.f32 v13, v56;
	v57 =	vld [tilespmem:s22+$0x8220]  }
0x22d: {  	v11 =	vmax.f32 v11, v16;
	v16 =	vmax.f32 v2, v9;
	v2 =	vmin.f32 v2, v9;
	v10 =	vld [tilespmem:s22+$0x82A0]  }
0x22e: {  	v9 =	vmax.f32 v0, v11;
	v0 =	vmin.f32 v0, v11;
	v11 =	vmax.f32 v29, v40;
	v19 =	vld [tilespmem:s22+$0x8320]  }
0x22f: {  	v29 =	vmax.f32 v37, v42;
	v48 =	vmax.f32 v16, v9;
	v50 =	vmin.f32 v16, v9;
	v40 =	vld [tilespmem:s22+$0x83A0]  }
0x230: {  	v47 =	vmax.f32 v2, v0;
	v44 =	vmin.f32 v2, v0;
	v45 =	vmax.f32 v11, v29  }
.Ltmp10:
0x231: {  	v42 =	vmin.f32 v11, v29;
	v56 =	vmax.f32 v13, v56;
	(pc) =	sbr.rel @p0 .LBB2_23-.Ltmp10, $4  }
0x232: {  	v9 =	vmax.f32 v21, v24;
	v13 =	vmin.f32 v21, v24  }
0x233: {  	v0 =	vmax.f32 v32, v46;
	v46 =	vmin.f32 v32, v46;
	v21 =	vmax.f32 v57, v10  }
0x234: {  	v29 =	vmin.f32 v57, v10;
	v16 =	vmax.f32 v19, v40;
	v10 =	vmin.f32 v19, v40  }
0x235: {  	s21 =	sadd.s32 $0x1000, s21;
	v37 =	vmax.f32 v9, v0;
	v2 =	vmin.f32 v13, v46;
	v24 =	vmax.f32 v21, v16  }
0x236: {  	v0 =	vmin.f32 v9, v0;
	v9 =	vmax.f32 v13, v46;
	v11 =	vmin.f32 v29, v10  }
0x237: {  	v13 =	vmin.f32 v21, v16;
	v10 =	vmax.f32 v29, v10;
	v16 =	vmax.f32 v37, v24  }
0x238: {  	v21 =	vmin.f32 v37, v24;
	v19 =	vmax.f32 v9, v0;
	v24 =	vmin.f32 v2, v11  }
0x239: {  	v29 =	vmax.f32 v10, v13;
	v0 =	vmin.f32 v9, v0;
	v9 =	vmin.f32 v10, v13  }
0x23a: {  	v2 =	vmax.f32 v2, v11;
	v10 =	vmax.f32 v19, v29;
	v13 =	vmax.f32 v0, v9  }
0x23b: {  	v11 =	vmin.f32 v19, v29;
	v0 =	vmin.f32 v0, v9;
	v9 =	vmax.f32 v13, v21  }
0x23c: {  	v13 =	vmin.f32 v13, v21;
	v19 =	vmax.f32 v2, v11;
	v2 =	vmin.f32 v2, v11  }
0x23d: {  	v11 =	vmax.f32 v10, v9;
	v9 =	vmin.f32 v10, v9;
	v10 =	vmax.f32 v19, v13  }
0x23e: {  	v13 =	vmin.f32 v19, v13;
	v19 =	vmax.f32 v2, v0;
	v0 =	vmin.f32 v2, v0  }
0x23f: {  	v16 =	vmax.f32 v26, v16;
	v2 =	vmax.f32 v48, v24;
	v0 =	vmax.f32 v50, v0  }
0x240: {  	v37 =	vld [tilespmem:s20+$0x8130];
	v19 =	vmax.f32 v47, v19;
	v13 =	vmax.f32 v44, v13;
	v10 =	vmax.f32 v45, v10  }
0x241: {  	v57 =	vld [tilespmem:s20+$0x8230];
	v9 =	vmax.f32 v42, v9;
	v11 =	vmax.f32 v56, v11;
	v29 =	vmin.f32 v2, v10  }
0x242: {  	v21 =	vld [tilespmem:s20+$0x8030];
	v32 =	vmin.f32 v0, v9;
	v40 =	vmin.f32 v19, v11;
	v50 =	vmin.f32 v13, v16  }
0x243: {  	v24 =	vld [tilespmem:s20+$0x80B0];
	v2 =	vmax.f32 v2, v10;
	v46 =	vmin.f32 v29, v40;
	v56 =	vmin.f32 v32, v50  }
0x244: {  	v10 =	vld [tilespmem:s20+$0x81B0];
	v0 =	vmax.f32 v0, v9;
	v9 =	vmax.f32 v19, v11;
	v11 =	vmin.f32 v46, v56  }
0x245: {  	v19 =	vld [tilespmem:s20+$0x8330];
	[tilespmem:$0x1FFD0] =	vst v11;
	v11 =	vmax.f32 v13, v16  }
0x246: {  	v16 =	vld [tilespmem:s20+$0x82B0];
	v13 =	vmax.f32 v2, v9;
	v2 =	vmin.f32 v2, v9;
	v9 =	vmax.f32 v0, v11  }
0x247: {  	v0 =	vmin.f32 v0, v11;
	v11 =	vmax.f32 v29, v40;
	v29 =	vmax.f32 v32, v50;
	v32 =	vld [tilespmem:s20+$0x83B0]  }
0x248: {  	v40 =	vmax.f32 v46, v56;
	v50 =	vmax.f32 v13, v9;
	v48 =	vmin.f32 v13, v9  }
0x249: {  	v47 =	vmax.f32 v2, v0;
	v45 =	vmin.f32 v2, v0;
	v44 =	vmax.f32 v11, v29  }
0x24a: {  	v42 =	vmin.f32 v11, v29;
	v9 =	vmax.f32 v21, v24;
	v0 =	vmax.f32 v37, v10  }
0x24b: {  	v13 =	vmin.f32 v21, v24;
	v46 =	vmin.f32 v37, v10;
	v29 =	vmax.f32 v9, v0  }
0x24c: {  	v26 =	vld [tilespmem:$0x1FE50];
	v21 =	vmax.f32 v57, v16;
	v37 =	vmin.f32 v57, v16;
	v16 =	vmax.f32 v19, v32  }
0x24d: {  	s20 =	simm.s32 $0x1000;
	v56 =	vld [tilespmem:$0x1FE60];
	v2 =	vmin.f32 v13, v46;
	v10 =	vmin.f32 v19, v32;
	v24 =	vmax.f32 v21, v16  }
.LBB2_25:
0x24e: {  	p0 =	sne.s32 s20, $0x1F000;
	v0 =	vmin.f32 v9, v0;
	v9 =	vmax.f32 v13, v46;
	v11 =	vmin.f32 v37, v10  }
0x24f: {  	v13 =	vmin.f32 v21, v16;
	v10 =	vmax.f32 v37, v10;
	v16 =	vmax.f32 v29, v24  }
0x250: {  	v21 =	vmin.f32 v29, v24;
	v19 =	vmax.f32 v9, v0;
	v24 =	vmin.f32 v2, v11  }
0x251: {  	v0 =	vmin.f32 v9, v0;
	v9 =	vmax.f32 v10, v13;
	v10 =	vmin.f32 v10, v13  }
0x252: {  	v2 =	vmax.f32 v2, v11;
	v13 =	vmax.f32 v19, v9;
	v29 =	vmax.f32 v0, v10  }
0x253: {  	v9 =	vmin.f32 v19, v9;
	v0 =	vmin.f32 v0, v10;
	v10 =	vmax.f32 v29, v21  }
0x254: {  	v11 =	vmin.f32 v29, v21;
	v19 =	vmax.f32 v2, v9;
	v2 =	vmin.f32 v2, v9  }
0x255: {  	v9 =	vmax.f32 v13, v10;
	v10 =	vmin.f32 v13, v10;
	v13 =	vmax.f32 v19, v11  }
0x256: {  	v11 =	vmin.f32 v19, v11;
	v19 =	vmax.f32 v2, v0;
	v0 =	vmin.f32 v2, v0  }
0x257: {  	s21 =	sshra.s32 s20, $0x2;
	v16 =	vmax.f32 v26, v16;
	v2 =	vmax.f32 v43, v24;
	v0 =	vmax.f32 v41, v0  }
0x258: {  	v19 =	vmax.f32 v39, v19;
	v11 =	vmax.f32 v36, v11;
	v13 =	vmax.f32 v38, v13;
	v21 =	vld [tilespmem:s21+$0x8030]  }
0x259: {  	v10 =	vmax.f32 v35, v10;
	v9 =	vmax.f32 v56, v9;
	v29 =	vmin.f32 v2, v13;
	v24 =	vld [tilespmem:s21+$0x80B0]  }
0x25a: {  	v35 =	vmin.f32 v0, v10;
	v36 =	vmin.f32 v19, v9;
	v37 =	vmin.f32 v11, v16;
	v32 =	vld [tilespmem:s21+$0x8130]  }
0x25b: {  	v2 =	vmax.f32 v2, v13;
	v13 =	vmin.f32 v29, v36;
	v56 =	vmin.f32 v35, v37;
	v46 =	vld [tilespmem:s21+$0x81B0]  }
0x25c: {  	v0 =	vmax.f32 v0, v10;
	v9 =	vmax.f32 v19, v9;
	v26 =	vmin.f32 v13, v56;
	v57 =	vld [tilespmem:s21+$0x8230]  }
0x25d: {  	v11 =	vmax.f32 v11, v16;
	v16 =	vmax.f32 v2, v9;
	v2 =	vmin.f32 v2, v9;
	v10 =	vld [tilespmem:s21+$0x82B0]  }
0x25e: {  	v9 =	vmax.f32 v0, v11;
	v0 =	vmin.f32 v0, v11;
	v11 =	vmax.f32 v29, v36;
	v19 =	vld [tilespmem:s21+$0x8330]  }
0x25f: {  	v35 =	vmax.f32 v35, v37;
	v43 =	vmax.f32 v16, v9;
	v41 =	vmin.f32 v16, v9;
	v29 =	vld [tilespmem:s21+$0x83B0]  }
0x260: {  	v39 =	vmax.f32 v2, v0;
	v36 =	vmin.f32 v2, v0;
	v38 =	vmax.f32 v11, v35  }
.Ltmp11:
0x261: {  	v35 =	vmin.f32 v11, v35;
	v56 =	vmax.f32 v13, v56;
	(pc) =	sbr.rel @p0 .LBB2_25-.Ltmp11, $4  }
0x262: {  	v9 =	vmax.f32 v21, v24;
	v13 =	vmin.f32 v21, v24  }
0x263: {  	v0 =	vmax.f32 v32, v46;
	v46 =	vmin.f32 v32, v46;
	v21 =	vmax.f32 v57, v10  }
0x264: {  	v37 =	vmin.f32 v57, v10;
	v16 =	vmax.f32 v19, v29;
	v10 =	vmin.f32 v19, v29  }
0x265: {  	s20 =	sadd.s32 $0x1000, s20;
	v2 =	vmin.f32 v13, v46;
	v29 =	vmax.f32 v9, v0;
	v24 =	vmax.f32 v21, v16  }
0x266: {  	v0 =	vmin.f32 v9, v0  }
0x267: {  	v9 =	vmax.f32 v13, v46;
	v11 =	vmin.f32 v37, v10;
	v13 =	vmin.f32 v21, v16  }
0x268: {  	v10 =	vmax.f32 v37, v10;
	v16 =	vmax.f32 v29, v24;
	v21 =	vmin.f32 v29, v24  }
0x269: {  	v19 =	vmax.f32 v9, v0;
	v24 =	vmin.f32 v2, v11;
	v29 =	vmax.f32 v10, v13  }
0x26a: {  	v0 =	vmin.f32 v9, v0;
	v9 =	vmin.f32 v10, v13;
	v2 =	vmax.f32 v2, v11  }
0x26b: {  	v16 =	vmax.f32 v26, v16;
	v10 =	vmax.f32 v19, v29;
	v13 =	vmax.f32 v0, v9  }
0x26c: {  	v11 =	vmin.f32 v19, v29;
	v0 =	vmin.f32 v0, v9;
	v9 =	vmax.f32 v13, v21  }
0x26d: {  	v13 =	vmin.f32 v13, v21;
	v19 =	vmax.f32 v2, v11;
	v2 =	vmin.f32 v2, v11  }
0x26e: {  	v11 =	vmax.f32 v10, v9;
	v9 =	vmin.f32 v10, v9;
	v10 =	vmax.f32 v19, v13  }
0x26f: {  	s20 =	simm.s32 $0x0;
	v13 =	vmin.f32 v19, v13;
	v19 =	vmax.f32 v2, v0;
	v0 =	vmin.f32 v2, v0  }
0x270: {  	v26 =	vld [tilespmem:s20+$0x8040];
	v2 =	vmax.f32 v43, v24;
	v0 =	vmax.f32 v41, v0;
	v19 =	vmax.f32 v39, v19  }
0x271: {  	v37 =	vld [tilespmem:s20+$0x8140];
	v13 =	vmax.f32 v36, v13;
	v10 =	vmax.f32 v38, v10;
	v9 =	vmax.f32 v35, v9  }
0x272: {  	v57 =	vld [tilespmem:s20+$0x8240];
	v11 =	vmax.f32 v56, v11;
	v29 =	vmin.f32 v2, v10;
	v32 =	vmin.f32 v0, v9  }
0x273: {  	v21 =	vld [tilespmem:s20+$0x81C0];
	v43 =	vmin.f32 v19, v11;
	v36 =	vmin.f32 v13, v16;
	v2 =	vmax.f32 v2, v10  }
0x274: {  	v24 =	vld [tilespmem:s20+$0x80C0];
	v0 =	vmax.f32 v0, v9;
	v9 =	vmax.f32 v19, v11;
	v11 =	vmax.f32 v13, v16  }
0x275: {  	v16 =	vld [tilespmem:s20+$0x82C0];
	v46 =	vmin.f32 v29, v43;
	v56 =	vmin.f32 v32, v36;
	v13 =	vmax.f32 v2, v9  }
0x276: {  	v19 =	vld [tilespmem:s20+$0x8340];
	v2 =	vmin.f32 v2, v9;
	v9 =	vmax.f32 v0, v11;
	v10 =	vmin.f32 v46, v56  }
0x277: {  	v0 =	vmin.f32 v0, v11;
	v11 =	vmax.f32 v29, v43;
	v29 =	vmax.f32 v32, v36;
	[tilespmem:$0x1FFC0] =	vst v10;
	v10 =	vld [tilespmem:s20+$0x83C0]  }
0x278: {  	v43 =	vmax.f32 v13, v9;
	v41 =	vmin.f32 v13, v9;
	v39 =	vmax.f32 v2, v0  }
0x279: {  	v38 =	vmin.f32 v2, v0;
	v36 =	vmax.f32 v11, v29;
	v0 =	vmin.f32 v11, v29  }
0x27a: {  	[tilespmem:$0x1FD70] =	vst v0;
	v0 =	vmax.f32 v46, v56;
	v13 =	vmin.f32 v26, v24;
	v46 =	vmin.f32 v37, v21  }
0x27b: {  	v35 =	vld [tilespmem:$0x1FE30];
	v9 =	vmax.f32 v26, v24;
	[tilespmem:$0x1FD80] =	vst v0;
	v0 =	vmax.f32 v37, v21;
	v2 =	vmin.f32 v13, v46  }
0x27c: {  	v32 =	vld [tilespmem:$0x1FDC0];
	v21 =	vmax.f32 v57, v16;
	v29 =	vmin.f32 v57, v16;
	v16 =	vmax.f32 v19, v10  }
0x27d: {  	s21 =	simm.s32 $0x1000;
	v26 =	vld [tilespmem:$0x1FE40];
	v37 =	vmax.f32 v9, v0;
	v10 =	vmin.f32 v19, v10;
	v24 =	vmax.f32 v21, v16  }
.LBB2_27:
0x27e: {  	p0 =	sne.s32 s21, $0x1F000;
	v0 =	vmin.f32 v9, v0;
	v9 =	vmax.f32 v13, v46;
	v11 =	vmin.f32 v29, v10  }
0x27f: {  	v13 =	vmin.f32 v21, v16;
	v10 =	vmax.f32 v29, v10;
	v16 =	vmax.f32 v37, v24  }
0x280: {  	v21 =	vmin.f32 v37, v24;
	v19 =	vmax.f32 v9, v0;
	v24 =	vmin.f32 v2, v11  }
0x281: {  	v0 =	vmin.f32 v9, v0;
	v9 =	vmax.f32 v10, v13;
	v10 =	vmin.f32 v10, v13  }
0x282: {  	v2 =	vmax.f32 v2, v11;
	v13 =	vmax.f32 v19, v9;
	v29 =	vmax.f32 v0, v10  }
0x283: {  	v9 =	vmin.f32 v19, v9;
	v0 =	vmin.f32 v0, v10;
	v10 =	vmax.f32 v29, v21  }
0x284: {  	v11 =	vmin.f32 v29, v21;
	v19 =	vmax.f32 v2, v9;
	v2 =	vmin.f32 v2, v9  }
0x285: {  	v9 =	vmax.f32 v13, v10;
	v10 =	vmin.f32 v13, v10;
	v13 =	vmax.f32 v19, v11  }
0x286: {  	v11 =	vmin.f32 v19, v11;
	v19 =	vmax.f32 v2, v0;
	v0 =	vmin.f32 v2, v0  }
0x287: {  	s22 =	sshra.s32 s21, $0x2;
	v16 =	vmax.f32 v32, v16;
	v2 =	vmax.f32 v33, v24;
	v0 =	vmax.f32 v34, v0  }
0x288: {  	v19 =	vmax.f32 v31, v19;
	v11 =	vmax.f32 v28, v11;
	v13 =	vmax.f32 v30, v13;
	v21 =	vld [tilespmem:s22+$0x8040]  }
0x289: {  	v10 =	vmax.f32 v35, v10;
	v9 =	vmax.f32 v26, v9;
	v26 =	vmin.f32 v2, v13;
	v24 =	vld [tilespmem:s22+$0x80C0]  }
0x28a: {  	v28 =	vmin.f32 v0, v10;
	v30 =	vmin.f32 v19, v9;
	v31 =	vmin.f32 v11, v16;
	v29 =	vld [tilespmem:s22+$0x8140]  }
0x28b: {  	v2 =	vmax.f32 v2, v13;
	v13 =	vmin.f32 v26, v30;
	v46 =	vmin.f32 v28, v31;
	v37 =	vld [tilespmem:s22+$0x81C0]  }
0x28c: {  	v0 =	vmax.f32 v0, v10;
	v9 =	vmax.f32 v19, v9;
	v32 =	vmin.f32 v13, v46;
	v56 =	vld [tilespmem:s22+$0x8240]  }
0x28d: {  	v11 =	vmax.f32 v11, v16;
	v16 =	vmax.f32 v2, v9;
	v2 =	vmin.f32 v2, v9;
	v10 =	vld [tilespmem:s22+$0x82C0]  }
0x28e: {  	v9 =	vmax.f32 v0, v11;
	v0 =	vmin.f32 v0, v11;
	v11 =	vmax.f32 v26, v30;
	v19 =	vld [tilespmem:s22+$0x8340]  }
0x28f: {  	v26 =	vmax.f32 v28, v31;
	v33 =	vmax.f32 v16, v9;
	v34 =	vmin.f32 v16, v9;
	v57 =	vld [tilespmem:s22+$0x83C0]  }
0x290: {  	v31 =	vmax.f32 v2, v0;
	v28 =	vmin.f32 v2, v0;
	v30 =	vmax.f32 v11, v26  }
.Ltmp12:
0x291: {  	v35 =	vmin.f32 v11, v26;
	v26 =	vmax.f32 v13, v46;
	(pc) =	sbr.rel @p0 .LBB2_27-.Ltmp12, $4  }
0x292: {  	v9 =	vmax.f32 v21, v24;
	v13 =	vmin.f32 v21, v24  }
0x293: {  	v0 =	vmax.f32 v29, v37;
	v46 =	vmin.f32 v29, v37;
	v21 =	vmax.f32 v56, v10  }
0x294: {  	v29 =	vmin.f32 v56, v10;
	v16 =	vmax.f32 v19, v57;
	v10 =	vmin.f32 v19, v57  }
0x295: {  	s21 =	sadd.s32 $0x1000, s21;
	v37 =	vmax.f32 v9, v0;
	v2 =	vmin.f32 v13, v46;
	v24 =	vmax.f32 v21, v16  }
0x296: {  	v0 =	vmin.f32 v9, v0;
	v9 =	vmax.f32 v13, v46;
	v11 =	vmin.f32 v29, v10  }
0x297: {  	v13 =	vmin.f32 v21, v16;
	v10 =	vmax.f32 v29, v10;
	v16 =	vmax.f32 v37, v24  }
0x298: {  	v21 =	vmin.f32 v37, v24;
	v19 =	vmax.f32 v9, v0;
	v24 =	vmin.f32 v2, v11  }
0x299: {  	v29 =	vmax.f32 v10, v13;
	v0 =	vmin.f32 v9, v0;
	v9 =	vmin.f32 v10, v13  }
0x29a: {  	v2 =	vmax.f32 v2, v11;
	v10 =	vmax.f32 v19, v29;
	v13 =	vmax.f32 v0, v9  }
0x29b: {  	v11 =	vmin.f32 v19, v29;
	v0 =	vmin.f32 v0, v9;
	v9 =	vmax.f32 v13, v21  }
0x29c: {  	v13 =	vmin.f32 v13, v21;
	v19 =	vmax.f32 v2, v11;
	v2 =	vmin.f32 v2, v11  }
0x29d: {  	v11 =	vmax.f32 v10, v9;
	v9 =	vmin.f32 v10, v9;
	v10 =	vmax.f32 v19, v13  }
0x29e: {  	v13 =	vmin.f32 v19, v13;
	v19 =	vmax.f32 v2, v0;
	v0 =	vmin.f32 v2, v0  }
0x29f: {  	v16 =	vmax.f32 v32, v16;
	v2 =	vmax.f32 v33, v24;
	v0 =	vmax.f32 v34, v0  }
0x2a0: {  	v56 =	vld [tilespmem:s20+$0x8250];
	v19 =	vmax.f32 v31, v19;
	v13 =	vmax.f32 v28, v13;
	v10 =	vmax.f32 v30, v10  }
0x2a1: {  	v57 =	vld [tilespmem:s20+$0x83D0];
	v9 =	vmax.f32 v35, v9;
	v11 =	vmax.f32 v26, v11;
	v26 =	vmin.f32 v2, v10  }
0x2a2: {  	v29 =	vld [tilespmem:s20+$0x8150];
	v28 =	vmin.f32 v0, v9;
	v30 =	vmin.f32 v19, v11;
	v31 =	vmin.f32 v13, v16  }
0x2a3: {  	v21 =	vld [tilespmem:s20+$0x8050];
	v37 =	vmin.f32 v26, v30;
	v46 =	vmin.f32 v28, v31  }
0x2a4: {  	v24 =	vld [tilespmem:s20+$0x80D0];
	v0 =	vmax.f32 v0, v9;
	v9 =	vmax.f32 v19, v11;
	v11 =	vmin.f32 v37, v46  }
0x2a5: {  	v2 =	vmax.f32 v2, v10;
	v10 =	vld [tilespmem:s20+$0x81D0];
	[tilespmem:$0x1FF90] =	vst v11;
	v11 =	vmax.f32 v13, v16  }
0x2a6: {  	v19 =	vld [tilespmem:s20+$0x8350];
	v13 =	vmax.f32 v2, v9;
	v2 =	vmin.f32 v2, v9;
	v9 =	vmax.f32 v0, v11  }
0x2a7: {  	v16 =	vld [tilespmem:s20+$0x82D0];
	v0 =	vmin.f32 v0, v11;
	v11 =	vmax.f32 v26, v30;
	v26 =	vmax.f32 v28, v31  }
0x2a8: {  	v34 =	vmax.f32 v13, v9;
	v33 =	vmin.f32 v13, v9;
	v31 =	vmax.f32 v2, v0  }
0x2a9: {  	v30 =	vmin.f32 v2, v0;
	v28 =	vmax.f32 v11, v26;
	v0 =	vmin.f32 v11, v26  }
0x2aa: {  	v9 =	vmax.f32 v21, v24;
	v13 =	vmin.f32 v21, v24;
	[tilespmem:$0x1FFB0] =	vst v0;
	v0 =	vmax.f32 v37, v46  }
0x2ab: {  	v32 =	vld [tilespmem:$0x1FE00];
	v46 =	vmin.f32 v29, v10;
	[tilespmem:$0x1FFA0] =	vst v0;
	v0 =	vmax.f32 v29, v10;
	v10 =	vmin.f32 v19, v57  }
0x2ac: {  	v35 =	vld [tilespmem:$0x1FE10];
	v21 =	vmax.f32 v56, v16;
	v29 =	vmin.f32 v56, v16;
	v16 =	vmax.f32 v19, v57  }
0x2ad: {  	s20 =	simm.s32 $0x1000;
	v26 =	vld [tilespmem:$0x1FE20];
	v2 =	vmin.f32 v13, v46;
	v37 =	vmax.f32 v9, v0;
	v24 =	vmax.f32 v21, v16  }
.LBB2_29:
0x2ae: {  	p0 =	sne.s32 s20, $0x1F000;
	v0 =	vmin.f32 v9, v0;
	v9 =	vmax.f32 v13, v46;
	v11 =	vmin.f32 v29, v10  }
0x2af: {  	v13 =	vmin.f32 v21, v16;
	v10 =	vmax.f32 v29, v10;
	v16 =	vmax.f32 v37, v24  }
0x2b0: {  	v21 =	vmin.f32 v37, v24;
	v19 =	vmax.f32 v9, v0;
	v24 =	vmin.f32 v2, v11  }
0x2b1: {  	v0 =	vmin.f32 v9, v0;
	v9 =	vmax.f32 v10, v13;
	v10 =	vmin.f32 v10, v13  }
0x2b2: {  	v2 =	vmax.f32 v2, v11;
	v13 =	vmax.f32 v19, v9;
	v29 =	vmax.f32 v0, v10  }
0x2b3: {  	v9 =	vmin.f32 v19, v9;
	v0 =	vmin.f32 v0, v10;
	v10 =	vmax.f32 v29, v21  }
0x2b4: {  	v11 =	vmin.f32 v29, v21;
	v19 =	vmax.f32 v2, v9;
	v2 =	vmin.f32 v2, v9  }
0x2b5: {  	v9 =	vmax.f32 v13, v10;
	v10 =	vmin.f32 v13, v10;
	v13 =	vmax.f32 v19, v11  }
0x2b6: {  	v11 =	vmin.f32 v19, v11;
	v19 =	vmax.f32 v2, v0;
	v0 =	vmin.f32 v2, v0  }
0x2b7: {  	s21 =	sshra.s32 s20, $0x2;
	v16 =	vmax.f32 v32, v16;
	v2 =	vmax.f32 v27, v24;
	v0 =	vmax.f32 v25, v0  }
0x2b8: {  	v19 =	vmax.f32 v23, v19;
	v11 =	vmax.f32 v20, v11;
	v13 =	vmax.f32 v22, v13;
	v21 =	vld [tilespmem:s21+$0x8050]  }
0x2b9: {  	v10 =	vmax.f32 v35, v10;
	v9 =	vmax.f32 v26, v9;
	v20 =	vmin.f32 v2, v13;
	v24 =	vld [tilespmem:s21+$0x80D0]  }
0x2ba: {  	v22 =	vmin.f32 v0, v10;
	v23 =	vmin.f32 v19, v9;
	v25 =	vmin.f32 v11, v16;
	v29 =	vld [tilespmem:s21+$0x8150]  }
0x2bb: {  	v2 =	vmax.f32 v2, v13;
	v13 =	vmin.f32 v20, v23;
	v46 =	vmin.f32 v22, v25;
	v37 =	vld [tilespmem:s21+$0x81D0]  }
0x2bc: {  	v0 =	vmax.f32 v0, v10;
	v9 =	vmax.f32 v19, v9;
	v32 =	vmin.f32 v13, v46;
	v56 =	vld [tilespmem:s21+$0x8250]  }
0x2bd: {  	v11 =	vmax.f32 v11, v16;
	v16 =	vmax.f32 v2, v9;
	v2 =	vmin.f32 v2, v9;
	v10 =	vld [tilespmem:s21+$0x82D0]  }
0x2be: {  	v9 =	vmax.f32 v0, v11;
	v0 =	vmin.f32 v0, v11;
	v11 =	vmax.f32 v20, v23;
	v19 =	vld [tilespmem:s21+$0x8350]  }
0x2bf: {  	v26 =	vmax.f32 v22, v25;
	v27 =	vmax.f32 v16, v9;
	v25 =	vmin.f32 v16, v9;
	v57 =	vld [tilespmem:s21+$0x83D0]  }
0x2c0: {  	v23 =	vmax.f32 v2, v0;
	v20 =	vmin.f32 v2, v0;
	v22 =	vmax.f32 v11, v26  }
.Ltmp13:
0x2c1: {  	v35 =	vmin.f32 v11, v26;
	v26 =	vmax.f32 v13, v46;
	(pc) =	sbr.rel @p0 .LBB2_29-.Ltmp13, $4  }
0x2c2: {  	v9 =	vmax.f32 v21, v24;
	v13 =	vmin.f32 v21, v24  }
0x2c3: {  	v0 =	vmax.f32 v29, v37;
	v46 =	vmin.f32 v29, v37;
	v21 =	vmax.f32 v56, v10  }
0x2c4: {  	v29 =	vmin.f32 v56, v10;
	v16 =	vmax.f32 v19, v57;
	v10 =	vmin.f32 v19, v57  }
0x2c5: {  	s20 =	sadd.s32 $0x1000, s20;
	v37 =	vmax.f32 v9, v0;
	v2 =	vmin.f32 v13, v46;
	v24 =	vmax.f32 v21, v16  }
0x2c6: {  	v0 =	vmin.f32 v9, v0;
	v9 =	vmax.f32 v13, v46;
	v11 =	vmin.f32 v29, v10  }
0x2c7: {  	v13 =	vmin.f32 v21, v16;
	v10 =	vmax.f32 v29, v10;
	v16 =	vmax.f32 v37, v24  }
0x2c8: {  	v21 =	vmin.f32 v37, v24;
	v19 =	vmax.f32 v9, v0;
	v24 =	vmin.f32 v2, v11  }
0x2c9: {  	v29 =	vmovc v26;
	v26 =	vmax.f32 v10, v13;
	v0 =	vmin.f32 v9, v0;
	v9 =	vmin.f32 v10, v13  }
0x2ca: {  	v2 =	vmax.f32 v2, v11;
	v10 =	vmax.f32 v19, v26;
	v13 =	vmax.f32 v0, v9  }
0x2cb: {  	v11 =	vmin.f32 v19, v26;
	v0 =	vmin.f32 v0, v9;
	v9 =	vmax.f32 v13, v21  }
0x2cc: {  	v13 =	vmin.f32 v13, v21;
	v19 =	vmax.f32 v2, v11;
	v2 =	vmin.f32 v2, v11  }
0x2cd: {  	v11 =	vmax.f32 v10, v9;
	v9 =	vmin.f32 v10, v9;
	v10 =	vmax.f32 v19, v13  }
0x2ce: {  	v13 =	vmin.f32 v19, v13;
	v19 =	vmax.f32 v2, v0;
	v0 =	vmin.f32 v2, v0  }
0x2cf: {  	s20 =	simm.s32 $0x0;
	v16 =	vmax.f32 v32, v16;
	v2 =	vmax.f32 v27, v24;
	v0 =	vmax.f32 v25, v0  }
0x2d0: {  	v32 =	vld [tilespmem:s20+$0x8160];
	v19 =	vmax.f32 v23, v19;
	v13 =	vmax.f32 v20, v13;
	v10 =	vmax.f32 v22, v10  }
0x2d1: {  	v56 =	vld [tilespmem:s20+$0x8260];
	v9 =	vmax.f32 v35, v9;
	v11 =	vmax.f32 v29, v11;
	v20 =	vmin.f32 v2, v10  }
0x2d2: {  	v57 =	vld [tilespmem:s20+$0x8360];
	v22 =	vmin.f32 v0, v9;
	v23 =	vmin.f32 v19, v11;
	v25 =	vmin.f32 v13, v16  }
0x2d3: {  	v21 =	vld [tilespmem:s20+$0x8060];
	v2 =	vmax.f32 v2, v10;
	v29 =	vmin.f32 v20, v23;
	v35 =	vmin.f32 v22, v25  }
0x2d4: {  	v24 =	vld [tilespmem:s20+$0x80E0];
	v0 =	vmax.f32 v0, v9;
	v9 =	vmax.f32 v19, v11;
	v11 =	vmin.f32 v29, v35  }
0x2d5: {  	v10 =	vld [tilespmem:s20+$0x81E0];
	v19 =	vmax.f32 v22, v25;
	[tilespmem:$0x1FF60] =	vst v11;
	v11 =	vmax.f32 v13, v16;
	v13 =	vmax.f32 v2, v9  }
0x2d6: {  	v26 =	vld [tilespmem:s20+$0x83E0];
	v2 =	vmin.f32 v2, v9;
	v9 =	vmax.f32 v0, v11;
	v0 =	vmin.f32 v0, v11  }
0x2d7: {  	v16 =	vld [tilespmem:s20+$0x82E0];
	v27 =	vmax.f32 v13, v9;
	v25 =	vmin.f32 v13, v9;
	v9 =	vmax.f32 v2, v0  }
0x2d8: {  	v11 =	vmax.f32 v20, v23;
	v0 =	vmin.f32 v2, v0;
	[tilespmem:$0x1FD40] =	vst v9  }
0x2d9: {  	v22 =	vld [tilespmem:$0x1FDF0];
	v13 =	vmax.f32 v21, v24;
	[tilespmem:$0x1FD50] =	vst v0;
	v0 =	vmax.f32 v11, v19  }
0x2da: {  	v20 =	vld [tilespmem:$0x1FDD0];
	v46 =	vmin.f32 v32, v10;
	v9 =	vmin.f32 v21, v24;
	[tilespmem:$0x1FD60] =	vst v0;
	v0 =	vmin.f32 v11, v19  }
0x2db: {  	v23 =	vld [tilespmem:$0x1FDE0];
	v24 =	vmax.f32 v57, v26;
	v2 =	vmin.f32 v9, v46;
	[tilespmem:$0x1FF80] =	vst v0;
	v0 =	vmax.f32 v29, v35  }
0x2dc: {  	v21 =	vmax.f32 v56, v16;
	v29 =	vmin.f32 v56, v16;
	v35 =	vld [tilespmem:$0x1FD70];
	[tilespmem:$0x1FF70] =	vst v0;
	v0 =	vmax.f32 v32, v10  }
0x2dd: {  	s21 =	simm.s32 $0x1000;
	v10 =	vmin.f32 v57, v26;
	v16 =	vmax.f32 v21, v24;
	v32 =	vld [tilespmem:$0x1FD80];
	v37 =	vmax.f32 v13, v0  }
.LBB2_31:
0x2de: {  	p0 =	sne.s32 s21, $0x1F000;
	v0 =	vmin.f32 v13, v0;
	v9 =	vmax.f32 v9, v46;
	v11 =	vmin.f32 v29, v10  }
0x2df: {  	v13 =	vmin.f32 v21, v24;
	v10 =	vmax.f32 v29, v10;
	v21 =	vmax.f32 v37, v16  }
0x2e0: {  	v16 =	vmin.f32 v37, v16;
	v24 =	vmax.f32 v9, v0;
	v26 =	vmin.f32 v2, v11  }
0x2e1: {  	v0 =	vmin.f32 v9, v0;
	v9 =	vmax.f32 v10, v13;
	v10 =	vmin.f32 v10, v13  }
0x2e2: {  	v2 =	vmax.f32 v2, v11;
	v13 =	vmax.f32 v24, v9;
	v29 =	vmax.f32 v0, v10  }
0x2e3: {  	v9 =	vmin.f32 v24, v9;
	v0 =	vmin.f32 v0, v10;
	v10 =	vmax.f32 v29, v16  }
0x2e4: {  	v11 =	vmin.f32 v29, v16;
	v16 =	vmax.f32 v2, v9;
	v2 =	vmin.f32 v2, v9  }
0x2e5: {  	v9 =	vmax.f32 v13, v10;
	v10 =	vmin.f32 v13, v10;
	v13 =	vmax.f32 v16, v11  }
0x2e6: {  	v11 =	vmin.f32 v16, v11;
	v16 =	vmax.f32 v2, v0;
	v0 =	vmin.f32 v2, v0  }
0x2e7: {  	s22 =	sshra.s32 s21, $0x2;
	v2 =	vmax.f32 v17, v26;
	v17 =	vmax.f32 v20, v21;
	v0 =	vmax.f32 v18, v0  }
0x2e8: {  	v15 =	vmax.f32 v15, v16;
	v11 =	vmax.f32 v12, v11;
	v12 =	vmax.f32 v14, v13;
	v21 =	vld [tilespmem:s22+$0x8060]  }
0x2e9: {  	v10 =	vmax.f32 v23, v10;
	v9 =	vmax.f32 v22, v9;
	v13 =	vmin.f32 v2, v12;
	v16 =	vld [tilespmem:s22+$0x80E0]  }
0x2ea: {  	v14 =	vmin.f32 v0, v10;
	v18 =	vmin.f32 v15, v9;
	v26 =	vmin.f32 v11, v17;
	v24 =	vld [tilespmem:s22+$0x8160]  }
0x2eb: {  	v2 =	vmax.f32 v2, v12;
	v37 =	vmin.f32 v13, v18;
	v46 =	vmin.f32 v14, v26;
	v29 =	vld [tilespmem:s22+$0x81E0]  }
0x2ec: {  	v0 =	vmax.f32 v0, v10;
	v9 =	vmax.f32 v15, v9;
	v20 =	vmin.f32 v37, v46;
	v56 =	vld [tilespmem:s22+$0x8260]  }
0x2ed: {  	v11 =	vmax.f32 v11, v17;
	v12 =	vmax.f32 v2, v9;
	v2 =	vmin.f32 v2, v9;
	v10 =	vld [tilespmem:s22+$0x82E0]  }
0x2ee: {  	v9 =	vmax.f32 v0, v11;
	v0 =	vmin.f32 v0, v11;
	v11 =	vmax.f32 v13, v18;
	v57 =	vld [tilespmem:s22+$0x8360]  }
0x2ef: {  	v13 =	vmax.f32 v14, v26;
	v17 =	vmax.f32 v12, v9;
	v18 =	vmin.f32 v12, v9;
	v19 =	vld [tilespmem:s22+$0x83E0]  }
0x2f0: {  	v15 =	vmax.f32 v2, v0;
	v12 =	vmin.f32 v2, v0;
	v14 =	vmax.f32 v11, v13  }
.Ltmp14:
0x2f1: {  	v23 =	vmin.f32 v11, v13;
	v22 =	vmax.f32 v37, v46;
	(pc) =	sbr.rel @p0 .LBB2_31-.Ltmp14, $4  }
0x2f2: {  	v13 =	vmax.f32 v21, v16;
	v9 =	vmin.f32 v21, v16  }
0x2f3: {  	v0 =	vmax.f32 v24, v29;
	v46 =	vmin.f32 v24, v29;
	v21 =	vmax.f32 v56, v10  }
0x2f4: {  	v29 =	vmin.f32 v56, v10;
	v24 =	vmax.f32 v57, v19;
	v10 =	vmin.f32 v57, v19  }
0x2f5: {  	s21 =	sadd.s32 $0x1000, s21;
	v37 =	vmax.f32 v13, v0;
	v2 =	vmin.f32 v9, v46;
	v16 =	vmax.f32 v21, v24  }
0x2f6: {  	v0 =	vmin.f32 v13, v0;
	v9 =	vmax.f32 v9, v46;
	v11 =	vmin.f32 v29, v10  }
0x2f7: {  	v13 =	vmin.f32 v21, v24;
	v10 =	vmax.f32 v29, v10;
	v19 =	vmax.f32 v37, v16  }
0x2f8: {  	v16 =	vmin.f32 v37, v16;
	v21 =	vmax.f32 v9, v0;
	v24 =	vmin.f32 v2, v11  }
0x2f9: {  	v26 =	vmax.f32 v10, v13;
	v0 =	vmin.f32 v9, v0;
	v9 =	vmin.f32 v10, v13  }
0x2fa: {  	v2 =	vmax.f32 v2, v11;
	v10 =	vmax.f32 v21, v26;
	v13 =	vmax.f32 v0, v9  }
0x2fb: {  	v11 =	vmin.f32 v21, v26;
	v0 =	vmin.f32 v0, v9;
	v9 =	vmax.f32 v13, v16  }
0x2fc: {  	v13 =	vmin.f32 v13, v16;
	v16 =	vmax.f32 v2, v11;
	v2 =	vmin.f32 v2, v11  }
0x2fd: {  	v11 =	vmax.f32 v10, v9;
	v9 =	vmin.f32 v10, v9;
	v10 =	vmax.f32 v16, v13  }
0x2fe: {  	v13 =	vmin.f32 v16, v13;
	v16 =	vmax.f32 v2, v0;
	v0 =	vmin.f32 v2, v0  }
0x2ff: {  	v2 =	vmax.f32 v17, v24;
	v17 =	vmax.f32 v20, v19;
	v0 =	vmax.f32 v18, v0  }
0x300: {  	v46 =	vld [tilespmem:s20+$0x8070];
	v15 =	vmax.f32 v15, v16;
	v12 =	vmax.f32 v12, v13;
	v10 =	vmax.f32 v14, v10  }
0x301: {  	v37 =	vld [tilespmem:s20+$0x8270];
	v9 =	vmax.f32 v23, v9;
	v11 =	vmax.f32 v22, v11;
	v14 =	vmin.f32 v2, v10  }
0x302: {  	v57 =	vld [tilespmem:s20+$0x8370];
	v18 =	vmin.f32 v0, v9;
	v21 =	vmin.f32 v15, v11;
	v24 =	vmin.f32 v12, v17  }
0x303: {  	v16 =	vld [tilespmem:s20+$0x83F0];
	v26 =	vmin.f32 v14, v21;
	v29 =	vmin.f32 v18, v24  }
0x304: {  	v19 =	vld [tilespmem:s20+$0x8170];
	v0 =	vmax.f32 v0, v9;
	v9 =	vmax.f32 v15, v11;
	v11 =	vmin.f32 v26, v29  }
0x305: {  	v13 =	vld [tilespmem:s20+$0x80F0];
	v2 =	vmax.f32 v2, v10;
	[tilespmem:$0x1FF40] =	vst v11;
	v11 =	vmax.f32 v12, v17  }
0x306: {  	v10 =	vld [tilespmem:s20+$0x81F0];
	v12 =	vmax.f32 v2, v9;
	v2 =	vmin.f32 v2, v9;
	v9 =	vmax.f32 v0, v11  }
0x307: {  	v56 =	vld [tilespmem:s20+$0x82F0];
	v0 =	vmin.f32 v0, v11;
	v11 =	vmax.f32 v14, v21;
	v21 =	vmax.f32 v18, v24  }
0x308: {  	v24 =	vmax.f32 v57, v16;
	v16 =	vmin.f32 v57, v16;
	v18 =	vmax.f32 v12, v9  }
0x309: {  	v17 =	vmin.f32 v12, v9;
	v15 =	vmax.f32 v2, v0;
	v14 =	vmin.f32 v2, v0  }
0x30a: {  	v12 =	vmax.f32 v11, v21;
	v11 =	vmin.f32 v11, v21;
	v0 =	vmax.f32 v26, v29  }
0x30b: {  	v9 =	vmax.f32 v46, v13;
	v13 =	vmin.f32 v46, v13;
	v46 =	vmin.f32 v19, v10  }
0x30c: {  	v21 =	vmax.f32 v37, v56;
	v29 =	vmin.f32 v37, v56;
	[tilespmem:$0x1FF50] =	vst v0;
	v0 =	vmax.f32 v19, v10  }
0x30d: {  	v20 =	vld [tilespmem:$0x1FDB0];
	s20 =	simm.s32 $0x1000;
	v2 =	vmin.f32 v13, v46;
	v10 =	vmax.f32 v21, v24;
	v37 =	vmax.f32 v9, v0  }
.LBB2_33:
0x30e: {  	p0 =	sne.s32 s20, $0x1F000;
	v0 =	vmin.f32 v9, v0;
	v9 =	vmax.f32 v13, v46;
	v13 =	vmin.f32 v29, v16  }
0x30f: {  	v19 =	vmin.f32 v21, v24;
	v16 =	vmax.f32 v29, v16;
	v21 =	vmax.f32 v37, v10  }
0x310: {  	v10 =	vmin.f32 v37, v10;
	v24 =	vmax.f32 v9, v0;
	v26 =	vmin.f32 v2, v13  }
0x311: {  	v0 =	vmin.f32 v9, v0;
	v9 =	vmax.f32 v16, v19;
	v16 =	vmin.f32 v16, v19  }
0x312: {  	v2 =	vmax.f32 v2, v13;
	v19 =	vmax.f32 v24, v9;
	v29 =	vmax.f32 v0, v16  }
0x313: {  	v9 =	vmin.f32 v24, v9;
	v0 =	vmin.f32 v0, v16;
	v13 =	vmax.f32 v29, v10  }
0x314: {  	v10 =	vmin.f32 v29, v10;
	v16 =	vmax.f32 v2, v9;
	v2 =	vmin.f32 v2, v9  }
0x315: {  	v9 =	vmax.f32 v19, v13;
	v13 =	vmin.f32 v19, v13;
	v19 =	vmax.f32 v16, v10  }
0x316: {  	v10 =	vmin.f32 v16, v10;
	v16 =	vmax.f32 v2, v0;
	v0 =	vmin.f32 v2, v0  }
0x317: {  	s21 =	sshra.s32 s20, $0x2;
	v2 =	vmax.f32 v7, v26;
	v7 =	vmax.f32 v20, v21;
	v0 =	vmax.f32 v8, v0  }
0x318: {  	v4 =	vmax.f32 v4, v16;
	v5 =	vmax.f32 v5, v10;
	v6 =	vmax.f32 v6, v19;
	v21 =	vld [tilespmem:s21+$0x8070]  }
0x319: {  	v1 =	vmax.f32 v1, v13;
	v3 =	vmax.f32 v3, v9;
	v8 =	vmin.f32 v2, v6;
	v10 =	vld [tilespmem:s21+$0x80F0]  }
0x31a: {  	v9 =	vmin.f32 v0, v1;
	v13 =	vmin.f32 v4, v3;
	v19 =	vmin.f32 v5, v7;
	v16 =	vld [tilespmem:s21+$0x8170]  }
0x31b: {  	v2 =	vmax.f32 v2, v6;
	v26 =	vmin.f32 v8, v13;
	v29 =	vmin.f32 v9, v19;
	v24 =	vld [tilespmem:s21+$0x81F0]  }
0x31c: {  	v0 =	vmax.f32 v0, v1;
	v1 =	vmax.f32 v4, v3;
	v20 =	vmin.f32 v26, v29;
	v37 =	vld [tilespmem:s21+$0x8270]  }
0x31d: {  	v3 =	vmax.f32 v5, v7;
	v4 =	vmax.f32 v2, v1;
	v1 =	vmin.f32 v2, v1;
	v56 =	vld [tilespmem:s21+$0x82F0]  }
0x31e: {  	v5 =	vmax.f32 v0, v3;
	v0 =	vmin.f32 v0, v3;
	v3 =	vmax.f32 v8, v13;
	v2 =	vld [tilespmem:s21+$0x8370]  }
0x31f: {  	v9 =	vmax.f32 v9, v19;
	v7 =	vmax.f32 v4, v5;
	v8 =	vmin.f32 v4, v5;
	v57 =	vld [tilespmem:s21+$0x83F0]  }
0x320: {  	v4 =	vmax.f32 v1, v0;
	v5 =	vmin.f32 v1, v0;
	v6 =	vmax.f32 v3, v9  }
.Ltmp15:
0x321: {  	v1 =	vmin.f32 v3, v9;
	v3 =	vmax.f32 v26, v29;
	(pc) =	sbr.rel @p0 .LBB2_33-.Ltmp15, $4  }
0x322: {  	v9 =	vmax.f32 v21, v10;
	v13 =	vmin.f32 v21, v10  }
0x323: {  	v0 =	vmax.f32 v16, v24;
	v46 =	vmin.f32 v16, v24;
	v21 =	vmax.f32 v37, v56  }
0x324: {  	v29 =	vmin.f32 v37, v56;
	v24 =	vmax.f32 v2, v57;
	v16 =	vmin.f32 v2, v57  }
0x325: {  	s20 =	sadd.s32 $0x1000, s20;
	v37 =	vmax.f32 v9, v0;
	v2 =	vmin.f32 v13, v46;
	v10 =	vmax.f32 v21, v24  }
0x326: {  	v0 =	vmin.f32 v9, v0;
	v9 =	vmax.f32 v13, v46  }
0x327: {  	v13 =	vmin.f32 v29, v16;
	v19 =	vmin.f32 v21, v24;
	v16 =	vmax.f32 v29, v16  }
0x328: {  	v21 =	vmax.f32 v37, v10;
	v10 =	vmin.f32 v37, v10;
	v24 =	vmax.f32 v9, v0  }
0x329: {  	v0 =	vmin.f32 v9, v0;
	v9 =	vmax.f32 v16, v19;
	v16 =	vmin.f32 v16, v19  }
0x32a: {  	v19 =	vmin.f32 v2, v13;
	v2 =	vmax.f32 v2, v13;
	v26 =	vmax.f32 v24, v9  }
0x32b: {  	v29 =	vmax.f32 v0, v16;
	v9 =	vmin.f32 v24, v9;
	v0 =	vmin.f32 v0, v16  }
0x32c: {  	v13 =	vmax.f32 v29, v10;
	v10 =	vmin.f32 v29, v10;
	v16 =	vmax.f32 v2, v9  }
0x32d: {  	v2 =	vmin.f32 v2, v9;
	v9 =	vmax.f32 v26, v13;
	v13 =	vmin.f32 v26, v13  }
0x32e: {  	v24 =	vmax.f32 v16, v10;
	v10 =	vmin.f32 v16, v10;
	v16 =	vmin.f32 v2, v0  }
0x32f: {  	v0 =	vmax.f32 v2, v0;
	v2 =	vmax.f32 v7, v19;
	v7 =	vmax.f32 v8, v16  }
0x330: {  	v8 =	vmax.f32 v20, v21;
	v0 =	vmax.f32 v4, v0;
	v4 =	vmax.f32 v5, v10  }
0x331: {  	v5 =	vmax.f32 v6, v24;
	v1 =	vmax.f32 v1, v13;
	v3 =	vmax.f32 v3, v9  }
0x332: {  	v6 =	vmin.f32 v2, v5;
	v9 =	vmin.f32 v7, v1;
	v10 =	vmin.f32 v0, v3  }
0x333: {  	s19 =	smin.u32 s19, $0x1C;
	s18 =	sadd.s32 $0x1, s18;
	v13 =	vmin.f32 v4, v8;
	v2 =	vmax.f32 v2, v5;
	v1 =	vmax.f32 v7, v1  }
0x334: {  	s19 =	sshll.u32 s19, $0x12;
	p0 =	sne.s32 s18, $0x10;
	v0 =	vmax.f32 v0, v3;
	v3 =	vmax.f32 v4, v8;
	v5 =	vmin.f32 v6, v10  }
.Ltmp16:
0x335: {  	v57 =	vld [tilespmem:$0x1FD90];
	s19 =	sadd.s32 s19, s7;
	v16 =	vmin.f32 v9, v13;
	v4 =	vmax.f32 v2, v0;
	v0 =	vmin.f32 v2, v0;
	(pc) =	sbr.rel @p0 .LBB2_2-.Ltmp16, $4  }
0x336: {  	v56 =	vld [tilespmem:$0x1FDA0];
	s19 =	sshrl.u32 s19, $0x3;
	v2 =	vmax.f32 v1, v3;
	v1 =	vmin.f32 v1, v3;
	v3 =	vmax.f32 v6, v10  }
0x337: {  	v22 =	vld [tilespmem:$0x1FD50];
	s19 =	sadd.s32 s2, s19;
	v6 =	vmax.f32 v9, v13;
	v21 =	vmin.f32 v5, v16;
	v8 =	vmax.f32 v4, v2  }
0x338: {  	v23 =	vld [tilespmem:$0x1FD40];
	[tilespmem:s12], [sflag:$0x2] =	stream.strided.gather [hbm4b:s19+s10], $0x8000, s11, s10, $0x38;
	v19 =	vmin.f32 v4, v2;
	v2 =	vmax.f32 v0, v1;
	v7 =	vmin.f32 v0, v1  }
0x339: {  	v20 =	vld [tilespmem:$0x1FD60];
	v4 =	vmax.f32 v3, v6;
	v0 =	vmax.f32 v5, v16;
	[tilespmem:$0x1FF30] =	vst v2;
	v2 =	vmin.f32 v3, v6  }
0x33a: {  	_ =	swait.ge [sflag:s13], $0x8000  }
0x33b: {  	[sflag:s13] =	ssyncset.done $0x0  }
0x33c: {  	[sflag:s13] =	ssyncadd.s32 $0xFFFF8000  }
0x33d: {  	_ =	swait.ge [sflag:s14], $0x8000  }
0x33e: {  	[sflag:s14] =	ssyncset.done $0x0  }
0x33f: {  	[sflag:s14] =	ssyncadd.s32 $0xFFFF8000  }
0x340: {  	[tilespmem:$0x10000] =	vst v63  }
0x341: {  	[tilespmem:$0x10080] =	vst v62  }
0x342: {  	[tilespmem:$0x10100] =	vst v61  }
0x343: {  	[tilespmem:$0x10180] =	vst v60  }
0x344: {  	[tilespmem:$0x10200] =	vst v59  }
0x345: {  	[tilespmem:$0x10300] =	vst v56  }
0x346: {  	[tilespmem:$0x10380] =	vst v57  }
0x347: {  	[tilespmem:$0x10010] =	vst v58  }
0x348: {  	[tilespmem:$0x10090] =	vst v55  }
0x349: {  	[tilespmem:$0x10110] =	vst v54  }
0x34a: {  	[tilespmem:$0x10190] =	vst v53  }
0x34b: {  	[tilespmem:$0x10210] =	vst v52  }
0x34c: {  	[tilespmem:$0x10290] =	vst v51  }
0x34d: {  	[tilespmem:$0x10310] =	vst v49  }
0x34e: {  	[tilespmem:$0x10020] =	vst v50  }
0x34f: {  	[tilespmem:$0x100A0] =	vst v48  }
0x350: {  	[tilespmem:$0x10120] =	vst v47  }
0x351: {  	[tilespmem:$0x101A0] =	vst v45  }
0x352: {  	[tilespmem:$0x10220] =	vst v44  }
0x353: {  	[tilespmem:$0x102A0] =	vst v42  }
0x354: {  	[tilespmem:$0x10320] =	vst v40  }
0x355: {  	[tilespmem:$0x10030] =	vst v43  }
0x356: {  	[tilespmem:$0x100B0] =	vst v41  }
0x357: {  	[tilespmem:$0x10130] =	vst v39  }
0x358: {  	[tilespmem:$0x101B0] =	vst v38  }
0x359: {  	[tilespmem:$0x10230] =	vst v36  }
0x35a: {  	[tilespmem:$0x102B0] =	vst v35  }
0x35b: {  	[tilespmem:$0x10330] =	vst v32  }
0x35c: {  	[tilespmem:$0x10040] =	vst v34  }
0x35d: {  	[tilespmem:$0x100C0] =	vst v33  }
0x35e: {  	[tilespmem:$0x10140] =	vst v31  }
0x35f: {  	[tilespmem:$0x101C0] =	vst v30  }
0x360: {  	[tilespmem:$0x10240] =	vst v28  }
0x361: {  	[tilespmem:$0x10050] =	vst v27  }
0x362: {  	[tilespmem:$0x100D0] =	vst v25  }
0x363: {  	[tilespmem:$0x10150] =	vst v23  }
0x364: {  	[tilespmem:$0x101D0] =	vst v22  }
0x365: {  	[tilespmem:$0x10250] =	vst v20  }
0x366: {  	[tilespmem:$0x10060] =	vst v18  }
0x367: {  	[tilespmem:$0x100E0] =	vst v17  }
0x368: {  	[tilespmem:$0x10160] =	vst v15  }
0x369: {  	[tilespmem:$0x101E0] =	vst v14  }
0x36a: {  	[tilespmem:$0x10260] =	vst v12  }
0x36b: {  	[tilespmem:$0x102E0] =	vst v11  }
0x36c: {  	[tilespmem:$0x10070] =	vst v8  }
0x36d: {  	[tilespmem:$0x100F0] =	vst v19  }
0x36e: {  	v1 =	vld [tilespmem:$0x1FFF0];
	[tilespmem:$0x101F0] =	vst v7  }
0x36f: {  	v52 =	vld [tilespmem:$0x1FFE0];
	[tilespmem:$0x10270] =	vst v4  }
0x370: {  	v53 =	vld [tilespmem:$0x1FFD0];
	[tilespmem:$0x102F0] =	vst v2  }
0x371: {  	v54 =	vld [tilespmem:$0x1FFC0];
	[tilespmem:$0x10370] =	vst v0  }
0x372: {  	v55 =	vld [tilespmem:$0x1FFB0];
	[tilespmem:$0x103F0] =	vst v21  }
0x373: {  	v56 =	vld [tilespmem:$0x1FFA0];
	[tilespmem:$0x10280] =	vst v1  }
0x374: {  	v57 =	vld [tilespmem:$0x1FF90];
	[tilespmem:$0x10390] =	vst v52  }
0x375: {  	v58 =	vld [tilespmem:$0x1FF80];
	[tilespmem:$0x103A0] =	vst v53  }
0x376: {  	v59 =	vld [tilespmem:$0x1FF70];
	[tilespmem:$0x103B0] =	vst v54  }
0x377: {  	v60 =	vld [tilespmem:$0x1FF60];
	[tilespmem:$0x102C0] =	vst v55  }
0x378: {  	v61 =	vld [tilespmem:$0x1FF50];
	[tilespmem:$0x10340] =	vst v56  }
0x379: {  	v62 =	vld [tilespmem:$0x1FF40];
	[tilespmem:$0x103C0] =	vst v57  }
0x37a: {  	v63 =	vld [tilespmem:$0x1FF30];
	[tilespmem:$0x102D0] =	vst v58  }
0x37b: {  	[tilespmem:$0x10350] =	vst v59  }
0x37c: {  	[tilespmem:$0x103D0] =	vst v60  }
0x37d: {  	s17 =	sadd.s32 $0x1, s17;
	[tilespmem:$0x10360] =	vst v61  }
0x37e: {  	p0 =	sne.s32 s17, s9;
	[tilespmem:$0x103E0] =	vst v62  }
.Ltmp17:
0x37f: {  	[tilespmem:$0x10170] =	vst v63;
	(pc) =	sbr.rel @p0 .LBB2_1-.Ltmp17, $4  }
0x380: {  	[hbm4b:s8+s3] =	stream.linear.scatter [tilespmem:s15], [sflag:$0x3], $0x400, $0x38;
	[tilespmem:$0x10400] =	vst v63  }
0x381: {  	_ =	swait.ge [sflag:s16], $0x400  }
0x382: {  	[sflag:s16] =	ssyncset.done $0x0  }
0x383: {  	[sflag:s16] =	ssyncadd.s32 $0xFFFFFC00  }
0x384: {  	_ =	sfence.sel $0x180000  }
0x385: {  	[bflag:$0x0] =	sbarrier.arrive $0xFFFF  }
0x386: {  	p0 =	sne.s32 s0, $0x0;
	_ =	strace $0x90000047  }
0x387: {  	s0 =	sadd.s32 @!p0 $0x100000, s1;
	[bflag:$0x2] =	sbarrier.arrive $0xFFFF  }
0x388: {  	[sflag:s0] =	ssyncadd.tile.s32 @!p0 $0x1;
	_ =	shalt  }
.Lfunc_end2:
_tile_overlayer_lowered:
.L_overlay_start_2:
0x389: {  	(tag) =	ssettag $0x2  }
0x38a: {  	s0 =	rddreg [dreg:$0x0];
	s2 =	stileid.u32  }
0x38b: {  	s1 =	rddreg [dreg:$0x1];
	p0 =	sne.s32 s2, $0x0  }
0x38c: {  	s3 =	rddreg [dreg:$0x2];
	[bflag:$0x3] =	sbarrier.arrive $0xFFFF;
	s2 =	simm.s32 @!p0 $0x1C03  }
0x38d: {  	[timem:s3], [sflag:s2] =	dma.local @!p0 [hbm:s0], s1  }
0x38e: {  	s0 =	simm.s32 @!p0 $0x3  }
0x38f: {  	_ =	swait.ge @!p0 [sflag:s0], s1  }
0x390: {  	s1 =	ssub.s32 @!p0 $0x0, s1;
	[sflag:s0] =	ssyncset.done @!p0 $0x0  }
0x391: {  	[sflag:s0] =	ssyncadd.s32 @!p0 s1  }
0x392: {  	[bflag:$0x3] =	sbarrier.arrive $0xFFFF  }
0x393: {  	_ =	shalt  }

</sc_bundles>
